<compile_context>
chip_gen: v7x
topology: tpu7x:2x2x1
jax: 0.10.2.dev20260603
libtpu: 0.0.44.dev20260713+nightly
codegen_flags: <defaults>
</compile_context>

<pallas_src>
import functools

import jax
import jax.numpy as jnp
from jax import lax
from jax.experimental import pallas as pl
from jax.experimental.pallas import tpu as pltpu
from jax.experimental.pallas import tpu_sc as plsc

LANES = 16
NWORKERS = 32
NBUF = 4
CHUNK = 128
DIM = 64
SEQP = 256


def _sc_pool(enc_flat, emb_table, cat0, cat1, cat2, add_flat, bsz, seq):
  bpw = bsz // NWORKERS
  ngrp = DIM // LANES
  mesh = plsc.VectorSubcoreMesh(core_axis_name="c", subcore_axis_name="s")

  @functools.partial(
      pl.kernel,
      out_type=(
          jax.ShapeDtypeStruct((bsz, DIM), jnp.float32),
          jax.ShapeDtypeStruct((bsz, DIM), jnp.float32),
      ),
      mesh=mesh,
      scratch_types=[
          pltpu.VMEM((NBUF * SEQP,), jnp.int32),
          pltpu.VMEM((NBUF, seq, DIM), jnp.float32),
          pltpu.VMEM((bpw, DIM), jnp.float32),
          pltpu.VMEM((3 * bpw,), jnp.int32),
          pltpu.VMEM((bpw, DIM), jnp.float32),
          pltpu.VMEM((bpw, DIM), jnp.float32),
          pltpu.VMEM((bpw, DIM), jnp.float32),
          pltpu.SemaphoreType.DMA,
          pltpu.SemaphoreType.DMA,
          pltpu.SemaphoreType.DMA,
          pltpu.SemaphoreType.DMA,
          pltpu.SemaphoreType.DMA,
          pltpu.SemaphoreType.DMA,
          pltpu.SemaphoreType.DMA,
          pltpu.SemaphoreType.DMA,
      ],
      compiler_params=pltpu.CompilerParams(use_tc_tiling_on_sc=False),
  )
  def k(enc_hbm, emb_hbm, c0_hbm, c1_hbm, c2_hbm, addt_hbm,
        sums_hbm, cats_hbm,
        enc_v, rows_v, acc_v, cidx_v, ca_v, cb_v, cc_v,
        se0, se1, se2, se3, sg0, sg1, sg2, sg3):
    sems_e = (se0, se1, se2, se3)
    sems_g = (sg0, sg1, sg2, sg3)
    wid = lax.axis_index("s") * 2 + lax.axis_index("c")
    base = wid * bpw

    def enc_desc(slot, row):
      return pltpu.make_async_copy(
          enc_hbm.at[pl.ds(row * SEQP, SEQP)],
          enc_v.at[pl.ds(slot * SEQP, SEQP)], sems_e[slot])

    def gather_descs(slot):
      return (
          pltpu.make_async_copy(
              emb_hbm.at[enc_v.at[pl.ds(slot * SEQP, CHUNK)]],
              rows_v.at[slot, pl.ds(0, CHUNK)], sems_g[slot]),
          pltpu.make_async_copy(
              emb_hbm.at[enc_v.at[pl.ds(slot * SEQP + CHUNK, seq - CHUNK)]],
              rows_v.at[slot, pl.ds(CHUNK, seq - CHUNK)], sems_g[slot]),
      )

    def fire(slot, row):
      enc_desc(slot, row).wait()
      for d in gather_descs(slot):
        d.start()

    for s in range(NBUF):
      enc_desc(s, base + s).start()
    fire(0, base)
    fire(1, base + 1)

    for j, (tab, dst) in enumerate(
        ((c0_hbm, ca_v), (c1_hbm, cb_v), (c2_hbm, cc_v))):
      pltpu.sync_copy(addt_hbm.at[pl.ds(j * bsz + base, bpw)],
                      cidx_v.at[pl.ds(j * bpw, bpw)])
      pltpu.sync_copy(tab.at[cidx_v.at[pl.ds(j * bpw, bpw)]], dst)

    @pl.loop(0, bpw, unroll=4)
    def _(b):
      for g in range(ngrp):
        sl = pl.ds(g * LANES, LANES)
        ca_v[b, sl] = ca_v[b, sl] + cb_v[b, sl] + cc_v[b, sl]

    pltpu.sync_copy(ca_v, cats_hbm.at[pl.ds(base, bpw)])

    @pl.loop(0, bpw // NBUF)
    def _(i):
      for s in range(NBUF):
        b_local = i * NBUF + s

        def stage():
          fire((s + 2) % NBUF, base + b_local + 2)
        if s < 2:
          stage()
        else:
          pl.when(i < bpw // NBUF - 1)(stage)

        for d in gather_descs(s):
          d.wait()

        zeros = (jnp.zeros((LANES,), jnp.float32),) * ngrp

        @pl.loop(0, seq, init_carry=zeros, unroll=8)
        def totals(t, carry):
          return tuple(
              c + rows_v[s, t, pl.ds(g * LANES, LANES)]
              for g, c in enumerate(carry))

        for g in range(ngrp):
          acc_v[b_local, pl.ds(g * LANES, LANES)] = totals[g]

        def refill():
          enc_desc(s, base + b_local + NBUF).start()
        pl.when(i < bpw // NBUF - 1)(refill)

    pltpu.sync_copy(acc_v, sums_hbm.at[pl.ds(base, bpw)])

  return k(enc_flat, emb_table, cat0, cat1, cat2, add_flat)


def _tc_head(sums, cats, encoded_text, w_t, bias):
  bsz, seq = encoded_text.shape
  dim = sums.shape[1]
  ncls = w_t.shape[1]
  blk = 256

  def body(sums_ref, cats_ref, enc_ref, wt_ref, b_ref, out_ref):
    cnt = jnp.sum((enc_ref[...] != 0).astype(jnp.float32), axis=1,
                  keepdims=True)
    x = jnp.where(cnt > 0.0, sums_ref[...] / cnt, 0.0)
    x = x + cats_ref[...]
    z = lax.dot_general(x, wt_ref[...], (((1,), (0,)), ((), ())),
                        preferred_element_type=jnp.float32)
    out_ref[...] = z + b_ref[...]

  return pl.pallas_call(
      body,
      grid=(bsz // blk,),
      in_specs=[
          pl.BlockSpec((blk, dim), lambda i: (i, 0)),
          pl.BlockSpec((blk, dim), lambda i: (i, 0)),
          pl.BlockSpec((blk, seq), lambda i: (i, 0)),
          pl.BlockSpec((dim, ncls), lambda i: (0, 0)),
          pl.BlockSpec((1, ncls), lambda i: (0, 0)),
      ],
      out_specs=pl.BlockSpec((blk, ncls), lambda i: (i, 0)),
      out_shape=jax.ShapeDtypeStruct((bsz, ncls), jnp.float32),
  )(sums, cats, encoded_text, w_t, bias)


def kernel(encoded_text, additional_inputs, emb_table, cat0, cat1, cat2, W, b):
  bsz, seq = encoded_text.shape
  enc_flat = jnp.pad(encoded_text, ((0, 0), (0, SEQP - seq))).reshape(-1)
  add_flat = additional_inputs.T.reshape(-1)
  sums, cats = _sc_pool(enc_flat, emb_table, cat0, cat1, cat2, add_flat,
                        bsz, seq)
  return _tc_head(sums, cats, encoded_text, W.T, b.reshape(1, -1))

# --- scband reference (transcript-rebuilt; emitter-appended) ---
"""Pipeline reference for scband-fast-text-model-17901423690558 (READ-ONLY COPY).

The authoritative reference and input builder live on the scoring server;
editing this copy changes nothing except your own understanding.
"""

import jax, jax.numpy as jnp
import numpy as np

VOCAB = 1000000
DIM = 64
B = 4096
S = 200
NUM_CLASSES = 1000
CAT_VOCABS = [1000, 10000, 100]


def setup_inputs(seed: int = 0) -> dict:
    key = jax.random.key(seed)
    ks = jax.random.split(key, 8)
    encoded_text = jax.random.randint(ks[0], (B, S), 0, VOCAB, dtype=jnp.int32)
    additional_inputs = jax.random.randint(ks[1], (B, 3), 0, min(CAT_VOCABS), dtype=jnp.int32)
    emb_table = jax.random.normal(ks[2], (VOCAB, DIM), dtype=jnp.float32) * 0.02
    emb_table = emb_table.at[0].set(0.0)  # padding_idx=0 row is zeros
    cat0 = jax.random.normal(ks[3], (CAT_VOCABS[0], DIM), dtype=jnp.float32) * 0.02
    cat1 = jax.random.normal(ks[4], (CAT_VOCABS[1], DIM), dtype=jnp.float32) * 0.02
    cat2 = jax.random.normal(ks[5], (CAT_VOCABS[2], DIM), dtype=jnp.float32) * 0.02
    W = jax.random.normal(ks[6], (NUM_CLASSES, DIM), dtype=jnp.float32) * 0.02
    b = jnp.zeros((NUM_CLASSES,), dtype=jnp.float32)
    return {
        "encoded_text": encoded_text,
        "additional_inputs": additional_inputs,
        "emb_table": emb_table,
        "cat0": cat0,
        "cat1": cat1,
        "cat2": cat2,
        "W": W,
        "b": b,
    }


def reference(encoded_text, additional_inputs, emb_table, cat0, cat1, cat2, W, b):
    # text embedding lookup: [B, S, D]
    x_1 = jnp.take(emb_table, encoded_text, axis=0)
    # mean over non-padding tokens (direct_bagging=False path)
    non_zero_tokens = (x_1.sum(-1) != 0).sum(-1)  # [B]
    x_1 = x_1.sum(axis=-2)  # [B, D]
    x_1 = x_1 / non_zero_tokens[:, None].astype(jnp.float32)
    x_1 = jnp.nan_to_num(x_1)
    # categorical embeddings: same dim as text embedding, summed into x_1
    x_cat0 = jnp.take(cat0, additional_inputs[:, 0], axis=0)
    x_cat1 = jnp.take(cat1, additional_inputs[:, 1], axis=0)
    x_cat2 = jnp.take(cat2, additional_inputs[:, 2], axis=0)
    x_in = x_1 + jnp.stack([x_cat0, x_cat1, x_cat2], axis=0).sum(axis=0)
    z = x_in @ W.T + b
    return z

if __name__ == "__main__":
    import jax
    _d = setup_inputs()
    print(jax.jit(kernel)(*tuple(_d.values())))

</pallas_src>

<mosaic_0001>
#map = affine_map<(d0, d1) -> (0)>
#map1 = affine_map<(d0, d1) -> (0, 0)>
module attributes {stable_mosaic.version = 14 : i64} {
  func.func @k(%arg0: i32, %arg1: i32, %arg2: memref<1048576xi32, #tpu.memory_space<hbm>>, %arg3: memref<1000000x64xf32, #tpu.memory_space<hbm>>, %arg4: memref<1000x64xf32, #tpu.memory_space<hbm>>, %arg5: memref<10000x64xf32, #tpu.memory_space<hbm>>, %arg6: memref<100x64xf32, #tpu.memory_space<hbm>>, %arg7: memref<12288xi32, #tpu.memory_space<hbm>>, %arg8: memref<4096x64xf32, #tpu.memory_space<hbm>>, %arg9: memref<4096x64xf32, #tpu.memory_space<hbm>>, %arg10: memref<1024xi32, #tpu.memory_space<vmem>>, %arg11: memref<4x200x64xf32, #tpu.memory_space<vmem>>, %arg12: memref<128x64xf32, #tpu.memory_space<vmem>>, %arg13: memref<384xi32, #tpu.memory_space<vmem>>, %arg14: memref<128x64xf32, #tpu.memory_space<vmem>>, %arg15: memref<128x64xf32, #tpu.memory_space<vmem>>, %arg16: memref<128x64xf32, #tpu.memory_space<vmem>>, %arg17: memref<!tpu.dma_semaphore, #tpu.memory_space<semaphore_mem>>, %arg18: memref<!tpu.dma_semaphore, #tpu.memory_space<semaphore_mem>>, %arg19: memref<!tpu.dma_semaphore, #tpu.memory_space<semaphore_mem>>, %arg20: memref<!tpu.dma_semaphore, #tpu.memory_space<semaphore_mem>>, %arg21: memref<!tpu.dma_semaphore, #tpu.memory_space<semaphore_mem>>, %arg22: memref<!tpu.dma_semaphore, #tpu.memory_space<semaphore_mem>>, %arg23: memref<!tpu.dma_semaphore, #tpu.memory_space<semaphore_mem>>, %arg24: memref<!tpu.dma_semaphore, #tpu.memory_space<semaphore_mem>>) attributes {dimension_semantics = [#tpu.dimension_semantics<core_parallel>, #tpu.dimension_semantics<subcore_parallel>], iteration_bounds = array<i64: 2, 16>, scalar_prefetch = 0 : i64, scratch_operands = 15 : i64, tpu.core_type = #tpu.core_type<sc_vector_subcore>, window_params = [{transform_indices = #map}, {transform_indices = #map1}, {transform_indices = #map1}, {transform_indices = #map1}, {transform_indices = #map1}, {transform_indices = #map}, {transform_indices = #map1}, {transform_indices = #map1}]} {
    %mul3A = arith.constant 2 : i32
    %mul3A_0 = arith.muli %arg1, %mul3A : i32
    %add3A = arith.addi %mul3A_0, %arg0 : i32
    %mul3A_1 = arith.constant 128 : i32
    %mul3A_2 = arith.muli %add3A, %mul3A_1 : i32
    %add3A_3 = arith.constant 0 : i32
    %add3A_4 = arith.addi %mul3A_2, %add3A_3 : i32
    %mul3A_5 = arith.constant 256 : i32
    %mul3A_6 = arith.muli %add3A_4, %mul3A_5 : i32
    %dma_start3A = arith.constant 0 : i32
    %dma_start3A_7 = tpu.memref_slice %arg10[%dma_start3A] : memref<1024xi32, #tpu.memory_space<vmem>> -> memref<256xi32, #tpu.memory_space<vmem>>
    %dma_start3A_8 = tpu.memref_slice %arg2[%mul3A_6] : memref<1048576xi32, #tpu.memory_space<hbm>> -> memref<256xi32, #tpu.memory_space<hbm>>
    %dma_start3A_9 = arith.constant 0 : i32
    %dma_start3A_10 = tpu.memref_slice %arg10[%dma_start3A_9] : memref<1024xi32, #tpu.memory_space<vmem>> -> memref<256xi32, #tpu.memory_space<vmem>>
    %dma_start3A_11 = tpu.memref_slice %arg2[%mul3A_6] : memref<1048576xi32, #tpu.memory_space<hbm>> -> memref<256xi32, #tpu.memory_space<hbm>>
    tpu.enqueue_dma source(%dma_start3A_11 : memref<256xi32, #tpu.memory_space<hbm>>) target(%dma_start3A_10 : memref<256xi32, #tpu.memory_space<vmem>>) target_semaphore(%arg17 : memref<!tpu.dma_semaphore, #tpu.memory_space<semaphore_mem>>)
    %add3A_12 = arith.constant 1 : i32
    %add3A_13 = arith.addi %mul3A_2, %add3A_12 : i32
    %mul3A_14 = arith.constant 256 : i32
    %mul3A_15 = arith.muli %add3A_13, %mul3A_14 : i32
    %dma_start3A_16 = arith.constant 256 : i32
    %dma_start3A_17 = tpu.memref_slice %arg10[%dma_start3A_16] : memref<1024xi32, #tpu.memory_space<vmem>> -> memref<256xi32, #tpu.memory_space<vmem>>
    %dma_start3A_18 = tpu.memref_slice %arg2[%mul3A_15] : memref<1048576xi32, #tpu.memory_space<hbm>> -> memref<256xi32, #tpu.memory_space<hbm>>
    %dma_start3A_19 = arith.constant 256 : i32
    %dma_start3A_20 = tpu.memref_slice %arg10[%dma_start3A_19] : memref<1024xi32, #tpu.memory_space<vmem>> -> memref<256xi32, #tpu.memory_space<vmem>>
    %dma_start3A_21 = tpu.memref_slice %arg2[%mul3A_15] : memref<1048576xi32, #tpu.memory_space<hbm>> -> memref<256xi32, #tpu.memory_space<hbm>>
    tpu.enqueue_dma source(%dma_start3A_21 : memref<256xi32, #tpu.memory_space<hbm>>) target(%dma_start3A_20 : memref<256xi32, #tpu.memory_space<vmem>>) target_semaphore(%arg18 : memref<!tpu.dma_semaphore, #tpu.memory_space<semaphore_mem>>)
    %add3A_22 = arith.constant 2 : i32
    %add3A_23 = arith.addi %mul3A_2, %add3A_22 : i32
    %mul3A_24 = arith.constant 256 : i32
    %mul3A_25 = arith.muli %add3A_23, %mul3A_24 : i32
    %dma_start3A_26 = arith.constant 512 : i32
    %dma_start3A_27 = tpu.memref_slice %arg10[%dma_start3A_26] : memref<1024xi32, #tpu.memory_space<vmem>> -> memref<256xi32, #tpu.memory_space<vmem>>
    %dma_start3A_28 = tpu.memref_slice %arg2[%mul3A_25] : memref<1048576xi32, #tpu.memory_space<hbm>> -> memref<256xi32, #tpu.memory_space<hbm>>
    %dma_start3A_29 = arith.constant 512 : i32
    %dma_start3A_30 = tpu.memref_slice %arg10[%dma_start3A_29] : memref<1024xi32, #tpu.memory_space<vmem>> -> memref<256xi32, #tpu.memory_space<vmem>>
    %dma_start3A_31 = tpu.memref_slice %arg2[%mul3A_25] : memref<1048576xi32, #tpu.memory_space<hbm>> -> memref<256xi32, #tpu.memory_space<hbm>>
    tpu.enqueue_dma source(%dma_start3A_31 : memref<256xi32, #tpu.memory_space<hbm>>) target(%dma_start3A_30 : memref<256xi32, #tpu.memory_space<vmem>>) target_semaphore(%arg19 : memref<!tpu.dma_semaphore, #tpu.memory_space<semaphore_mem>>)
    %add3A_32 = arith.constant 3 : i32
    %add3A_33 = arith.addi %mul3A_2, %add3A_32 : i32
    %mul3A_34 = arith.constant 256 : i32
    %mul3A_35 = arith.muli %add3A_33, %mul3A_34 : i32
    %dma_start3A_36 = arith.constant 768 : i32
    %dma_start3A_37 = tpu.memref_slice %arg10[%dma_start3A_36] : memref<1024xi32, #tpu.memory_space<vmem>> -> memref<256xi32, #tpu.memory_space<vmem>>
    %dma_start3A_38 = tpu.memref_slice %arg2[%mul3A_35] : memref<1048576xi32, #tpu.memory_space<hbm>> -> memref<256xi32, #tpu.memory_space<hbm>>
    %dma_start3A_39 = arith.constant 768 : i32
    %dma_start3A_40 = tpu.memref_slice %arg10[%dma_start3A_39] : memref<1024xi32, #tpu.memory_space<vmem>> -> memref<256xi32, #tpu.memory_space<vmem>>
    %dma_start3A_41 = tpu.memref_slice %arg2[%mul3A_35] : memref<1048576xi32, #tpu.memory_space<hbm>> -> memref<256xi32, #tpu.memory_space<hbm>>
    tpu.enqueue_dma source(%dma_start3A_41 : memref<256xi32, #tpu.memory_space<hbm>>) target(%dma_start3A_40 : memref<256xi32, #tpu.memory_space<vmem>>) target_semaphore(%arg20 : memref<!tpu.dma_semaphore, #tpu.memory_space<semaphore_mem>>)
    %mul3A_42 = arith.constant 256 : i32
    %mul3A_43 = arith.muli %mul3A_2, %mul3A_42 : i32
    %dma_wait3A = arith.constant 0 : i32
    %dma_wait3A_44 = tpu.memref_slice %arg10[%dma_wait3A] : memref<1024xi32, #tpu.memory_space<vmem>> -> memref<256xi32, #tpu.memory_space<vmem>>
    %dma_wait3A_45 = tpu.memref_slice %arg2[%mul3A_43] : memref<1048576xi32, #tpu.memory_space<hbm>> -> memref<256xi32, #tpu.memory_space<hbm>>
    %dma_wait3A_46 = arith.constant 0 : i32
    %dma_wait3A_47 = tpu.memref_slice %arg10[%dma_wait3A_46] : memref<1024xi32, #tpu.memory_space<vmem>> -> memref<256xi32, #tpu.memory_space<vmem>>
    %dma_wait3A_48 = tpu.memref_slice %arg2[%mul3A_43] : memref<1048576xi32, #tpu.memory_space<hbm>> -> memref<256xi32, #tpu.memory_space<hbm>>
    tpu.wait_dma2 semaphore(%arg17 : memref<!tpu.dma_semaphore, #tpu.memory_space<semaphore_mem>>) src(%dma_wait3A_48 : memref<256xi32, #tpu.memory_space<hbm>>) dst(%dma_wait3A_47 : memref<256xi32, #tpu.memory_space<vmem>>)
    %dma_start3A_49 = arith.constant 0 : i32
    %dma_start3A_50 = arith.constant 0 : i32
    %dma_start3A_51 = arith.constant 0 : i32
    %dma_start3A_52 = tpu.memref_slice %arg11[%dma_start3A_49, %dma_start3A_50, %dma_start3A_51] : memref<4x200x64xf32, #tpu.memory_space<vmem>> -> memref<1x128x64xf32, #tpu.memory_space<vmem>>
    %dma_start3A_53 = tpu.memref_squeeze %dma_start3A_52 : memref<1x128x64xf32, #tpu.memory_space<vmem>> -> memref<128x64xf32, #tpu.memory_space<vmem>>
    %dma_start3A_54 = arith.constant 0 : i32
    %dma_start3A_55 = tpu.memref_slice %arg10[%dma_start3A_54] : memref<1024xi32, #tpu.memory_space<vmem>> -> memref<128xi32, #tpu.memory_space<vmem>>
    %dma_start3A_56 = arith.constant 0 : i32
    %dma_start3A_57 = arith.constant 0 : i32
    %dma_start3A_58 = tpu.memref_slice %arg3[%dma_start3A_56, %dma_start3A_57] : memref<1000000x64xf32, #tpu.memory_space<hbm>> -> memref<1000000x64xf32, #tpu.memory_space<hbm>>
    tpu.enqueue_indirect_dma source(%dma_start3A_58 : memref<1000000x64xf32, #tpu.memory_space<hbm>>) target(%dma_start3A_53 : memref<128x64xf32, #tpu.memory_space<vmem>>) offsets(%dma_start3A_55 : memref<128xi32, #tpu.memory_space<vmem>>) semaphore(%arg21 : memref<!tpu.dma_semaphore, #tpu.memory_space<semaphore_mem>>)
    %dma_start3A_59 = arith.constant 0 : i32
    %dma_start3A_60 = arith.constant 128 : i32
    %dma_start3A_61 = arith.constant 0 : i32
    %dma_start3A_62 = tpu.memref_slice %arg11[%dma_start3A_59, %dma_start3A_60, %dma_start3A_61] : memref<4x200x64xf32, #tpu.memory_space<vmem>> -> memref<1x72x64xf32, #tpu.memory_space<vmem>>
    %dma_start3A_63 = tpu.memref_squeeze %dma_start3A_62 : memref<1x72x64xf32, #tpu.memory_space<vmem>> -> memref<72x64xf32, #tpu.memory_space<vmem>>
    %dma_start3A_64 = arith.constant 128 : i32
    %dma_start3A_65 = tpu.memref_slice %arg10[%dma_start3A_64] : memref<1024xi32, #tpu.memory_space<vmem>> -> memref<72xi32, #tpu.memory_space<vmem>>
    %dma_start3A_66 = arith.constant 0 : i32
    %dma_start3A_67 = arith.constant 0 : i32
    %dma_start3A_68 = tpu.memref_slice %arg3[%dma_start3A_66, %dma_start3A_67] : memref<1000000x64xf32, #tpu.memory_space<hbm>> -> memref<1000000x64xf32, #tpu.memory_space<hbm>>
    tpu.enqueue_indirect_dma source(%dma_start3A_68 : memref<1000000x64xf32, #tpu.memory_space<hbm>>) target(%dma_start3A_63 : memref<72x64xf32, #tpu.memory_space<vmem>>) offsets(%dma_start3A_65 : memref<72xi32, #tpu.memory_space<vmem>>) semaphore(%arg21 : memref<!tpu.dma_semaphore, #tpu.memory_space<semaphore_mem>>)
    %add3A_69 = arith.constant 1 : i32
    %add3A_70 = arith.addi %mul3A_2, %add3A_69 : i32
    %mul3A_71 = arith.constant 256 : i32
    %mul3A_72 = arith.muli %add3A_70, %mul3A_71 : i32
    %dma_wait3A_73 = arith.constant 256 : i32
    %dma_wait3A_74 = tpu.memref_slice %arg10[%dma_wait3A_73] : memref<1024xi32, #tpu.memory_space<vmem>> -> memref<256xi32, #tpu.memory_space<vmem>>
    %dma_wait3A_75 = tpu.memref_slice %arg2[%mul3A_72] : memref<1048576xi32, #tpu.memory_space<hbm>> -> memref<256xi32, #tpu.memory_space<hbm>>
    %dma_wait3A_76 = arith.constant 256 : i32
    %dma_wait3A_77 = tpu.memref_slice %arg10[%dma_wait3A_76] : memref<1024xi32, #tpu.memory_space<vmem>> -> memref<256xi32, #tpu.memory_space<vmem>>
    %dma_wait3A_78 = tpu.memref_slice %arg2[%mul3A_72] : memref<1048576xi32, #tpu.memory_space<hbm>> -> memref<256xi32, #tpu.memory_space<hbm>>
    tpu.wait_dma2 semaphore(%arg18 : memref<!tpu.dma_semaphore, #tpu.memory_space<semaphore_mem>>) src(%dma_wait3A_78 : memref<256xi32, #tpu.memory_space<hbm>>) dst(%dma_wait3A_77 : memref<256xi32, #tpu.memory_space<vmem>>)
    %dma_start3A_79 = arith.constant 1 : i32
    %dma_start3A_80 = arith.constant 0 : i32
    %dma_start3A_81 = arith.constant 0 : i32
    %dma_start3A_82 = tpu.memref_slice %arg11[%dma_start3A_79, %dma_start3A_80, %dma_start3A_81] : memref<4x200x64xf32, #tpu.memory_space<vmem>> -> memref<1x128x64xf32, #tpu.memory_space<vmem>>
    %dma_start3A_83 = tpu.memref_squeeze %dma_start3A_82 : memref<1x128x64xf32, #tpu.memory_space<vmem>> -> memref<128x64xf32, #tpu.memory_space<vmem>>
    %dma_start3A_84 = arith.constant 256 : i32
    %dma_start3A_85 = tpu.memref_slice %arg10[%dma_start3A_84] : memref<1024xi32, #tpu.memory_space<vmem>> -> memref<128xi32, #tpu.memory_space<vmem>>
    %dma_start3A_86 = arith.constant 0 : i32
    %dma_start3A_87 = arith.constant 0 : i32
    %dma_start3A_88 = tpu.memref_slice %arg3[%dma_start3A_86, %dma_start3A_87] : memref<1000000x64xf32, #tpu.memory_space<hbm>> -> memref<1000000x64xf32, #tpu.memory_space<hbm>>
    tpu.enqueue_indirect_dma source(%dma_start3A_88 : memref<1000000x64xf32, #tpu.memory_space<hbm>>) target(%dma_start3A_83 : memref<128x64xf32, #tpu.memory_space<vmem>>) offsets(%dma_start3A_85 : memref<128xi32, #tpu.memory_space<vmem>>) semaphore(%arg22 : memref<!tpu.dma_semaphore, #tpu.memory_space<semaphore_mem>>)
    %dma_start3A_89 = arith.constant 1 : i32
    %dma_start3A_90 = arith.constant 128 : i32
    %dma_start3A_91 = arith.constant 0 : i32
    %dma_start3A_92 = tpu.memref_slice %arg11[%dma_start3A_89, %dma_start3A_90, %dma_start3A_91] : memref<4x200x64xf32, #tpu.memory_space<vmem>> -> memref<1x72x64xf32, #tpu.memory_space<vmem>>
    %dma_start3A_93 = tpu.memref_squeeze %dma_start3A_92 : memref<1x72x64xf32, #tpu.memory_space<vmem>> -> memref<72x64xf32, #tpu.memory_space<vmem>>
    %dma_start3A_94 = arith.constant 384 : i32
    %dma_start3A_95 = tpu.memref_slice %arg10[%dma_start3A_94] : memref<1024xi32, #tpu.memory_space<vmem>> -> memref<72xi32, #tpu.memory_space<vmem>>
    %dma_start3A_96 = arith.constant 0 : i32
    %dma_start3A_97 = arith.constant 0 : i32
    %dma_start3A_98 = tpu.memref_slice %arg3[%dma_start3A_96, %dma_start3A_97] : memref<1000000x64xf32, #tpu.memory_space<hbm>> -> memref<1000000x64xf32, #tpu.memory_space<hbm>>
    tpu.enqueue_indirect_dma source(%dma_start3A_98 : memref<1000000x64xf32, #tpu.memory_space<hbm>>) target(%dma_start3A_93 : memref<72x64xf32, #tpu.memory_space<vmem>>) offsets(%dma_start3A_95 : memref<72xi32, #tpu.memory_space<vmem>>) semaphore(%arg22 : memref<!tpu.dma_semaphore, #tpu.memory_space<semaphore_mem>>)
    %add3A_99 = arith.constant 0 : i32
    %add3A_100 = arith.addi %add3A_99, %mul3A_2 : i32
    "tpu.region"() ({
      %run_scoped3A = tpu.sem_alloc : memref<!tpu.dma_semaphore, #tpu.memory_space<semaphore_mem>>
      %dma_start3A_114 = arith.constant 0 : i32
      %dma_start3A_115 = tpu.memref_slice %arg13[%dma_start3A_114] : memref<384xi32, #tpu.memory_space<vmem>> -> memref<128xi32, #tpu.memory_space<vmem>>
      %dma_start3A_116 = tpu.memref_slice %arg7[%add3A_100] : memref<12288xi32, #tpu.memory_space<hbm>> -> memref<128xi32, #tpu.memory_space<hbm>>
      %dma_start3A_117 = arith.constant 0 : i32
      %dma_start3A_118 = tpu.memref_slice %arg13[%dma_start3A_117] : memref<384xi32, #tpu.memory_space<vmem>> -> memref<128xi32, #tpu.memory_space<vmem>>
      %dma_start3A_119 = tpu.memref_slice %arg7[%add3A_100] : memref<12288xi32, #tpu.memory_space<hbm>> -> memref<128xi32, #tpu.memory_space<hbm>>
      tpu.enqueue_dma source(%dma_start3A_119 : memref<128xi32, #tpu.memory_space<hbm>>) target(%dma_start3A_118 : memref<128xi32, #tpu.memory_space<vmem>>) target_semaphore(%run_scoped3A : memref<!tpu.dma_semaphore, #tpu.memory_space<semaphore_mem>>)
      %dma_wait3A_120 = arith.constant 0 : i32
      %dma_wait3A_121 = tpu.memref_slice %arg13[%dma_wait3A_120] : memref<384xi32, #tpu.memory_space<vmem>> -> memref<128xi32, #tpu.memory_space<vmem>>
      %dma_wait3A_122 = tpu.memref_slice %arg7[%add3A_100] : memref<12288xi32, #tpu.memory_space<hbm>> -> memref<128xi32, #tpu.memory_space<hbm>>
      %dma_wait3A_123 = arith.constant 0 : i32
      %dma_wait3A_124 = tpu.memref_slice %arg13[%dma_wait3A_123] : memref<384xi32, #tpu.memory_space<vmem>> -> memref<128xi32, #tpu.memory_space<vmem>>
      %dma_wait3A_125 = tpu.memref_slice %arg7[%add3A_100] : memref<12288xi32, #tpu.memory_space<hbm>> -> memref<128xi32, #tpu.memory_space<hbm>>
      tpu.wait_dma2 semaphore(%run_scoped3A : memref<!tpu.dma_semaphore, #tpu.memory_space<semaphore_mem>>) src(%dma_wait3A_125 : memref<128xi32, #tpu.memory_space<hbm>>) dst(%dma_wait3A_124 : memref<128xi32, #tpu.memory_space<vmem>>)
      tpu.yield
    }) : () -> ()
    "tpu.region"() ({
      %run_scoped3A = tpu.sem_alloc : memref<!tpu.dma_semaphore, #tpu.memory_space<semaphore_mem>>
      %dma_start3A_114 = arith.constant 0 : i32
      %dma_start3A_115 = tpu.memref_slice %arg13[%dma_start3A_114] : memref<384xi32, #tpu.memory_space<vmem>> -> memref<128xi32, #tpu.memory_space<vmem>>
      %dma_start3A_116 = arith.constant 0 : i32
      %dma_start3A_117 = arith.constant 0 : i32
      %dma_start3A_118 = tpu.memref_slice %arg4[%dma_start3A_116, %dma_start3A_117] : memref<1000x64xf32, #tpu.memory_space<hbm>> -> memref<1000x64xf32, #tpu.memory_space<hbm>>
      tpu.enqueue_indirect_dma source(%dma_start3A_118 : memref<1000x64xf32, #tpu.memory_space<hbm>>) target(%arg14 : memref<128x64xf32, #tpu.memory_space<vmem>>) offsets(%dma_start3A_115 : memref<128xi32, #tpu.memory_space<vmem>>) semaphore(%run_scoped3A : memref<!tpu.dma_semaphore, #tpu.memory_space<semaphore_mem>>)
      %dma_wait3A_119 = arith.constant 0 : i32
      %dma_wait3A_120 = tpu.memref_slice %arg13[%dma_wait3A_119] : memref<384xi32, #tpu.memory_space<vmem>> -> memref<128xi32, #tpu.memory_space<vmem>>
      %dma_wait3A_121 = arith.constant 0 : i32
      %dma_wait3A_122 = arith.constant 0 : i32
      %dma_wait3A_123 = tpu.memref_slice %arg4[%dma_wait3A_121, %dma_wait3A_122] : memref<1000x64xf32, #tpu.memory_space<hbm>> -> memref<1000x64xf32, #tpu.memory_space<hbm>>
      tpu.wait_indirect_dma semaphore(%run_scoped3A : memref<!tpu.dma_semaphore, #tpu.memory_space<semaphore_mem>>) src(%dma_wait3A_123 : memref<1000x64xf32, #tpu.memory_space<hbm>>) dst(%arg14 : memref<128x64xf32, #tpu.memory_space<vmem>>)
      tpu.yield
    }) : () -> ()
    %add3A_101 = arith.constant 4096 : i32
    %add3A_102 = arith.addi %add3A_101, %mul3A_2 : i32
    "tpu.region"() ({
      %run_scoped3A = tpu.sem_alloc : memref<!tpu.dma_semaphore, #tpu.memory_space<semaphore_mem>>
      %dma_start3A_114 = arith.constant 128 : i32
      %dma_start3A_115 = tpu.memref_slice %arg13[%dma_start3A_114] : memref<384xi32, #tpu.memory_space<vmem>> -> memref<128xi32, #tpu.memory_space<vmem>>
      %dma_start3A_116 = tpu.memref_slice %arg7[%add3A_102] : memref<12288xi32, #tpu.memory_space<hbm>> -> memref<128xi32, #tpu.memory_space<hbm>>
      %dma_start3A_117 = arith.constant 128 : i32
      %dma_start3A_118 = tpu.memref_slice %arg13[%dma_start3A_117] : memref<384xi32, #tpu.memory_space<vmem>> -> memref<128xi32, #tpu.memory_space<vmem>>
      %dma_start3A_119 = tpu.memref_slice %arg7[%add3A_102] : memref<12288xi32, #tpu.memory_space<hbm>> -> memref<128xi32, #tpu.memory_space<hbm>>
      tpu.enqueue_dma source(%dma_start3A_119 : memref<128xi32, #tpu.memory_space<hbm>>) target(%dma_start3A_118 : memref<128xi32, #tpu.memory_space<vmem>>) target_semaphore(%run_scoped3A : memref<!tpu.dma_semaphore, #tpu.memory_space<semaphore_mem>>)
      %dma_wait3A_120 = arith.constant 128 : i32
      %dma_wait3A_121 = tpu.memref_slice %arg13[%dma_wait3A_120] : memref<384xi32, #tpu.memory_space<vmem>> -> memref<128xi32, #tpu.memory_space<vmem>>
      %dma_wait3A_122 = tpu.memref_slice %arg7[%add3A_102] : memref<12288xi32, #tpu.memory_space<hbm>> -> memref<128xi32, #tpu.memory_space<hbm>>
      %dma_wait3A_123 = arith.constant 128 : i32
      %dma_wait3A_124 = tpu.memref_slice %arg13[%dma_wait3A_123] : memref<384xi32, #tpu.memory_space<vmem>> -> memref<128xi32, #tpu.memory_space<vmem>>
      %dma_wait3A_125 = tpu.memref_slice %arg7[%add3A_102] : memref<12288xi32, #tpu.memory_space<hbm>> -> memref<128xi32, #tpu.memory_space<hbm>>
      tpu.wait_dma2 semaphore(%run_scoped3A : memref<!tpu.dma_semaphore, #tpu.memory_space<semaphore_mem>>) src(%dma_wait3A_125 : memref<128xi32, #tpu.memory_space<hbm>>) dst(%dma_wait3A_124 : memref<128xi32, #tpu.memory_space<vmem>>)
      tpu.yield
    }) : () -> ()
    "tpu.region"() ({
      %run_scoped3A = tpu.sem_alloc : memref<!tpu.dma_semaphore, #tpu.memory_space<semaphore_mem>>
      %dma_start3A_114 = arith.constant 128 : i32
      %dma_start3A_115 = tpu.memref_slice %arg13[%dma_start3A_114] : memref<384xi32, #tpu.memory_space<vmem>> -> memref<128xi32, #tpu.memory_space<vmem>>
      %dma_start3A_116 = arith.constant 0 : i32
      %dma_start3A_117 = arith.constant 0 : i32
      %dma_start3A_118 = tpu.memref_slice %arg5[%dma_start3A_116, %dma_start3A_117] : memref<10000x64xf32, #tpu.memory_space<hbm>> -> memref<10000x64xf32, #tpu.memory_space<hbm>>
      tpu.enqueue_indirect_dma source(%dma_start3A_118 : memref<10000x64xf32, #tpu.memory_space<hbm>>) target(%arg15 : memref<128x64xf32, #tpu.memory_space<vmem>>) offsets(%dma_start3A_115 : memref<128xi32, #tpu.memory_space<vmem>>) semaphore(%run_scoped3A : memref<!tpu.dma_semaphore, #tpu.memory_space<semaphore_mem>>)
      %dma_wait3A_119 = arith.constant 128 : i32
      %dma_wait3A_120 = tpu.memref_slice %arg13[%dma_wait3A_119] : memref<384xi32, #tpu.memory_space<vmem>> -> memref<128xi32, #tpu.memory_space<vmem>>
      %dma_wait3A_121 = arith.constant 0 : i32
      %dma_wait3A_122 = arith.constant 0 : i32
      %dma_wait3A_123 = tpu.memref_slice %arg5[%dma_wait3A_121, %dma_wait3A_122] : memref<10000x64xf32, #tpu.memory_space<hbm>> -> memref<10000x64xf32, #tpu.memory_space<hbm>>
      tpu.wait_indirect_dma semaphore(%run_scoped3A : memref<!tpu.dma_semaphore, #tpu.memory_space<semaphore_mem>>) src(%dma_wait3A_123 : memref<10000x64xf32, #tpu.memory_space<hbm>>) dst(%arg15 : memref<128x64xf32, #tpu.memory_space<vmem>>)
      tpu.yield
    }) : () -> ()
    %add3A_103 = arith.constant 8192 : i32
    %add3A_104 = arith.addi %add3A_103, %mul3A_2 : i32
    "tpu.region"() ({
      %run_scoped3A = tpu.sem_alloc : memref<!tpu.dma_semaphore, #tpu.memory_space<semaphore_mem>>
      %dma_start3A_114 = arith.constant 256 : i32
      %dma_start3A_115 = tpu.memref_slice %arg13[%dma_start3A_114] : memref<384xi32, #tpu.memory_space<vmem>> -> memref<128xi32, #tpu.memory_space<vmem>>
      %dma_start3A_116 = tpu.memref_slice %arg7[%add3A_104] : memref<12288xi32, #tpu.memory_space<hbm>> -> memref<128xi32, #tpu.memory_space<hbm>>
      %dma_start3A_117 = arith.constant 256 : i32
      %dma_start3A_118 = tpu.memref_slice %arg13[%dma_start3A_117] : memref<384xi32, #tpu.memory_space<vmem>> -> memref<128xi32, #tpu.memory_space<vmem>>
      %dma_start3A_119 = tpu.memref_slice %arg7[%add3A_104] : memref<12288xi32, #tpu.memory_space<hbm>> -> memref<128xi32, #tpu.memory_space<hbm>>
      tpu.enqueue_dma source(%dma_start3A_119 : memref<128xi32, #tpu.memory_space<hbm>>) target(%dma_start3A_118 : memref<128xi32, #tpu.memory_space<vmem>>) target_semaphore(%run_scoped3A : memref<!tpu.dma_semaphore, #tpu.memory_space<semaphore_mem>>)
      %dma_wait3A_120 = arith.constant 256 : i32
      %dma_wait3A_121 = tpu.memref_slice %arg13[%dma_wait3A_120] : memref<384xi32, #tpu.memory_space<vmem>> -> memref<128xi32, #tpu.memory_space<vmem>>
      %dma_wait3A_122 = tpu.memref_slice %arg7[%add3A_104] : memref<12288xi32, #tpu.memory_space<hbm>> -> memref<128xi32, #tpu.memory_space<hbm>>
      %dma_wait3A_123 = arith.constant 256 : i32
      %dma_wait3A_124 = tpu.memref_slice %arg13[%dma_wait3A_123] : memref<384xi32, #tpu.memory_space<vmem>> -> memref<128xi32, #tpu.memory_space<vmem>>
      %dma_wait3A_125 = tpu.memref_slice %arg7[%add3A_104] : memref<12288xi32, #tpu.memory_space<hbm>> -> memref<128xi32, #tpu.memory_space<hbm>>
      tpu.wait_dma2 semaphore(%run_scoped3A : memref<!tpu.dma_semaphore, #tpu.memory_space<semaphore_mem>>) src(%dma_wait3A_125 : memref<128xi32, #tpu.memory_space<hbm>>) dst(%dma_wait3A_124 : memref<128xi32, #tpu.memory_space<vmem>>)
      tpu.yield
    }) : () -> ()
    "tpu.region"() ({
      %run_scoped3A = tpu.sem_alloc : memref<!tpu.dma_semaphore, #tpu.memory_space<semaphore_mem>>
      %dma_start3A_114 = arith.constant 256 : i32
      %dma_start3A_115 = tpu.memref_slice %arg13[%dma_start3A_114] : memref<384xi32, #tpu.memory_space<vmem>> -> memref<128xi32, #tpu.memory_space<vmem>>
      %dma_start3A_116 = arith.constant 0 : i32
      %dma_start3A_117 = arith.constant 0 : i32
      %dma_start3A_118 = tpu.memref_slice %arg6[%dma_start3A_116, %dma_start3A_117] : memref<100x64xf32, #tpu.memory_space<hbm>> -> memref<100x64xf32, #tpu.memory_space<hbm>>
      tpu.enqueue_indirect_dma source(%dma_start3A_118 : memref<100x64xf32, #tpu.memory_space<hbm>>) target(%arg16 : memref<128x64xf32, #tpu.memory_space<vmem>>) offsets(%dma_start3A_115 : memref<128xi32, #tpu.memory_space<vmem>>) semaphore(%run_scoped3A : memref<!tpu.dma_semaphore, #tpu.memory_space<semaphore_mem>>)
      %dma_wait3A_119 = arith.constant 256 : i32
      %dma_wait3A_120 = tpu.memref_slice %arg13[%dma_wait3A_119] : memref<384xi32, #tpu.memory_space<vmem>> -> memref<128xi32, #tpu.memory_space<vmem>>
      %dma_wait3A_121 = arith.constant 0 : i32
      %dma_wait3A_122 = arith.constant 0 : i32
      %dma_wait3A_123 = tpu.memref_slice %arg6[%dma_wait3A_121, %dma_wait3A_122] : memref<100x64xf32, #tpu.memory_space<hbm>> -> memref<100x64xf32, #tpu.memory_space<hbm>>
      tpu.wait_indirect_dma semaphore(%run_scoped3A : memref<!tpu.dma_semaphore, #tpu.memory_space<semaphore_mem>>) src(%dma_wait3A_123 : memref<100x64xf32, #tpu.memory_space<hbm>>) dst(%arg16 : memref<128x64xf32, #tpu.memory_space<vmem>>)
      tpu.yield
    }) : () -> ()
    %scan3A = arith.constant 0 : i32
    %scan3A_105 = arith.constant 128 : i32
    %scan3A_106 = arith.addi %scan3A, %scan3A_105 : i32
    %scan3A_107 = arith.constant 4 : i32
    scf.for %scan3A_114 = %scan3A to %scan3A_106 step %scan3A_107  : i32 {
      %mul3A_115 = arith.constant 1 : i32
      %mul3A_116 = arith.muli %scan3A_114, %mul3A_115 : i32
      %add3A_117 = arith.constant 0 : i32
      %add3A_118 = arith.addi %add3A_117, %mul3A_116 : i32
      %get3A = arith.index_cast %add3A_118 : i32 to index
      %get3A_119 = arith.constant 0 : index
      %get3A_120 = tpu.vector_load %arg14[%get3A, %get3A_119] {strides = array<i32>} : memref<128x64xf32, #tpu.memory_space<vmem>>, vector<1x16xf32>,
      %get3A_121 = vector.shape_cast %get3A_120 : vector<1x16xf32> to vector<16xf32>
      %get3A_122 = arith.index_cast %add3A_118 : i32 to index
      %get3A_123 = arith.constant 0 : index
      %get3A_124 = tpu.vector_load %arg15[%get3A_122, %get3A_123] {strides = array<i32>} : memref<128x64xf32, #tpu.memory_space<vmem>>, vector<1x16xf32>,
      %get3A_125 = vector.shape_cast %get3A_124 : vector<1x16xf32> to vector<16xf32>
      %add3A_126 = arith.addf %get3A_121, %get3A_125 : vector<16xf32>
      %get3A_127 = arith.index_cast %add3A_118 : i32 to index
      %get3A_128 = arith.constant 0 : index
      %get3A_129 = tpu.vector_load %arg16[%get3A_127, %get3A_128] {strides = array<i32>} : memref<128x64xf32, #tpu.memory_space<vmem>>, vector<1x16xf32>,
      %get3A_130 = vector.shape_cast %get3A_129 : vector<1x16xf32> to vector<16xf32>
      %add3A_131 = arith.addf %add3A_126, %get3A_130 : vector<16xf32>
      %swap3A = arith.index_cast %add3A_118 : i32 to index
      %swap3A_132 = arith.constant 0 : index
      %swap3A_133 = tpu.vector_load %arg14[%swap3A, %swap3A_132] {strides = array<i32>} : memref<128x64xf32, #tpu.memory_space<vmem>>, vector<1x16xf32>,
      %swap3A_134 = vector.shape_cast %swap3A_133 : vector<1x16xf32> to vector<16xf32>
      %swap3A_135 = vector.shape_cast %add3A_131 : vector<16xf32> to vector<1x16xf32>
      tpu.vector_store %arg14[%swap3A, %swap3A_132], %swap3A_135 {strides = array<i32>} : memref<128x64xf32, #tpu.memory_space<vmem>>, vector<1x16xf32>,
      %get3A_136 = arith.index_cast %add3A_118 : i32 to index
      %get3A_137 = arith.constant 16 : index
      %get3A_138 = tpu.vector_load %arg14[%get3A_136, %get3A_137] {strides = array<i32>} : memref<128x64xf32, #tpu.memory_space<vmem>>, vector<1x16xf32>,
      %get3A_139 = vector.shape_cast %get3A_138 : vector<1x16xf32> to vector<16xf32>
      %get3A_140 = arith.index_cast %add3A_118 : i32 to index
      %get3A_141 = arith.constant 16 : index
      %get3A_142 = tpu.vector_load %arg15[%get3A_140, %get3A_141] {strides = array<i32>} : memref<128x64xf32, #tpu.memory_space<vmem>>, vector<1x16xf32>,
      %get3A_143 = vector.shape_cast %get3A_142 : vector<1x16xf32> to vector<16xf32>
      %add3A_144 = arith.addf %get3A_139, %get3A_143 : vector<16xf32>
      %get3A_145 = arith.index_cast %add3A_118 : i32 to index
      %get3A_146 = arith.constant 16 : index
      %get3A_147 = tpu.vector_load %arg16[%get3A_145, %get3A_146] {strides = array<i32>} : memref<128x64xf32, #tpu.memory_space<vmem>>, vector<1x16xf32>,
      %get3A_148 = vector.shape_cast %get3A_147 : vector<1x16xf32> to vector<16xf32>
      %add3A_149 = arith.addf %add3A_144, %get3A_148 : vector<16xf32>
      %swap3A_150 = arith.index_cast %add3A_118 : i32 to index
      %swap3A_151 = arith.constant 16 : index
      %swap3A_152 = tpu.vector_load %arg14[%swap3A_150, %swap3A_151] {strides = array<i32>} : memref<128x64xf32, #tpu.memory_space<vmem>>, vector<1x16xf32>,
      %swap3A_153 = vector.shape_cast %swap3A_152 : vector<1x16xf32> to vector<16xf32>
      %swap3A_154 = vector.shape_cast %add3A_149 : vector<16xf32> to vector<1x16xf32>
      tpu.vector_store %arg14[%swap3A_150, %swap3A_151], %swap3A_154 {strides = array<i32>} : memref<128x64xf32, #tpu.memory_space<vmem>>, vector<1x16xf32>,
      %get3A_155 = arith.index_cast %add3A_118 : i32 to index
      %get3A_156 = arith.constant 32 : index
      %get3A_157 = tpu.vector_load %arg14[%get3A_155, %get3A_156] {strides = array<i32>} : memref<128x64xf32, #tpu.memory_space<vmem>>, vector<1x16xf32>,
      %get3A_158 = vector.shape_cast %get3A_157 : vector<1x16xf32> to vector<16xf32>
      %get3A_159 = arith.index_cast %add3A_118 : i32 to index
      %get3A_160 = arith.constant 32 : index
      %get3A_161 = tpu.vector_load %arg15[%get3A_159, %get3A_160] {strides = array<i32>} : memref<128x64xf32, #tpu.memory_space<vmem>>, vector<1x16xf32>,
      %get3A_162 = vector.shape_cast %get3A_161 : vector<1x16xf32> to vector<16xf32>
      %add3A_163 = arith.addf %get3A_158, %get3A_162 : vector<16xf32>
      %get3A_164 = arith.index_cast %add3A_118 : i32 to index
      %get3A_165 = arith.constant 32 : index
      %get3A_166 = tpu.vector_load %arg16[%get3A_164, %get3A_165] {strides = array<i32>} : memref<128x64xf32, #tpu.memory_space<vmem>>, vector<1x16xf32>,
      %get3A_167 = vector.shape_cast %get3A_166 : vector<1x16xf32> to vector<16xf32>
      %add3A_168 = arith.addf %add3A_163, %get3A_167 : vector<16xf32>
      %swap3A_169 = arith.index_cast %add3A_118 : i32 to index
      %swap3A_170 = arith.constant 32 : index
      %swap3A_171 = tpu.vector_load %arg14[%swap3A_169, %swap3A_170] {strides = array<i32>} : memref<128x64xf32, #tpu.memory_space<vmem>>, vector<1x16xf32>,
      %swap3A_172 = vector.shape_cast %swap3A_171 : vector<1x16xf32> to vector<16xf32>
      %swap3A_173 = vector.shape_cast %add3A_168 : vector<16xf32> to vector<1x16xf32>
      tpu.vector_store %arg14[%swap3A_169, %swap3A_170], %swap3A_173 {strides = array<i32>} : memref<128x64xf32, #tpu.memory_space<vmem>>, vector<1x16xf32>,
      %get3A_174 = arith.index_cast %add3A_118 : i32 to index
      %get3A_175 = arith.constant 48 : index
      %get3A_176 = tpu.vector_load %arg14[%get3A_174, %get3A_175] {strides = array<i32>} : memref<128x64xf32, #tpu.memory_space<vmem>>, vector<1x16xf32>,
      %get3A_177 = vector.shape_cast %get3A_176 : vector<1x16xf32> to vector<16xf32>
      %get3A_178 = arith.index_cast %add3A_118 : i32 to index
      %get3A_179 = arith.constant 48 : index
      %get3A_180 = tpu.vector_load %arg15[%get3A_178, %get3A_179] {strides = array<i32>} : memref<128x64xf32, #tpu.memory_space<vmem>>, vector<1x16xf32>,
      %get3A_181 = vector.shape_cast %get3A_180 : vector<1x16xf32> to vector<16xf32>
      %add3A_182 = arith.addf %get3A_177, %get3A_181 : vector<16xf32>
      %get3A_183 = arith.index_cast %add3A_118 : i32 to index
      %get3A_184 = arith.constant 48 : index
      %get3A_185 = tpu.vector_load %arg16[%get3A_183, %get3A_184] {strides = array<i32>} : memref<128x64xf32, #tpu.memory_space<vmem>>, vector<1x16xf32>,
      %get3A_186 = vector.shape_cast %get3A_185 : vector<1x16xf32> to vector<16xf32>
      %add3A_187 = arith.addf %add3A_182, %get3A_186 : vector<16xf32>
      %swap3A_188 = arith.index_cast %add3A_118 : i32 to index
      %swap3A_189 = arith.constant 48 : index
      %swap3A_190 = tpu.vector_load %arg14[%swap3A_188, %swap3A_189] {strides = array<i32>} : memref<128x64xf32, #tpu.memory_space<vmem>>, vector<1x16xf32>,
      %swap3A_191 = vector.shape_cast %swap3A_190 : vector<1x16xf32> to vector<16xf32>
      %swap3A_192 = vector.shape_cast %add3A_187 : vector<16xf32> to vector<1x16xf32>
      tpu.vector_store %arg14[%swap3A_188, %swap3A_189], %swap3A_192 {strides = array<i32>} : memref<128x64xf32, #tpu.memory_space<vmem>>, vector<1x16xf32>,
      %scan3A_193 = arith.constant 1 : i32
      %scan3A_194 = arith.addi %scan3A_114, %scan3A_193 : i32
      %mul3A_195 = arith.constant 1 : i32
      %mul3A_196 = arith.muli %scan3A_194, %mul3A_195 : i32
      %add3A_197 = arith.constant 0 : i32
      %add3A_198 = arith.addi %add3A_197, %mul3A_196 : i32
      %get3A_199 = arith.index_cast %add3A_198 : i32 to index
      %get3A_200 = arith.constant 0 : index
      %get3A_201 = tpu.vector_load %arg14[%get3A_199, %get3A_200] {strides = array<i32>} : memref<128x64xf32, #tpu.memory_space<vmem>>, vector<1x16xf32>,
      %get3A_202 = vector.shape_cast %get3A_201 : vector<1x16xf32> to vector<16xf32>
      %get3A_203 = arith.index_cast %add3A_198 : i32 to index
      %get3A_204 = arith.constant 0 : index
      %get3A_205 = tpu.vector_load %arg15[%get3A_203, %get3A_204] {strides = array<i32>} : memref<128x64xf32, #tpu.memory_space<vmem>>, vector<1x16xf32>,
      %get3A_206 = vector.shape_cast %get3A_205 : vector<1x16xf32> to vector<16xf32>
      %add3A_207 = arith.addf %get3A_202, %get3A_206 : vector<16xf32>
      %get3A_208 = arith.index_cast %add3A_198 : i32 to index
      %get3A_209 = arith.constant 0 : index
      %get3A_210 = tpu.vector_load %arg16[%get3A_208, %get3A_209] {strides = array<i32>} : memref<128x64xf32, #tpu.memory_space<vmem>>, vector<1x16xf32>,
      %get3A_211 = vector.shape_cast %get3A_210 : vector<1x16xf32> to vector<16xf32>
      %add3A_212 = arith.addf %add3A_207, %get3A_211 : vector<16xf32>
      %swap3A_213 = arith.index_cast %add3A_198 : i32 to index
      %swap3A_214 = arith.constant 0 : index
      %swap3A_215 = tpu.vector_load %arg14[%swap3A_213, %swap3A_214] {strides = array<i32>} : memref<128x64xf32, #tpu.memory_space<vmem>>, vector<1x16xf32>,
      %swap3A_216 = vector.shape_cast %swap3A_215 : vector<1x16xf32> to vector<16xf32>
      %swap3A_217 = vector.shape_cast %add3A_212 : vector<16xf32> to vector<1x16xf32>
      tpu.vector_store %arg14[%swap3A_213, %swap3A_214], %swap3A_217 {strides = array<i32>} : memref<128x64xf32, #tpu.memory_space<vmem>>, vector<1x16xf32>,
      %get3A_218 = arith.index_cast %add3A_198 : i32 to index
      %get3A_219 = arith.constant 16 : index
      %get3A_220 = tpu.vector_load %arg14[%get3A_218, %get3A_219] {strides = array<i32>} : memref<128x64xf32, #tpu.memory_space<vmem>>, vector<1x16xf32>,
      %get3A_221 = vector.shape_cast %get3A_220 : vector<1x16xf32> to vector<16xf32>
      %get3A_222 = arith.index_cast %add3A_198 : i32 to index
      %get3A_223 = arith.constant 16 : index
      %get3A_224 = tpu.vector_load %arg15[%get3A_222, %get3A_223] {strides = array<i32>} : memref<128x64xf32, #tpu.memory_space<vmem>>, vector<1x16xf32>,
      %get3A_225 = vector.shape_cast %get3A_224 : vector<1x16xf32> to vector<16xf32>
      %add3A_226 = arith.addf %get3A_221, %get3A_225 : vector<16xf32>
      %get3A_227 = arith.index_cast %add3A_198 : i32 to index
      %get3A_228 = arith.constant 16 : index
      %get3A_229 = tpu.vector_load %arg16[%get3A_227, %get3A_228] {strides = array<i32>} : memref<128x64xf32, #tpu.memory_space<vmem>>, vector<1x16xf32>,
      %get3A_230 = vector.shape_cast %get3A_229 : vector<1x16xf32> to vector<16xf32>
      %add3A_231 = arith.addf %add3A_226, %get3A_230 : vector<16xf32>
      %swap3A_232 = arith.index_cast %add3A_198 : i32 to index
      %swap3A_233 = arith.constant 16 : index
      %swap3A_234 = tpu.vector_load %arg14[%swap3A_232, %swap3A_233] {strides = array<i32>} : memref<128x64xf32, #tpu.memory_space<vmem>>, vector<1x16xf32>,
      %swap3A_235 = vector.shape_cast %swap3A_234 : vector<1x16xf32> to vector<16xf32>
      %swap3A_236 = vector.shape_cast %add3A_231 : vector<16xf32> to vector<1x16xf32>
      tpu.vector_store %arg14[%swap3A_232, %swap3A_233], %swap3A_236 {strides = array<i32>} : memref<128x64xf32, #tpu.memory_space<vmem>>, vector<1x16xf32>,
      %get3A_237 = arith.index_cast %add3A_198 : i32 to index
      %get3A_238 = arith.constant 32 : index
      %get3A_239 = tpu.vector_load %arg14[%get3A_237, %get3A_238] {strides = array<i32>} : memref<128x64xf32, #tpu.memory_space<vmem>>, vector<1x16xf32>,
      %get3A_240 = vector.shape_cast %get3A_239 : vector<1x16xf32> to vector<16xf32>
      %get3A_241 = arith.index_cast %add3A_198 : i32 to index
      %get3A_242 = arith.constant 32 : index
      %get3A_243 = tpu.vector_load %arg15[%get3A_241, %get3A_242] {strides = array<i32>} : memref<128x64xf32, #tpu.memory_space<vmem>>, vector<1x16xf32>,
      %get3A_244 = vector.shape_cast %get3A_243 : vector<1x16xf32> to vector<16xf32>
      %add3A_245 = arith.addf %get3A_240, %get3A_244 : vector<16xf32>
      %get3A_246 = arith.index_cast %add3A_198 : i32 to index
      %get3A_247 = arith.constant 32 : index
      %get3A_248 = tpu.vector_load %arg16[%get3A_246, %get3A_247] {strides = array<i32>} : memref<128x64xf32, #tpu.memory_space<vmem>>, vector<1x16xf32>,
      %get3A_249 = vector.shape_cast %get3A_248 : vector<1x16xf32> to vector<16xf32>
      %add3A_250 = arith.addf %add3A_245, %get3A_249 : vector<16xf32>
      %swap3A_251 = arith.index_cast %add3A_198 : i32 to index
      %swap3A_252 = arith.constant 32 : index
      %swap3A_253 = tpu.vector_load %arg14[%swap3A_251, %swap3A_252] {strides = array<i32>} : memref<128x64xf32, #tpu.memory_space<vmem>>, vector<1x16xf32>,
      %swap3A_254 = vector.shape_cast %swap3A_253 : vector<1x16xf32> to vector<16xf32>
      %swap3A_255 = vector.shape_cast %add3A_250 : vector<16xf32> to vector<1x16xf32>
      tpu.vector_store %arg14[%swap3A_251, %swap3A_252], %swap3A_255 {strides = array<i32>} : memref<128x64xf32, #tpu.memory_space<vmem>>, vector<1x16xf32>,
      %get3A_256 = arith.index_cast %add3A_198 : i32 to index
      %get3A_257 = arith.constant 48 : index
      %get3A_258 = tpu.vector_load %arg14[%get3A_256, %get3A_257] {strides = array<i32>} : memref<128x64xf32, #tpu.memory_space<vmem>>, vector<1x16xf32>,
      %get3A_259 = vector.shape_cast %get3A_258 : vector<1x16xf32> to vector<16xf32>
      %get3A_260 = arith.index_cast %add3A_198 : i32 to index
      %get3A_261 = arith.constant 48 : index
      %get3A_262 = tpu.vector_load %arg15[%get3A_260, %get3A_261] {strides = array<i32>} : memref<128x64xf32, #tpu.memory_space<vmem>>, vector<1x16xf32>,
      %get3A_263 = vector.shape_cast %get3A_262 : vector<1x16xf32> to vector<16xf32>
      %add3A_264 = arith.addf %get3A_259, %get3A_263 : vector<16xf32>
      %get3A_265 = arith.index_cast %add3A_198 : i32 to index
      %get3A_266 = arith.constant 48 : index
      %get3A_267 = tpu.vector_load %arg16[%get3A_265, %get3A_266] {strides = array<i32>} : memref<128x64xf32, #tpu.memory_space<vmem>>, vector<1x16xf32>,
      %get3A_268 = vector.shape_cast %get3A_267 : vector<1x16xf32> to vector<16xf32>
      %add3A_269 = arith.addf %add3A_264, %get3A_268 : vector<16xf32>
      %swap3A_270 = arith.index_cast %add3A_198 : i32 to index
      %swap3A_271 = arith.constant 48 : index
      %swap3A_272 = tpu.vector_load %arg14[%swap3A_270, %swap3A_271] {strides = array<i32>} : memref<128x64xf32, #tpu.memory_space<vmem>>, vector<1x16xf32>,
      %swap3A_273 = vector.shape_cast %swap3A_272 : vector<1x16xf32> to vector<16xf32>
      %swap3A_274 = vector.shape_cast %add3A_269 : vector<16xf32> to vector<1x16xf32>
      tpu.vector_store %arg14[%swap3A_270, %swap3A_271], %swap3A_274 {strides = array<i32>} : memref<128x64xf32, #tpu.memory_space<vmem>>, vector<1x16xf32>,
      %scan3A_275 = arith.constant 2 : i32
      %scan3A_276 = arith.addi %scan3A_114, %scan3A_275 : i32
      %mul3A_277 = arith.constant 1 : i32
      %mul3A_278 = arith.muli %scan3A_276, %mul3A_277 : i32
      %add3A_279 = arith.constant 0 : i32
      %add3A_280 = arith.addi %add3A_279, %mul3A_278 : i32
      %get3A_281 = arith.index_cast %add3A_280 : i32 to index
      %get3A_282 = arith.constant 0 : index
      %get3A_283 = tpu.vector_load %arg14[%get3A_281, %get3A_282] {strides = array<i32>} : memref<128x64xf32, #tpu.memory_space<vmem>>, vector<1x16xf32>,
      %get3A_284 = vector.shape_cast %get3A_283 : vector<1x16xf32> to vector<16xf32>
      %get3A_285 = arith.index_cast %add3A_280 : i32 to index
      %get3A_286 = arith.constant 0 : index
      %get3A_287 = tpu.vector_load %arg15[%get3A_285, %get3A_286] {strides = array<i32>} : memref<128x64xf32, #tpu.memory_space<vmem>>, vector<1x16xf32>,
      %get3A_288 = vector.shape_cast %get3A_287 : vector<1x16xf32> to vector<16xf32>
      %add3A_289 = arith.addf %get3A_284, %get3A_288 : vector<16xf32>
      %get3A_290 = arith.index_cast %add3A_280 : i32 to index
      %get3A_291 = arith.constant 0 : index
      %get3A_292 = tpu.vector_load %arg16[%get3A_290, %get3A_291] {strides = array<i32>} : memref<128x64xf32, #tpu.memory_space<vmem>>, vector<1x16xf32>,
      %get3A_293 = vector.shape_cast %get3A_292 : vector<1x16xf32> to vector<16xf32>
      %add3A_294 = arith.addf %add3A_289, %get3A_293 : vector<16xf32>
      %swap3A_295 = arith.index_cast %add3A_280 : i32 to index
      %swap3A_296 = arith.constant 0 : index
      %swap3A_297 = tpu.vector_load %arg14[%swap3A_295, %swap3A_296] {strides = array<i32>} : memref<128x64xf32, #tpu.memory_space<vmem>>, vector<1x16xf32>,
      %swap3A_298 = vector.shape_cast %swap3A_297 : vector<1x16xf32> to vector<16xf32>
      %swap3A_299 = vector.shape_cast %add3A_294 : vector<16xf32> to vector<1x16xf32>
      tpu.vector_store %arg14[%swap3A_295, %swap3A_296], %swap3A_299 {strides = array<i32>} : memref<128x64xf32, #tpu.memory_space<vmem>>, vector<1x16xf32>,
      %get3A_300 = arith.index_cast %add3A_280 : i32 to index
      %get3A_301 = arith.constant 16 : index
      %get3A_302 = tpu.vector_load %arg14[%get3A_300, %get3A_301] {strides = array<i32>} : memref<128x64xf32, #tpu.memory_space<vmem>>, vector<1x16xf32>,
      %get3A_303 = vector.shape_cast %get3A_302 : vector<1x16xf32> to vector<16xf32>
      %get3A_304 = arith.index_cast %add3A_280 : i32 to index
      %get3A_305 = arith.constant 16 : index
      %get3A_306 = tpu.vector_load %arg15[%get3A_304, %get3A_305] {strides = array<i32>} : memref<128x64xf32, #tpu.memory_space<vmem>>, vector<1x16xf32>,
      %get3A_307 = vector.shape_cast %get3A_306 : vector<1x16xf32> to vector<16xf32>
      %add3A_308 = arith.addf %get3A_303, %get3A_307 : vector<16xf32>
      %get3A_309 = arith.index_cast %add3A_280 : i32 to index
      %get3A_310 = arith.constant 16 : index
      %get3A_311 = tpu.vector_load %arg16[%get3A_309, %get3A_310] {strides = array<i32>} : memref<128x64xf32, #tpu.memory_space<vmem>>, vector<1x16xf32>,
      %get3A_312 = vector.shape_cast %get3A_311 : vector<1x16xf32> to vector<16xf32>
      %add3A_313 = arith.addf %add3A_308, %get3A_312 : vector<16xf32>
      %swap3A_314 = arith.index_cast %add3A_280 : i32 to index
      %swap3A_315 = arith.constant 16 : index
      %swap3A_316 = tpu.vector_load %arg14[%swap3A_314, %swap3A_315] {strides = array<i32>} : memref<128x64xf32, #tpu.memory_space<vmem>>, vector<1x16xf32>,
      %swap3A_317 = vector.shape_cast %swap3A_316 : vector<1x16xf32> to vector<16xf32>
      %swap3A_318 = vector.shape_cast %add3A_313 : vector<16xf32> to vector<1x16xf32>
      tpu.vector_store %arg14[%swap3A_314, %swap3A_315], %swap3A_318 {strides = array<i32>} : memref<128x64xf32, #tpu.memory_space<vmem>>, vector<1x16xf32>,
      %get3A_319 = arith.index_cast %add3A_280 : i32 to index
      %get3A_320 = arith.constant 32 : index
      %get3A_321 = tpu.vector_load %arg14[%get3A_319, %get3A_320] {strides = array<i32>} : memref<128x64xf32, #tpu.memory_space<vmem>>, vector<1x16xf32>,
      %get3A_322 = vector.shape_cast %get3A_321 : vector<1x16xf32> to vector<16xf32>
      %get3A_323 = arith.index_cast %add3A_280 : i32 to index
      %get3A_324 = arith.constant 32 : index
      %get3A_325 = tpu.vector_load %arg15[%get3A_323, %get3A_324] {strides = array<i32>} : memref<128x64xf32, #tpu.memory_space<vmem>>, vector<1x16xf32>,
      %get3A_326 = vector.shape_cast %get3A_325 : vector<1x16xf32> to vector<16xf32>
      %add3A_327 = arith.addf %get3A_322, %get3A_326 : vector<16xf32>
      %get3A_328 = arith.index_cast %add3A_280 : i32 to index
      %get3A_329 = arith.constant 32 : index
      %get3A_330 = tpu.vector_load %arg16[%get3A_328, %get3A_329] {strides = array<i32>} : memref<128x64xf32, #tpu.memory_space<vmem>>, vector<1x16xf32>,
      %get3A_331 = vector.shape_cast %get3A_330 : vector<1x16xf32> to vector<16xf32>
      %add3A_332 = arith.addf %add3A_327, %get3A_331 : vector<16xf32>
      %swap3A_333 = arith.index_cast %add3A_280 : i32 to index
      %swap3A_334 = arith.constant 32 : index
      %swap3A_335 = tpu.vector_load %arg14[%swap3A_333, %swap3A_334] {strides = array<i32>} : memref<128x64xf32, #tpu.memory_space<vmem>>, vector<1x16xf32>,
      %swap3A_336 = vector.shape_cast %swap3A_335 : vector<1x16xf32> to vector<16xf32>
      %swap3A_337 = vector.shape_cast %add3A_332 : vector<16xf32> to vector<1x16xf32>
      tpu.vector_store %arg14[%swap3A_333, %swap3A_334], %swap3A_337 {strides = array<i32>} : memref<128x64xf32, #tpu.memory_space<vmem>>, vector<1x16xf32>,
      %get3A_338 = arith.index_cast %add3A_280 : i32 to index
      %get3A_339 = arith.constant 48 : index
      %get3A_340 = tpu.vector_load %arg14[%get3A_338, %get3A_339] {strides = array<i32>} : memref<128x64xf32, #tpu.memory_space<vmem>>, vector<1x16xf32>,
      %get3A_341 = vector.shape_cast %get3A_340 : vector<1x16xf32> to vector<16xf32>
      %get3A_342 = arith.index_cast %add3A_280 : i32 to index
      %get3A_343 = arith.constant 48 : index
      %get3A_344 = tpu.vector_load %arg15[%get3A_342, %get3A_343] {strides = array<i32>} : memref<128x64xf32, #tpu.memory_space<vmem>>, vector<1x16xf32>,
      %get3A_345 = vector.shape_cast %get3A_344 : vector<1x16xf32> to vector<16xf32>
      %add3A_346 = arith.addf %get3A_341, %get3A_345 : vector<16xf32>
      %get3A_347 = arith.index_cast %add3A_280 : i32 to index
      %get3A_348 = arith.constant 48 : index
      %get3A_349 = tpu.vector_load %arg16[%get3A_347, %get3A_348] {strides = array<i32>} : memref<128x64xf32, #tpu.memory_space<vmem>>, vector<1x16xf32>,
      %get3A_350 = vector.shape_cast %get3A_349 : vector<1x16xf32> to vector<16xf32>
      %add3A_351 = arith.addf %add3A_346, %get3A_350 : vector<16xf32>
      %swap3A_352 = arith.index_cast %add3A_280 : i32 to index
      %swap3A_353 = arith.constant 48 : index
      %swap3A_354 = tpu.vector_load %arg14[%swap3A_352, %swap3A_353] {strides = array<i32>} : memref<128x64xf32, #tpu.memory_space<vmem>>, vector<1x16xf32>,
      %swap3A_355 = vector.shape_cast %swap3A_354 : vector<1x16xf32> to vector<16xf32>
      %swap3A_356 = vector.shape_cast %add3A_351 : vector<16xf32> to vector<1x16xf32>
      tpu.vector_store %arg14[%swap3A_352, %swap3A_353], %swap3A_356 {strides = array<i32>} : memref<128x64xf32, #tpu.memory_space<vmem>>, vector<1x16xf32>,
      %scan3A_357 = arith.constant 3 : i32
      %scan3A_358 = arith.addi %scan3A_114, %scan3A_357 : i32
      %mul3A_359 = arith.constant 1 : i32
      %mul3A_360 = arith.muli %scan3A_358, %mul3A_359 : i32
      %add3A_361 = arith.constant 0 : i32
      %add3A_362 = arith.addi %add3A_361, %mul3A_360 : i32
      %get3A_363 = arith.index_cast %add3A_362 : i32 to index
      %get3A_364 = arith.constant 0 : index
      %get3A_365 = tpu.vector_load %arg14[%get3A_363, %get3A_364] {strides = array<i32>} : memref<128x64xf32, #tpu.memory_space<vmem>>, vector<1x16xf32>,
      %get3A_366 = vector.shape_cast %get3A_365 : vector<1x16xf32> to vector<16xf32>
      %get3A_367 = arith.index_cast %add3A_362 : i32 to index
      %get3A_368 = arith.constant 0 : index
      %get3A_369 = tpu.vector_load %arg15[%get3A_367, %get3A_368] {strides = array<i32>} : memref<128x64xf32, #tpu.memory_space<vmem>>, vector<1x16xf32>,
      %get3A_370 = vector.shape_cast %get3A_369 : vector<1x16xf32> to vector<16xf32>
      %add3A_371 = arith.addf %get3A_366, %get3A_370 : vector<16xf32>
      %get3A_372 = arith.index_cast %add3A_362 : i32 to index
      %get3A_373 = arith.constant 0 : index
      %get3A_374 = tpu.vector_load %arg16[%get3A_372, %get3A_373] {strides = array<i32>} : memref<128x64xf32, #tpu.memory_space<vmem>>, vector<1x16xf32>,
      %get3A_375 = vector.shape_cast %get3A_374 : vector<1x16xf32> to vector<16xf32>
      %add3A_376 = arith.addf %add3A_371, %get3A_375 : vector<16xf32>
      %swap3A_377 = arith.index_cast %add3A_362 : i32 to index
      %swap3A_378 = arith.constant 0 : index
      %swap3A_379 = tpu.vector_load %arg14[%swap3A_377, %swap3A_378] {strides = array<i32>} : memref<128x64xf32, #tpu.memory_space<vmem>>, vector<1x16xf32>,
      %swap3A_380 = vector.shape_cast %swap3A_379 : vector<1x16xf32> to vector<16xf32>
      %swap3A_381 = vector.shape_cast %add3A_376 : vector<16xf32> to vector<1x16xf32>
      tpu.vector_store %arg14[%swap3A_377, %swap3A_378], %swap3A_381 {strides = array<i32>} : memref<128x64xf32, #tpu.memory_space<vmem>>, vector<1x16xf32>,
      %get3A_382 = arith.index_cast %add3A_362 : i32 to index
      %get3A_383 = arith.constant 16 : index
      %get3A_384 = tpu.vector_load %arg14[%get3A_382, %get3A_383] {strides = array<i32>} : memref<128x64xf32, #tpu.memory_space<vmem>>, vector<1x16xf32>,
      %get3A_385 = vector.shape_cast %get3A_384 : vector<1x16xf32> to vector<16xf32>
      %get3A_386 = arith.index_cast %add3A_362 : i32 to index
      %get3A_387 = arith.constant 16 : index
      %get3A_388 = tpu.vector_load %arg15[%get3A_386, %get3A_387] {strides = array<i32>} : memref<128x64xf32, #tpu.memory_space<vmem>>, vector<1x16xf32>,
      %get3A_389 = vector.shape_cast %get3A_388 : vector<1x16xf32> to vector<16xf32>
      %add3A_390 = arith.addf %get3A_385, %get3A_389 : vector<16xf32>
      %get3A_391 = arith.index_cast %add3A_362 : i32 to index
      %get3A_392 = arith.constant 16 : index
      %get3A_393 = tpu.vector_load %arg16[%get3A_391, %get3A_392] {strides = array<i32>} : memref<128x64xf32, #tpu.memory_space<vmem>>, vector<1x16xf32>,
      %get3A_394 = vector.shape_cast %get3A_393 : vector<1x16xf32> to vector<16xf32>
      %add3A_395 = arith.addf %add3A_390, %get3A_394 : vector<16xf32>
      %swap3A_396 = arith.index_cast %add3A_362 : i32 to index
      %swap3A_397 = arith.constant 16 : index
      %swap3A_398 = tpu.vector_load %arg14[%swap3A_396, %swap3A_397] {strides = array<i32>} : memref<128x64xf32, #tpu.memory_space<vmem>>, vector<1x16xf32>,
      %swap3A_399 = vector.shape_cast %swap3A_398 : vector<1x16xf32> to vector<16xf32>
      %swap3A_400 = vector.shape_cast %add3A_395 : vector<16xf32> to vector<1x16xf32>
      tpu.vector_store %arg14[%swap3A_396, %swap3A_397], %swap3A_400 {strides = array<i32>} : memref<128x64xf32, #tpu.memory_space<vmem>>, vector<1x16xf32>,
      %get3A_401 = arith.index_cast %add3A_362 : i32 to index
      %get3A_402 = arith.constant 32 : index
      %get3A_403 = tpu.vector_load %arg14[%get3A_401, %get3A_402] {strides = array<i32>} : memref<128x64xf32, #tpu.memory_space<vmem>>, vector<1x16xf32>,
      %get3A_404 = vector.shape_cast %get3A_403 : vector<1x16xf32> to vector<16xf32>
      %get3A_405 = arith.index_cast %add3A_362 : i32 to index
      %get3A_406 = arith.constant 32 : index
      %get3A_407 = tpu.vector_load %arg15[%get3A_405, %get3A_406] {strides = array<i32>} : memref<128x64xf32, #tpu.memory_space<vmem>>, vector<1x16xf32>,
      %get3A_408 = vector.shape_cast %get3A_407 : vector<1x16xf32> to vector<16xf32>
      %add3A_409 = arith.addf %get3A_404, %get3A_408 : vector<16xf32>
      %get3A_410 = arith.index_cast %add3A_362 : i32 to index
      %get3A_411 = arith.constant 32 : index
      %get3A_412 = tpu.vector_load %arg16[%get3A_410, %get3A_411] {strides = array<i32>} : memref<128x64xf32, #tpu.memory_space<vmem>>, vector<1x16xf32>,
      %get3A_413 = vector.shape_cast %get3A_412 : vector<1x16xf32> to vector<16xf32>
      %add3A_414 = arith.addf %add3A_409, %get3A_413 : vector<16xf32>
      %swap3A_415 = arith.index_cast %add3A_362 : i32 to index
      %swap3A_416 = arith.constant 32 : index
      %swap3A_417 = tpu.vector_load %arg14[%swap3A_415, %swap3A_416] {strides = array<i32>} : memref<128x64xf32, #tpu.memory_space<vmem>>, vector<1x16xf32>,
      %swap3A_418 = vector.shape_cast %swap3A_417 : vector<1x16xf32> to vector<16xf32>
      %swap3A_419 = vector.shape_cast %add3A_414 : vector<16xf32> to vector<1x16xf32>
      tpu.vector_store %arg14[%swap3A_415, %swap3A_416], %swap3A_419 {strides = array<i32>} : memref<128x64xf32, #tpu.memory_space<vmem>>, vector<1x16xf32>,
      %get3A_420 = arith.index_cast %add3A_362 : i32 to index
      %get3A_421 = arith.constant 48 : index
      %get3A_422 = tpu.vector_load %arg14[%get3A_420, %get3A_421] {strides = array<i32>} : memref<128x64xf32, #tpu.memory_space<vmem>>, vector<1x16xf32>,
      %get3A_423 = vector.shape_cast %get3A_422 : vector<1x16xf32> to vector<16xf32>
      %get3A_424 = arith.index_cast %add3A_362 : i32 to index
      %get3A_425 = arith.constant 48 : index
      %get3A_426 = tpu.vector_load %arg15[%get3A_424, %get3A_425] {strides = array<i32>} : memref<128x64xf32, #tpu.memory_space<vmem>>, vector<1x16xf32>,
      %get3A_427 = vector.shape_cast %get3A_426 : vector<1x16xf32> to vector<16xf32>
      %add3A_428 = arith.addf %get3A_423, %get3A_427 : vector<16xf32>
      %get3A_429 = arith.index_cast %add3A_362 : i32 to index
      %get3A_430 = arith.constant 48 : index
      %get3A_431 = tpu.vector_load %arg16[%get3A_429, %get3A_430] {strides = array<i32>} : memref<128x64xf32, #tpu.memory_space<vmem>>, vector<1x16xf32>,
      %get3A_432 = vector.shape_cast %get3A_431 : vector<1x16xf32> to vector<16xf32>
      %add3A_433 = arith.addf %add3A_428, %get3A_432 : vector<16xf32>
      %swap3A_434 = arith.index_cast %add3A_362 : i32 to index
      %swap3A_435 = arith.constant 48 : index
      %swap3A_436 = tpu.vector_load %arg14[%swap3A_434, %swap3A_435] {strides = array<i32>} : memref<128x64xf32, #tpu.memory_space<vmem>>, vector<1x16xf32>,
      %swap3A_437 = vector.shape_cast %swap3A_436 : vector<1x16xf32> to vector<16xf32>
      %swap3A_438 = vector.shape_cast %add3A_433 : vector<16xf32> to vector<1x16xf32>
      tpu.vector_store %arg14[%swap3A_434, %swap3A_435], %swap3A_438 {strides = array<i32>} : memref<128x64xf32, #tpu.memory_space<vmem>>, vector<1x16xf32>,
    }
    %scan3A_108 = arith.constant 128 : i32
    "tpu.region"() ({
      %run_scoped3A = tpu.sem_alloc : memref<!tpu.dma_semaphore, #tpu.memory_space<semaphore_mem>>
      %dma_start3A_114 = arith.constant 0 : i32
      %dma_start3A_115 = tpu.memref_slice %arg9[%mul3A_2, %dma_start3A_114] : memref<4096x64xf32, #tpu.memory_space<hbm>> -> memref<128x64xf32, #tpu.memory_space<hbm>>
      %dma_start3A_116 = arith.constant 0 : i32
      %dma_start3A_117 = tpu.memref_slice %arg9[%mul3A_2, %dma_start3A_116] : memref<4096x64xf32, #tpu.memory_space<hbm>> -> memref<128x64xf32, #tpu.memory_space<hbm>>
      tpu.enqueue_dma source(%arg14 : memref<128x64xf32, #tpu.memory_space<vmem>>) target(%dma_start3A_117 : memref<128x64xf32, #tpu.memory_space<hbm>>) target_semaphore(%run_scoped3A : memref<!tpu.dma_semaphore, #tpu.memory_space<semaphore_mem>>)
      %dma_wait3A_118 = arith.constant 0 : i32
      %dma_wait3A_119 = tpu.memref_slice %arg9[%mul3A_2, %dma_wait3A_118] : memref<4096x64xf32, #tpu.memory_space<hbm>> -> memref<128x64xf32, #tpu.memory_space<hbm>>
      %dma_wait3A_120 = arith.constant 0 : i32
      %dma_wait3A_121 = tpu.memref_slice %arg9[%mul3A_2, %dma_wait3A_120] : memref<4096x64xf32, #tpu.memory_space<hbm>> -> memref<128x64xf32, #tpu.memory_space<hbm>>
      tpu.wait_dma2 semaphore(%run_scoped3A : memref<!tpu.dma_semaphore, #tpu.memory_space<semaphore_mem>>) src(%arg14 : memref<128x64xf32, #tpu.memory_space<vmem>>) dst(%dma_wait3A_121 : memref<128x64xf32, #tpu.memory_space<hbm>>)
      tpu.yield
    }) : () -> ()
    %scan3A_109 = arith.constant 0 : i32
    %scan3A_110 = arith.constant 32 : i32
    %scan3A_111 = arith.addi %scan3A_109, %scan3A_110 : i32
    %scan3A_112 = arith.constant 1 : i32
    scf.for %scan3A_114 = %scan3A_109 to %scan3A_111 step %scan3A_112  : i32 {
      %mul3A_115 = arith.constant 1 : i32
      %mul3A_116 = arith.muli %scan3A_114, %mul3A_115 : i32
      %add3A_117 = arith.constant 0 : i32
      %add3A_118 = arith.addi %add3A_117, %mul3A_116 : i32
      %mul3A_119 = arith.constant 4 : i32
      %mul3A_120 = arith.muli %add3A_118, %mul3A_119 : i32
      %add3A_121 = arith.constant 0 : i32
      %add3A_122 = arith.addi %mul3A_120, %add3A_121 : i32
      %add3A_123 = arith.addi %mul3A_2, %add3A_122 : i32
      %add3A_124 = arith.constant 2 : i32
      %add3A_125 = arith.addi %add3A_123, %add3A_124 : i32
      %mul3A_126 = arith.constant 256 : i32
      %mul3A_127 = arith.muli %add3A_125, %mul3A_126 : i32
      %dma_wait3A_128 = arith.constant 512 : i32
      %dma_wait3A_129 = tpu.memref_slice %arg10[%dma_wait3A_128] : memref<1024xi32, #tpu.memory_space<vmem>> -> memref<256xi32, #tpu.memory_space<vmem>>
      %dma_wait3A_130 = tpu.memref_slice %arg2[%mul3A_127] : memref<1048576xi32, #tpu.memory_space<hbm>> -> memref<256xi32, #tpu.memory_space<hbm>>
      %dma_wait3A_131 = arith.constant 512 : i32
      %dma_wait3A_132 = tpu.memref_slice %arg10[%dma_wait3A_131] : memref<1024xi32, #tpu.memory_space<vmem>> -> memref<256xi32, #tpu.memory_space<vmem>>
      %dma_wait3A_133 = tpu.memref_slice %arg2[%mul3A_127] : memref<1048576xi32, #tpu.memory_space<hbm>> -> memref<256xi32, #tpu.memory_space<hbm>>
      tpu.wait_dma2 semaphore(%arg19 : memref<!tpu.dma_semaphore, #tpu.memory_space<semaphore_mem>>) src(%dma_wait3A_133 : memref<256xi32, #tpu.memory_space<hbm>>) dst(%dma_wait3A_132 : memref<256xi32, #tpu.memory_space<vmem>>)
      %dma_start3A_134 = arith.constant 2 : i32
      %dma_start3A_135 = arith.constant 0 : i32
      %dma_start3A_136 = arith.constant 0 : i32
      %dma_start3A_137 = tpu.memref_slice %arg11[%dma_start3A_134, %dma_start3A_135, %dma_start3A_136] : memref<4x200x64xf32, #tpu.memory_space<vmem>> -> memref<1x128x64xf32, #tpu.memory_space<vmem>>
      %dma_start3A_138 = tpu.memref_squeeze %dma_start3A_137 : memref<1x128x64xf32, #tpu.memory_space<vmem>> -> memref<128x64xf32, #tpu.memory_space<vmem>>
      %dma_start3A_139 = arith.constant 512 : i32
      %dma_start3A_140 = tpu.memref_slice %arg10[%dma_start3A_139] : memref<1024xi32, #tpu.memory_space<vmem>> -> memref<128xi32, #tpu.memory_space<vmem>>
      %dma_start3A_141 = arith.constant 0 : i32
      %dma_start3A_142 = arith.constant 0 : i32
      %dma_start3A_143 = tpu.memref_slice %arg3[%dma_start3A_141, %dma_start3A_142] : memref<1000000x64xf32, #tpu.memory_space<hbm>> -> memref<1000000x64xf32, #tpu.memory_space<hbm>>
      tpu.enqueue_indirect_dma source(%dma_start3A_143 : memref<1000000x64xf32, #tpu.memory_space<hbm>>) target(%dma_start3A_138 : memref<128x64xf32, #tpu.memory_space<vmem>>) offsets(%dma_start3A_140 : memref<128xi32, #tpu.memory_space<vmem>>) semaphore(%arg23 : memref<!tpu.dma_semaphore, #tpu.memory_space<semaphore_mem>>)
      %dma_start3A_144 = arith.constant 2 : i32
      %dma_start3A_145 = arith.constant 128 : i32
      %dma_start3A_146 = arith.constant 0 : i32
      %dma_start3A_147 = tpu.memref_slice %arg11[%dma_start3A_144, %dma_start3A_145, %dma_start3A_146] : memref<4x200x64xf32, #tpu.memory_space<vmem>> -> memref<1x72x64xf32, #tpu.memory_space<vmem>>
      %dma_start3A_148 = tpu.memref_squeeze %dma_start3A_147 : memref<1x72x64xf32, #tpu.memory_space<vmem>> -> memref<72x64xf32, #tpu.memory_space<vmem>>
      %dma_start3A_149 = arith.constant 640 : i32
      %dma_start3A_150 = tpu.memref_slice %arg10[%dma_start3A_149] : memref<1024xi32, #tpu.memory_space<vmem>> -> memref<72xi32, #tpu.memory_space<vmem>>
      %dma_start3A_151 = arith.constant 0 : i32
      %dma_start3A_152 = arith.constant 0 : i32
      %dma_start3A_153 = tpu.memref_slice %arg3[%dma_start3A_151, %dma_start3A_152] : memref<1000000x64xf32, #tpu.memory_space<hbm>> -> memref<1000000x64xf32, #tpu.memory_space<hbm>>
      tpu.enqueue_indirect_dma source(%dma_start3A_153 : memref<1000000x64xf32, #tpu.memory_space<hbm>>) target(%dma_start3A_148 : memref<72x64xf32, #tpu.memory_space<vmem>>) offsets(%dma_start3A_150 : memref<72xi32, #tpu.memory_space<vmem>>) semaphore(%arg23 : memref<!tpu.dma_semaphore, #tpu.memory_space<semaphore_mem>>)
      %dma_wait3A_154 = arith.constant 0 : i32
      %dma_wait3A_155 = arith.constant 0 : i32
      %dma_wait3A_156 = arith.constant 0 : i32
      %dma_wait3A_157 = tpu.memref_slice %arg11[%dma_wait3A_154, %dma_wait3A_155, %dma_wait3A_156] : memref<4x200x64xf32, #tpu.memory_space<vmem>> -> memref<1x128x64xf32, #tpu.memory_space<vmem>>
      %dma_wait3A_158 = tpu.memref_squeeze %dma_wait3A_157 : memref<1x128x64xf32, #tpu.memory_space<vmem>> -> memref<128x64xf32, #tpu.memory_space<vmem>>
      %dma_wait3A_159 = arith.constant 0 : i32
      %dma_wait3A_160 = tpu.memref_slice %arg10[%dma_wait3A_159] : memref<1024xi32, #tpu.memory_space<vmem>> -> memref<128xi32, #tpu.memory_space<vmem>>
      %dma_wait3A_161 = arith.constant 0 : i32
      %dma_wait3A_162 = arith.constant 0 : i32
      %dma_wait3A_163 = tpu.memref_slice %arg3[%dma_wait3A_161, %dma_wait3A_162] : memref<1000000x64xf32, #tpu.memory_space<hbm>> -> memref<1000000x64xf32, #tpu.memory_space<hbm>>
      tpu.wait_indirect_dma semaphore(%arg21 : memref<!tpu.dma_semaphore, #tpu.memory_space<semaphore_mem>>) src(%dma_wait3A_163 : memref<1000000x64xf32, #tpu.memory_space<hbm>>) dst(%dma_wait3A_158 : memref<128x64xf32, #tpu.memory_space<vmem>>)
      %dma_wait3A_164 = arith.constant 0 : i32
      %dma_wait3A_165 = arith.constant 128 : i32
      %dma_wait3A_166 = arith.constant 0 : i32
      %dma_wait3A_167 = tpu.memref_slice %arg11[%dma_wait3A_164, %dma_wait3A_165, %dma_wait3A_166] : memref<4x200x64xf32, #tpu.memory_space<vmem>> -> memref<1x72x64xf32, #tpu.memory_space<vmem>>
      %dma_wait3A_168 = tpu.memref_squeeze %dma_wait3A_167 : memref<1x72x64xf32, #tpu.memory_space<vmem>> -> memref<72x64xf32, #tpu.memory_space<vmem>>
      %dma_wait3A_169 = arith.constant 128 : i32
      %dma_wait3A_170 = tpu.memref_slice %arg10[%dma_wait3A_169] : memref<1024xi32, #tpu.memory_space<vmem>> -> memref<72xi32, #tpu.memory_space<vmem>>
      %dma_wait3A_171 = arith.constant 0 : i32
      %dma_wait3A_172 = arith.constant 0 : i32
      %dma_wait3A_173 = tpu.memref_slice %arg3[%dma_wait3A_171, %dma_wait3A_172] : memref<1000000x64xf32, #tpu.memory_space<hbm>> -> memref<1000000x64xf32, #tpu.memory_space<hbm>>
      tpu.wait_indirect_dma semaphore(%arg21 : memref<!tpu.dma_semaphore, #tpu.memory_space<semaphore_mem>>) src(%dma_wait3A_173 : memref<1000000x64xf32, #tpu.memory_space<hbm>>) dst(%dma_wait3A_168 : memref<72x64xf32, #tpu.memory_space<vmem>>)
      %broadcast_in_dim3A = arith.constant 0.000000e+00 : f32
      %broadcast_in_dim3A_174 = vector.broadcast %broadcast_in_dim3A : f32 to vector<16xf32>
      %scan3A_175 = arith.constant 0 : i32
      %scan3A_176 = arith.constant 200 : i32
      %scan3A_177 = arith.addi %scan3A_175, %scan3A_176 : i32
      %scan3A_178 = arith.constant 8 : i32
      %scan3A_179:4 = scf.for %scan3A_414 = %scan3A_175 to %scan3A_177 step %scan3A_178 iter_args(%scan3A_415 = %broadcast_in_dim3A_174, %scan3A_416 = %broadcast_in_dim3A_174, %scan3A_417 = %broadcast_in_dim3A_174, %scan3A_418 = %broadcast_in_dim3A_174) -> (vector<16xf32>, vector<16xf32>, vector<16xf32>, vector<16xf32>)  : i32 {
        %mul3A_419 = arith.constant 1 : i32
        %mul3A_420 = arith.muli %scan3A_414, %mul3A_419 : i32
        %add3A_421 = arith.constant 0 : i32
        %add3A_422 = arith.addi %add3A_421, %mul3A_420 : i32
        %get3A = arith.constant 0 : i32
        %get3A_423 = arith.index_cast %get3A : i32 to index
        %get3A_424 = arith.index_cast %add3A_422 : i32 to index
        %get3A_425 = arith.constant 0 : index
        %get3A_426 = tpu.vector_load %arg11[%get3A_423, %get3A_424, %get3A_425] {strides = array<i32>} : memref<4x200x64xf32, #tpu.memory_space<vmem>>, vector<1x1x16xf32>,
        %get3A_427 = vector.shape_cast %get3A_426 : vector<1x1x16xf32> to vector<16xf32>
        %add3A_428 = arith.addf %scan3A_415, %get3A_427 : vector<16xf32>
        %get3A_429 = arith.constant 0 : i32
        %get3A_430 = arith.index_cast %get3A_429 : i32 to index
        %get3A_431 = arith.index_cast %add3A_422 : i32 to index
        %get3A_432 = arith.constant 16 : index
        %get3A_433 = tpu.vector_load %arg11[%get3A_430, %get3A_431, %get3A_432] {strides = array<i32>} : memref<4x200x64xf32, #tpu.memory_space<vmem>>, vector<1x1x16xf32>,
        %get3A_434 = vector.shape_cast %get3A_433 : vector<1x1x16xf32> to vector<16xf32>
        %add3A_435 = arith.addf %scan3A_416, %get3A_434 : vector<16xf32>
        %get3A_436 = arith.constant 0 : i32
        %get3A_437 = arith.index_cast %get3A_436 : i32 to index
        %get3A_438 = arith.index_cast %add3A_422 : i32 to index
        %get3A_439 = arith.constant 32 : index
        %get3A_440 = tpu.vector_load %arg11[%get3A_437, %get3A_438, %get3A_439] {strides = array<i32>} : memref<4x200x64xf32, #tpu.memory_space<vmem>>, vector<1x1x16xf32>,
        %get3A_441 = vector.shape_cast %get3A_440 : vector<1x1x16xf32> to vector<16xf32>
        %add3A_442 = arith.addf %scan3A_417, %get3A_441 : vector<16xf32>
        %get3A_443 = arith.constant 0 : i32
        %get3A_444 = arith.index_cast %get3A_443 : i32 to index
        %get3A_445 = arith.index_cast %add3A_422 : i32 to index
        %get3A_446 = arith.constant 48 : index
        %get3A_447 = tpu.vector_load %arg11[%get3A_444, %get3A_445, %get3A_446] {strides = array<i32>} : memref<4x200x64xf32, #tpu.memory_space<vmem>>, vector<1x1x16xf32>,
        %get3A_448 = vector.shape_cast %get3A_447 : vector<1x1x16xf32> to vector<16xf32>
        %add3A_449 = arith.addf %scan3A_418, %get3A_448 : vector<16xf32>
        %scan3A_450 = arith.constant 1 : i32
        %scan3A_451 = arith.addi %scan3A_414, %scan3A_450 : i32
        %mul3A_452 = arith.constant 1 : i32
        %mul3A_453 = arith.muli %scan3A_451, %mul3A_452 : i32
        %add3A_454 = arith.constant 0 : i32
        %add3A_455 = arith.addi %add3A_454, %mul3A_453 : i32
        %get3A_456 = arith.constant 0 : i32
        %get3A_457 = arith.index_cast %get3A_456 : i32 to index
        %get3A_458 = arith.index_cast %add3A_455 : i32 to index
        %get3A_459 = arith.constant 0 : index
        %get3A_460 = tpu.vector_load %arg11[%get3A_457, %get3A_458, %get3A_459] {strides = array<i32>} : memref<4x200x64xf32, #tpu.memory_space<vmem>>, vector<1x1x16xf32>,
        %get3A_461 = vector.shape_cast %get3A_460 : vector<1x1x16xf32> to vector<16xf32>
        %add3A_462 = arith.addf %add3A_428, %get3A_461 : vector<16xf32>
        %get3A_463 = arith.constant 0 : i32
        %get3A_464 = arith.index_cast %get3A_463 : i32 to index
        %get3A_465 = arith.index_cast %add3A_455 : i32 to index
        %get3A_466 = arith.constant 16 : index
        %get3A_467 = tpu.vector_load %arg11[%get3A_464, %get3A_465, %get3A_466] {strides = array<i32>} : memref<4x200x64xf32, #tpu.memory_space<vmem>>, vector<1x1x16xf32>,
        %get3A_468 = vector.shape_cast %get3A_467 : vector<1x1x16xf32> to vector<16xf32>
        %add3A_469 = arith.addf %add3A_435, %get3A_468 : vector<16xf32>
        %get3A_470 = arith.constant 0 : i32
        %get3A_471 = arith.index_cast %get3A_470 : i32 to index
        %get3A_472 = arith.index_cast %add3A_455 : i32 to index
        %get3A_473 = arith.constant 32 : index
        %get3A_474 = tpu.vector_load %arg11[%get3A_471, %get3A_472, %get3A_473] {strides = array<i32>} : memref<4x200x64xf32, #tpu.memory_space<vmem>>, vector<1x1x16xf32>,
        %get3A_475 = vector.shape_cast %get3A_474 : vector<1x1x16xf32> to vector<16xf32>
        %add3A_476 = arith.addf %add3A_442, %get3A_475 : vector<16xf32>
        %get3A_477 = arith.constant 0 : i32
        %get3A_478 = arith.index_cast %get3A_477 : i32 to index
        %get3A_479 = arith.index_cast %add3A_455 : i32 to index
        %get3A_480 = arith.constant 48 : index
        %get3A_481 = tpu.vector_load %arg11[%get3A_478, %get3A_479, %get3A_480] {strides = array<i32>} : memref<4x200x64xf32, #tpu.memory_space<vmem>>, vector<1x1x16xf32>,
        %get3A_482 = vector.shape_cast %get3A_481 : vector<1x1x16xf32> to vector<16xf32>
        %add3A_483 = arith.addf %add3A_449, %get3A_482 : vector<16xf32>
        %scan3A_484 = arith.constant 2 : i32
        %scan3A_485 = arith.addi %scan3A_414, %scan3A_484 : i32
        %mul3A_486 = arith.constant 1 : i32
        %mul3A_487 = arith.muli %scan3A_485, %mul3A_486 : i32
        %add3A_488 = arith.constant 0 : i32
        %add3A_489 = arith.addi %add3A_488, %mul3A_487 : i32
        %get3A_490 = arith.constant 0 : i32
        %get3A_491 = arith.index_cast %get3A_490 : i32 to index
        %get3A_492 = arith.index_cast %add3A_489 : i32 to index
        %get3A_493 = arith.constant 0 : index
        %get3A_494 = tpu.vector_load %arg11[%get3A_491, %get3A_492, %get3A_493] {strides = array<i32>} : memref<4x200x64xf32, #tpu.memory_space<vmem>>, vector<1x1x16xf32>,
        %get3A_495 = vector.shape_cast %get3A_494 : vector<1x1x16xf32> to vector<16xf32>
        %add3A_496 = arith.addf %add3A_462, %get3A_495 : vector<16xf32>
        %get3A_497 = arith.constant 0 : i32
        %get3A_498 = arith.index_cast %get3A_497 : i32 to index
        %get3A_499 = arith.index_cast %add3A_489 : i32 to index
        %get3A_500 = arith.constant 16 : index
        %get3A_501 = tpu.vector_load %arg11[%get3A_498, %get3A_499, %get3A_500] {strides = array<i32>} : memref<4x200x64xf32, #tpu.memory_space<vmem>>, vector<1x1x16xf32>,
        %get3A_502 = vector.shape_cast %get3A_501 : vector<1x1x16xf32> to vector<16xf32>
        %add3A_503 = arith.addf %add3A_469, %get3A_502 : vector<16xf32>
        %get3A_504 = arith.constant 0 : i32
        %get3A_505 = arith.index_cast %get3A_504 : i32 to index
        %get3A_506 = arith.index_cast %add3A_489 : i32 to index
        %get3A_507 = arith.constant 32 : index
        %get3A_508 = tpu.vector_load %arg11[%get3A_505, %get3A_506, %get3A_507] {strides = array<i32>} : memref<4x200x64xf32, #tpu.memory_space<vmem>>, vector<1x1x16xf32>,
        %get3A_509 = vector.shape_cast %get3A_508 : vector<1x1x16xf32> to vector<16xf32>
        %add3A_510 = arith.addf %add3A_476, %get3A_509 : vector<16xf32>
        %get3A_511 = arith.constant 0 : i32
        %get3A_512 = arith.index_cast %get3A_511 : i32 to index
        %get3A_513 = arith.index_cast %add3A_489 : i32 to index
        %get3A_514 = arith.constant 48 : index
        %get3A_515 = tpu.vector_load %arg11[%get3A_512, %get3A_513, %get3A_514] {strides = array<i32>} : memref<4x200x64xf32, #tpu.memory_space<vmem>>, vector<1x1x16xf32>,
        %get3A_516 = vector.shape_cast %get3A_515 : vector<1x1x16xf32> to vector<16xf32>
        %add3A_517 = arith.addf %add3A_483, %get3A_516 : vector<16xf32>
        %scan3A_518 = arith.constant 3 : i32
        %scan3A_519 = arith.addi %scan3A_414, %scan3A_518 : i32
        %mul3A_520 = arith.constant 1 : i32
        %mul3A_521 = arith.muli %scan3A_519, %mul3A_520 : i32
        %add3A_522 = arith.constant 0 : i32
        %add3A_523 = arith.addi %add3A_522, %mul3A_521 : i32
        %get3A_524 = arith.constant 0 : i32
        %get3A_525 = arith.index_cast %get3A_524 : i32 to index
        %get3A_526 = arith.index_cast %add3A_523 : i32 to index
        %get3A_527 = arith.constant 0 : index
        %get3A_528 = tpu.vector_load %arg11[%get3A_525, %get3A_526, %get3A_527] {strides = array<i32>} : memref<4x200x64xf32, #tpu.memory_space<vmem>>, vector<1x1x16xf32>,
        %get3A_529 = vector.shape_cast %get3A_528 : vector<1x1x16xf32> to vector<16xf32>
        %add3A_530 = arith.addf %add3A_496, %get3A_529 : vector<16xf32>
        %get3A_531 = arith.constant 0 : i32
        %get3A_532 = arith.index_cast %get3A_531 : i32 to index
        %get3A_533 = arith.index_cast %add3A_523 : i32 to index
        %get3A_534 = arith.constant 16 : index
        %get3A_535 = tpu.vector_load %arg11[%get3A_532, %get3A_533, %get3A_534] {strides = array<i32>} : memref<4x200x64xf32, #tpu.memory_space<vmem>>, vector<1x1x16xf32>,
        %get3A_536 = vector.shape_cast %get3A_535 : vector<1x1x16xf32> to vector<16xf32>
        %add3A_537 = arith.addf %add3A_503, %get3A_536 : vector<16xf32>
        %get3A_538 = arith.constant 0 : i32
        %get3A_539 = arith.index_cast %get3A_538 : i32 to index
        %get3A_540 = arith.index_cast %add3A_523 : i32 to index
        %get3A_541 = arith.constant 32 : index
        %get3A_542 = tpu.vector_load %arg11[%get3A_539, %get3A_540, %get3A_541] {strides = array<i32>} : memref<4x200x64xf32, #tpu.memory_space<vmem>>, vector<1x1x16xf32>,
        %get3A_543 = vector.shape_cast %get3A_542 : vector<1x1x16xf32> to vector<16xf32>
        %add3A_544 = arith.addf %add3A_510, %get3A_543 : vector<16xf32>
        %get3A_545 = arith.constant 0 : i32
        %get3A_546 = arith.index_cast %get3A_545 : i32 to index
        %get3A_547 = arith.index_cast %add3A_523 : i32 to index
        %get3A_548 = arith.constant 48 : index
        %get3A_549 = tpu.vector_load %arg11[%get3A_546, %get3A_547, %get3A_548] {strides = array<i32>} : memref<4x200x64xf32, #tpu.memory_space<vmem>>, vector<1x1x16xf32>,
        %get3A_550 = vector.shape_cast %get3A_549 : vector<1x1x16xf32> to vector<16xf32>
        %add3A_551 = arith.addf %add3A_517, %get3A_550 : vector<16xf32>
        %scan3A_552 = arith.constant 4 : i32
        %scan3A_553 = arith.addi %scan3A_414, %scan3A_552 : i32
        %mul3A_554 = arith.constant 1 : i32
        %mul3A_555 = arith.muli %scan3A_553, %mul3A_554 : i32
        %add3A_556 = arith.constant 0 : i32
        %add3A_557 = arith.addi %add3A_556, %mul3A_555 : i32
        %get3A_558 = arith.constant 0 : i32
        %get3A_559 = arith.index_cast %get3A_558 : i32 to index
        %get3A_560 = arith.index_cast %add3A_557 : i32 to index
        %get3A_561 = arith.constant 0 : index
        %get3A_562 = tpu.vector_load %arg11[%get3A_559, %get3A_560, %get3A_561] {strides = array<i32>} : memref<4x200x64xf32, #tpu.memory_space<vmem>>, vector<1x1x16xf32>,
        %get3A_563 = vector.shape_cast %get3A_562 : vector<1x1x16xf32> to vector<16xf32>
        %add3A_564 = arith.addf %add3A_530, %get3A_563 : vector<16xf32>
        %get3A_565 = arith.constant 0 : i32
        %get3A_566 = arith.index_cast %get3A_565 : i32 to index
        %get3A_567 = arith.index_cast %add3A_557 : i32 to index
        %get3A_568 = arith.constant 16 : index
        %get3A_569 = tpu.vector_load %arg11[%get3A_566, %get3A_567, %get3A_568] {strides = array<i32>} : memref<4x200x64xf32, #tpu.memory_space<vmem>>, vector<1x1x16xf32>,
        %get3A_570 = vector.shape_cast %get3A_569 : vector<1x1x16xf32> to vector<16xf32>
        %add3A_571 = arith.addf %add3A_537, %get3A_570 : vector<16xf32>
        %get3A_572 = arith.constant 0 : i32
        %get3A_573 = arith.index_cast %get3A_572 : i32 to index
        %get3A_574 = arith.index_cast %add3A_557 : i32 to index
        %get3A_575 = arith.constant 32 : index
        %get3A_576 = tpu.vector_load %arg11[%get3A_573, %get3A_574, %get3A_575] {strides = array<i32>} : memref<4x200x64xf32, #tpu.memory_space<vmem>>, vector<1x1x16xf32>,
        %get3A_577 = vector.shape_cast %get3A_576 : vector<1x1x16xf32> to vector<16xf32>
        %add3A_578 = arith.addf %add3A_544, %get3A_577 : vector<16xf32>
        %get3A_579 = arith.constant 0 : i32
        %get3A_580 = arith.index_cast %get3A_579 : i32 to index
        %get3A_581 = arith.index_cast %add3A_557 : i32 to index
        %get3A_582 = arith.constant 48 : index
        %get3A_583 = tpu.vector_load %arg11[%get3A_580, %get3A_581, %get3A_582] {strides = array<i32>} : memref<4x200x64xf32, #tpu.memory_space<vmem>>, vector<1x1x16xf32>,
        %get3A_584 = vector.shape_cast %get3A_583 : vector<1x1x16xf32> to vector<16xf32>
        %add3A_585 = arith.addf %add3A_551, %get3A_584 : vector<16xf32>
        %scan3A_586 = arith.constant 5 : i32
        %scan3A_587 = arith.addi %scan3A_414, %scan3A_586 : i32
        %mul3A_588 = arith.constant 1 : i32
        %mul3A_589 = arith.muli %scan3A_587, %mul3A_588 : i32
        %add3A_590 = arith.constant 0 : i32
        %add3A_591 = arith.addi %add3A_590, %mul3A_589 : i32
        %get3A_592 = arith.constant 0 : i32
        %get3A_593 = arith.index_cast %get3A_592 : i32 to index
        %get3A_594 = arith.index_cast %add3A_591 : i32 to index
        %get3A_595 = arith.constant 0 : index
        %get3A_596 = tpu.vector_load %arg11[%get3A_593, %get3A_594, %get3A_595] {strides = array<i32>} : memref<4x200x64xf32, #tpu.memory_space<vmem>>, vector<1x1x16xf32>,
        %get3A_597 = vector.shape_cast %get3A_596 : vector<1x1x16xf32> to vector<16xf32>
        %add3A_598 = arith.addf %add3A_564, %get3A_597 : vector<16xf32>
        %get3A_599 = arith.constant 0 : i32
        %get3A_600 = arith.index_cast %get3A_599 : i32 to index
        %get3A_601 = arith.index_cast %add3A_591 : i32 to index
        %get3A_602 = arith.constant 16 : index
        %get3A_603 = tpu.vector_load %arg11[%get3A_600, %get3A_601, %get3A_602] {strides = array<i32>} : memref<4x200x64xf32, #tpu.memory_space<vmem>>, vector<1x1x16xf32>,
        %get3A_604 = vector.shape_cast %get3A_603 : vector<1x1x16xf32> to vector<16xf32>
        %add3A_605 = arith.addf %add3A_571, %get3A_604 : vector<16xf32>
        %get3A_606 = arith.constant 0 : i32
        %get3A_607 = arith.index_cast %get3A_606 : i32 to index
        %get3A_608 = arith.index_cast %add3A_591 : i32 to index
        %get3A_609 = arith.constant 32 : index
        %get3A_610 = tpu.vector_load %arg11[%get3A_607, %get3A_608, %get3A_609] {strides = array<i32>} : memref<4x200x64xf32, #tpu.memory_space<vmem>>, vector<1x1x16xf32>,
        %get3A_611 = vector.shape_cast %get3A_610 : vector<1x1x16xf32> to vector<16xf32>
        %add3A_612 = arith.addf %add3A_578, %get3A_611 : vector<16xf32>
        %get3A_613 = arith.constant 0 : i32
        %get3A_614 = arith.index_cast %get3A_613 : i32 to index
        %get3A_615 = arith.index_cast %add3A_591 : i32 to index
        %get3A_616 = arith.constant 48 : index
        %get3A_617 = tpu.vector_load %arg11[%get3A_614, %get3A_615, %get3A_616] {strides = array<i32>} : memref<4x200x64xf32, #tpu.memory_space<vmem>>, vector<1x1x16xf32>,
        %get3A_618 = vector.shape_cast %get3A_617 : vector<1x1x16xf32> to vector<16xf32>
        %add3A_619 = arith.addf %add3A_585, %get3A_618 : vector<16xf32>
        %scan3A_620 = arith.constant 6 : i32
        %scan3A_621 = arith.addi %scan3A_414, %scan3A_620 : i32
        %mul3A_622 = arith.constant 1 : i32
        %mul3A_623 = arith.muli %scan3A_621, %mul3A_622 : i32
        %add3A_624 = arith.constant 0 : i32
        %add3A_625 = arith.addi %add3A_624, %mul3A_623 : i32
        %get3A_626 = arith.constant 0 : i32
        %get3A_627 = arith.index_cast %get3A_626 : i32 to index
        %get3A_628 = arith.index_cast %add3A_625 : i32 to index
        %get3A_629 = arith.constant 0 : index
        %get3A_630 = tpu.vector_load %arg11[%get3A_627, %get3A_628, %get3A_629] {strides = array<i32>} : memref<4x200x64xf32, #tpu.memory_space<vmem>>, vector<1x1x16xf32>,
        %get3A_631 = vector.shape_cast %get3A_630 : vector<1x1x16xf32> to vector<16xf32>
        %add3A_632 = arith.addf %add3A_598, %get3A_631 : vector<16xf32>
        %get3A_633 = arith.constant 0 : i32
        %get3A_634 = arith.index_cast %get3A_633 : i32 to index
        %get3A_635 = arith.index_cast %add3A_625 : i32 to index
        %get3A_636 = arith.constant 16 : index
        %get3A_637 = tpu.vector_load %arg11[%get3A_634, %get3A_635, %get3A_636] {strides = array<i32>} : memref<4x200x64xf32, #tpu.memory_space<vmem>>, vector<1x1x16xf32>,
        %get3A_638 = vector.shape_cast %get3A_637 : vector<1x1x16xf32> to vector<16xf32>
        %add3A_639 = arith.addf %add3A_605, %get3A_638 : vector<16xf32>
        %get3A_640 = arith.constant 0 : i32
        %get3A_641 = arith.index_cast %get3A_640 : i32 to index
        %get3A_642 = arith.index_cast %add3A_625 : i32 to index
        %get3A_643 = arith.constant 32 : index
        %get3A_644 = tpu.vector_load %arg11[%get3A_641, %get3A_642, %get3A_643] {strides = array<i32>} : memref<4x200x64xf32, #tpu.memory_space<vmem>>, vector<1x1x16xf32>,
        %get3A_645 = vector.shape_cast %get3A_644 : vector<1x1x16xf32> to vector<16xf32>
        %add3A_646 = arith.addf %add3A_612, %get3A_645 : vector<16xf32>
        %get3A_647 = arith.constant 0 : i32
        %get3A_648 = arith.index_cast %get3A_647 : i32 to index
        %get3A_649 = arith.index_cast %add3A_625 : i32 to index
        %get3A_650 = arith.constant 48 : index
        %get3A_651 = tpu.vector_load %arg11[%get3A_648, %get3A_649, %get3A_650] {strides = array<i32>} : memref<4x200x64xf32, #tpu.memory_space<vmem>>, vector<1x1x16xf32>,
        %get3A_652 = vector.shape_cast %get3A_651 : vector<1x1x16xf32> to vector<16xf32>
        %add3A_653 = arith.addf %add3A_619, %get3A_652 : vector<16xf32>
        %scan3A_654 = arith.constant 7 : i32
        %scan3A_655 = arith.addi %scan3A_414, %scan3A_654 : i32
        %mul3A_656 = arith.constant 1 : i32
        %mul3A_657 = arith.muli %scan3A_655, %mul3A_656 : i32
        %add3A_658 = arith.constant 0 : i32
        %add3A_659 = arith.addi %add3A_658, %mul3A_657 : i32
        %get3A_660 = arith.constant 0 : i32
        %get3A_661 = arith.index_cast %get3A_660 : i32 to index
        %get3A_662 = arith.index_cast %add3A_659 : i32 to index
        %get3A_663 = arith.constant 0 : index
        %get3A_664 = tpu.vector_load %arg11[%get3A_661, %get3A_662, %get3A_663] {strides = array<i32>} : memref<4x200x64xf32, #tpu.memory_space<vmem>>, vector<1x1x16xf32>,
        %get3A_665 = vector.shape_cast %get3A_664 : vector<1x1x16xf32> to vector<16xf32>
        %add3A_666 = arith.addf %add3A_632, %get3A_665 : vector<16xf32>
        %get3A_667 = arith.constant 0 : i32
        %get3A_668 = arith.index_cast %get3A_667 : i32 to index
        %get3A_669 = arith.index_cast %add3A_659 : i32 to index
        %get3A_670 = arith.constant 16 : index
        %get3A_671 = tpu.vector_load %arg11[%get3A_668, %get3A_669, %get3A_670] {strides = array<i32>} : memref<4x200x64xf32, #tpu.memory_space<vmem>>, vector<1x1x16xf32>,
        %get3A_672 = vector.shape_cast %get3A_671 : vector<1x1x16xf32> to vector<16xf32>
        %add3A_673 = arith.addf %add3A_639, %get3A_672 : vector<16xf32>
        %get3A_674 = arith.constant 0 : i32
        %get3A_675 = arith.index_cast %get3A_674 : i32 to index
        %get3A_676 = arith.index_cast %add3A_659 : i32 to index
        %get3A_677 = arith.constant 32 : index
        %get3A_678 = tpu.vector_load %arg11[%get3A_675, %get3A_676, %get3A_677] {strides = array<i32>} : memref<4x200x64xf32, #tpu.memory_space<vmem>>, vector<1x1x16xf32>,
        %get3A_679 = vector.shape_cast %get3A_678 : vector<1x1x16xf32> to vector<16xf32>
        %add3A_680 = arith.addf %add3A_646, %get3A_679 : vector<16xf32>
        %get3A_681 = arith.constant 0 : i32
        %get3A_682 = arith.index_cast %get3A_681 : i32 to index
        %get3A_683 = arith.index_cast %add3A_659 : i32 to index
        %get3A_684 = arith.constant 48 : index
        %get3A_685 = tpu.vector_load %arg11[%get3A_682, %get3A_683, %get3A_684] {strides = array<i32>} : memref<4x200x64xf32, #tpu.memory_space<vmem>>, vector<1x1x16xf32>,
        %get3A_686 = vector.shape_cast %get3A_685 : vector<1x1x16xf32> to vector<16xf32>
        %add3A_687 = arith.addf %add3A_653, %get3A_686 : vector<16xf32>
        scf.yield %add3A_666, %add3A_673, %add3A_680, %add3A_687 : vector<16xf32>, vector<16xf32>, vector<16xf32>, vector<16xf32>
      }
      %scan3A_180 = arith.constant 200 : i32
      %swap3A = arith.index_cast %add3A_122 : i32 to index
      %swap3A_181 = arith.constant 0 : index
      %swap3A_182 = tpu.vector_load %arg12[%swap3A, %swap3A_181] {strides = array<i32>} : memref<128x64xf32, #tpu.memory_space<vmem>>, vector<1x16xf32>,
      %swap3A_183 = vector.shape_cast %swap3A_182 : vector<1x16xf32> to vector<16xf32>
      %swap3A_184 = vector.shape_cast %scan3A_179#0 : vector<16xf32> to vector<1x16xf32>
      tpu.vector_store %arg12[%swap3A, %swap3A_181], %swap3A_184 {strides = array<i32>} : memref<128x64xf32, #tpu.memory_space<vmem>>, vector<1x16xf32>,
      %swap3A_185 = arith.index_cast %add3A_122 : i32 to index
      %swap3A_186 = arith.constant 16 : index
      %swap3A_187 = tpu.vector_load %arg12[%swap3A_185, %swap3A_186] {strides = array<i32>} : memref<128x64xf32, #tpu.memory_space<vmem>>, vector<1x16xf32>,
      %swap3A_188 = vector.shape_cast %swap3A_187 : vector<1x16xf32> to vector<16xf32>
      %swap3A_189 = vector.shape_cast %scan3A_179#1 : vector<16xf32> to vector<1x16xf32>
      tpu.vector_store %arg12[%swap3A_185, %swap3A_186], %swap3A_189 {strides = array<i32>} : memref<128x64xf32, #tpu.memory_space<vmem>>, vector<1x16xf32>,
      %swap3A_190 = arith.index_cast %add3A_122 : i32 to index
      %swap3A_191 = arith.constant 32 : index
      %swap3A_192 = tpu.vector_load %arg12[%swap3A_190, %swap3A_191] {strides = array<i32>} : memref<128x64xf32, #tpu.memory_space<vmem>>, vector<1x16xf32>,
      %swap3A_193 = vector.shape_cast %swap3A_192 : vector<1x16xf32> to vector<16xf32>
      %swap3A_194 = vector.shape_cast %scan3A_179#2 : vector<16xf32> to vector<1x16xf32>
      tpu.vector_store %arg12[%swap3A_190, %swap3A_191], %swap3A_194 {strides = array<i32>} : memref<128x64xf32, #tpu.memory_space<vmem>>, vector<1x16xf32>,
      %swap3A_195 = arith.index_cast %add3A_122 : i32 to index
      %swap3A_196 = arith.constant 48 : index
      %swap3A_197 = tpu.vector_load %arg12[%swap3A_195, %swap3A_196] {strides = array<i32>} : memref<128x64xf32, #tpu.memory_space<vmem>>, vector<1x16xf32>,
      %swap3A_198 = vector.shape_cast %swap3A_197 : vector<1x16xf32> to vector<16xf32>
      %swap3A_199 = vector.shape_cast %scan3A_179#3 : vector<16xf32> to vector<1x16xf32>
      tpu.vector_store %arg12[%swap3A_195, %swap3A_196], %swap3A_199 {strides = array<i32>} : memref<128x64xf32, #tpu.memory_space<vmem>>, vector<1x16xf32>,
      %lt3A = arith.constant 31 : i32
      %lt3A_200 = arith.cmpi slt, %add3A_118, %lt3A : i32
      %convert_element_type3A = arith.extui %lt3A_200 : i1 to i32
      %cond3A = arith.constant 0 : i32
      %cond3A_201 = arith.cmpi ne, %convert_element_type3A, %cond3A : i32
      scf.if %cond3A_201 {
        %add3A_414 = arith.addi %mul3A_2, %add3A_122 : i32
        %add3A_415 = arith.constant 4 : i32
        %add3A_416 = arith.addi %add3A_414, %add3A_415 : i32
        %mul3A_417 = arith.constant 256 : i32
        %mul3A_418 = arith.muli %add3A_416, %mul3A_417 : i32
        %dma_start3A_419 = arith.constant 0 : i32
        %dma_start3A_420 = tpu.memref_slice %arg10[%dma_start3A_419] : memref<1024xi32, #tpu.memory_space<vmem>> -> memref<256xi32, #tpu.memory_space<vmem>>
        %dma_start3A_421 = tpu.memref_slice %arg2[%mul3A_418] : memref<1048576xi32, #tpu.memory_space<hbm>> -> memref<256xi32, #tpu.memory_space<hbm>>
        %dma_start3A_422 = arith.constant 0 : i32
        %dma_start3A_423 = tpu.memref_slice %arg10[%dma_start3A_422] : memref<1024xi32, #tpu.memory_space<vmem>> -> memref<256xi32, #tpu.memory_space<vmem>>
        %dma_start3A_424 = tpu.memref_slice %arg2[%mul3A_418] : memref<1048576xi32, #tpu.memory_space<hbm>> -> memref<256xi32, #tpu.memory_space<hbm>>
        tpu.enqueue_dma source(%dma_start3A_424 : memref<256xi32, #tpu.memory_space<hbm>>) target(%dma_start3A_423 : memref<256xi32, #tpu.memory_space<vmem>>) target_semaphore(%arg17 : memref<!tpu.dma_semaphore, #tpu.memory_space<semaphore_mem>>)
      } else {
      }
      %mul3A_202 = arith.constant 4 : i32
      %mul3A_203 = arith.muli %add3A_118, %mul3A_202 : i32
      %add3A_204 = arith.constant 1 : i32
      %add3A_205 = arith.addi %mul3A_203, %add3A_204 : i32
      %add3A_206 = arith.addi %mul3A_2, %add3A_205 : i32
      %add3A_207 = arith.constant 2 : i32
      %add3A_208 = arith.addi %add3A_206, %add3A_207 : i32
      %mul3A_209 = arith.constant 256 : i32
      %mul3A_210 = arith.muli %add3A_208, %mul3A_209 : i32
      %dma_wait3A_211 = arith.constant 768 : i32
      %dma_wait3A_212 = tpu.memref_slice %arg10[%dma_wait3A_211] : memref<1024xi32, #tpu.memory_space<vmem>> -> memref<256xi32, #tpu.memory_space<vmem>>
      %dma_wait3A_213 = tpu.memref_slice %arg2[%mul3A_210] : memref<1048576xi32, #tpu.memory_space<hbm>> -> memref<256xi32, #tpu.memory_space<hbm>>
      %dma_wait3A_214 = arith.constant 768 : i32
      %dma_wait3A_215 = tpu.memref_slice %arg10[%dma_wait3A_214] : memref<1024xi32, #tpu.memory_space<vmem>> -> memref<256xi32, #tpu.memory_space<vmem>>
      %dma_wait3A_216 = tpu.memref_slice %arg2[%mul3A_210] : memref<1048576xi32, #tpu.memory_space<hbm>> -> memref<256xi32, #tpu.memory_space<hbm>>
      tpu.wait_dma2 semaphore(%arg20 : memref<!tpu.dma_semaphore, #tpu.memory_space<semaphore_mem>>) src(%dma_wait3A_216 : memref<256xi32, #tpu.memory_space<hbm>>) dst(%dma_wait3A_215 : memref<256xi32, #tpu.memory_space<vmem>>)
      %dma_start3A_217 = arith.constant 3 : i32
      %dma_start3A_218 = arith.constant 0 : i32
      %dma_start3A_219 = arith.constant 0 : i32
      %dma_start3A_220 = tpu.memref_slice %arg11[%dma_start3A_217, %dma_start3A_218, %dma_start3A_219] : memref<4x200x64xf32, #tpu.memory_space<vmem>> -> memref<1x128x64xf32, #tpu.memory_space<vmem>>
      %dma_start3A_221 = tpu.memref_squeeze %dma_start3A_220 : memref<1x128x64xf32, #tpu.memory_space<vmem>> -> memref<128x64xf32, #tpu.memory_space<vmem>>
      %dma_start3A_222 = arith.constant 768 : i32
      %dma_start3A_223 = tpu.memref_slice %arg10[%dma_start3A_222] : memref<1024xi32, #tpu.memory_space<vmem>> -> memref<128xi32, #tpu.memory_space<vmem>>
      %dma_start3A_224 = arith.constant 0 : i32
      %dma_start3A_225 = arith.constant 0 : i32
      %dma_start3A_226 = tpu.memref_slice %arg3[%dma_start3A_224, %dma_start3A_225] : memref<1000000x64xf32, #tpu.memory_space<hbm>> -> memref<1000000x64xf32, #tpu.memory_space<hbm>>
      tpu.enqueue_indirect_dma source(%dma_start3A_226 : memref<1000000x64xf32, #tpu.memory_space<hbm>>) target(%dma_start3A_221 : memref<128x64xf32, #tpu.memory_space<vmem>>) offsets(%dma_start3A_223 : memref<128xi32, #tpu.memory_space<vmem>>) semaphore(%arg24 : memref<!tpu.dma_semaphore, #tpu.memory_space<semaphore_mem>>)
      %dma_start3A_227 = arith.constant 3 : i32
      %dma_start3A_228 = arith.constant 128 : i32
      %dma_start3A_229 = arith.constant 0 : i32
      %dma_start3A_230 = tpu.memref_slice %arg11[%dma_start3A_227, %dma_start3A_228, %dma_start3A_229] : memref<4x200x64xf32, #tpu.memory_space<vmem>> -> memref<1x72x64xf32, #tpu.memory_space<vmem>>
      %dma_start3A_231 = tpu.memref_squeeze %dma_start3A_230 : memref<1x72x64xf32, #tpu.memory_space<vmem>> -> memref<72x64xf32, #tpu.memory_space<vmem>>
      %dma_start3A_232 = arith.constant 896 : i32
      %dma_start3A_233 = tpu.memref_slice %arg10[%dma_start3A_232] : memref<1024xi32, #tpu.memory_space<vmem>> -> memref<72xi32, #tpu.memory_space<vmem>>
      %dma_start3A_234 = arith.constant 0 : i32
      %dma_start3A_235 = arith.constant 0 : i32
      %dma_start3A_236 = tpu.memref_slice %arg3[%dma_start3A_234, %dma_start3A_235] : memref<1000000x64xf32, #tpu.memory_space<hbm>> -> memref<1000000x64xf32, #tpu.memory_space<hbm>>
      tpu.enqueue_indirect_dma source(%dma_start3A_236 : memref<1000000x64xf32, #tpu.memory_space<hbm>>) target(%dma_start3A_231 : memref<72x64xf32, #tpu.memory_space<vmem>>) offsets(%dma_start3A_233 : memref<72xi32, #tpu.memory_space<vmem>>) semaphore(%arg24 : memref<!tpu.dma_semaphore, #tpu.memory_space<semaphore_mem>>)
      %dma_wait3A_237 = arith.constant 1 : i32
      %dma_wait3A_238 = arith.constant 0 : i32
      %dma_wait3A_239 = arith.constant 0 : i32
      %dma_wait3A_240 = tpu.memref_slice %arg11[%dma_wait3A_237, %dma_wait3A_238, %dma_wait3A_239] : memref<4x200x64xf32, #tpu.memory_space<vmem>> -> memref<1x128x64xf32, #tpu.memory_space<vmem>>
      %dma_wait3A_241 = tpu.memref_squeeze %dma_wait3A_240 : memref<1x128x64xf32, #tpu.memory_space<vmem>> -> memref<128x64xf32, #tpu.memory_space<vmem>>
      %dma_wait3A_242 = arith.constant 256 : i32
      %dma_wait3A_243 = tpu.memref_slice %arg10[%dma_wait3A_242] : memref<1024xi32, #tpu.memory_space<vmem>> -> memref<128xi32, #tpu.memory_space<vmem>>
      %dma_wait3A_244 = arith.constant 0 : i32
      %dma_wait3A_245 = arith.constant 0 : i32
      %dma_wait3A_246 = tpu.memref_slice %arg3[%dma_wait3A_244, %dma_wait3A_245] : memref<1000000x64xf32, #tpu.memory_space<hbm>> -> memref<1000000x64xf32, #tpu.memory_space<hbm>>
      tpu.wait_indirect_dma semaphore(%arg22 : memref<!tpu.dma_semaphore, #tpu.memory_space<semaphore_mem>>) src(%dma_wait3A_246 : memref<1000000x64xf32, #tpu.memory_space<hbm>>) dst(%dma_wait3A_241 : memref<128x64xf32, #tpu.memory_space<vmem>>)
      %dma_wait3A_247 = arith.constant 1 : i32
      %dma_wait3A_248 = arith.constant 128 : i32
      %dma_wait3A_249 = arith.constant 0 : i32
      %dma_wait3A_250 = tpu.memref_slice %arg11[%dma_wait3A_247, %dma_wait3A_248, %dma_wait3A_249] : memref<4x200x64xf32, #tpu.memory_space<vmem>> -> memref<1x72x64xf32, #tpu.memory_space<vmem>>
      %dma_wait3A_251 = tpu.memref_squeeze %dma_wait3A_250 : memref<1x72x64xf32, #tpu.memory_space<vmem>> -> memref<72x64xf32, #tpu.memory_space<vmem>>
      %dma_wait3A_252 = arith.constant 384 : i32
      %dma_wait3A_253 = tpu.memref_slice %arg10[%dma_wait3A_252] : memref<1024xi32, #tpu.memory_space<vmem>> -> memref<72xi32, #tpu.memory_space<vmem>>
      %dma_wait3A_254 = arith.constant 0 : i32
      %dma_wait3A_255 = arith.constant 0 : i32
      %dma_wait3A_256 = tpu.memref_slice %arg3[%dma_wait3A_254, %dma_wait3A_255] : memref<1000000x64xf32, #tpu.memory_space<hbm>> -> memref<1000000x64xf32, #tpu.memory_space<hbm>>
      tpu.wait_indirect_dma semaphore(%arg22 : memref<!tpu.dma_semaphore, #tpu.memory_space<semaphore_mem>>) src(%dma_wait3A_256 : memref<1000000x64xf32, #tpu.memory_space<hbm>>) dst(%dma_wait3A_251 : memref<72x64xf32, #tpu.memory_space<vmem>>)
      %broadcast_in_dim3A_257 = arith.constant 0.000000e+00 : f32
      %broadcast_in_dim3A_258 = vector.broadcast %broadcast_in_dim3A_257 : f32 to vector<16xf32>
      %scan3A_259 = arith.constant 0 : i32
      %scan3A_260 = arith.constant 200 : i32
      %scan3A_261 = arith.addi %scan3A_259, %scan3A_260 : i32
      %scan3A_262 = arith.constant 8 : i32
      %scan3A_263:4 = scf.for %scan3A_414 = %scan3A_259 to %scan3A_261 step %scan3A_262 iter_args(%scan3A_415 = %broadcast_in_dim3A_258, %scan3A_416 = %broadcast_in_dim3A_258, %scan3A_417 = %broadcast_in_dim3A_258, %scan3A_418 = %broadcast_in_dim3A_258) -> (vector<16xf32>, vector<16xf32>, vector<16xf32>, vector<16xf32>)  : i32 {
        %mul3A_419 = arith.constant 1 : i32
        %mul3A_420 = arith.muli %scan3A_414, %mul3A_419 : i32
        %add3A_421 = arith.constant 0 : i32
        %add3A_422 = arith.addi %add3A_421, %mul3A_420 : i32
        %get3A = arith.constant 1 : i32
        %get3A_423 = arith.index_cast %get3A : i32 to index
        %get3A_424 = arith.index_cast %add3A_422 : i32 to index
        %get3A_425 = arith.constant 0 : index
        %get3A_426 = tpu.vector_load %arg11[%get3A_423, %get3A_424, %get3A_425] {strides = array<i32>} : memref<4x200x64xf32, #tpu.memory_space<vmem>>, vector<1x1x16xf32>,
        %get3A_427 = vector.shape_cast %get3A_426 : vector<1x1x16xf32> to vector<16xf32>
        %add3A_428 = arith.addf %scan3A_415, %get3A_427 : vector<16xf32>
        %get3A_429 = arith.constant 1 : i32
        %get3A_430 = arith.index_cast %get3A_429 : i32 to index
        %get3A_431 = arith.index_cast %add3A_422 : i32 to index
        %get3A_432 = arith.constant 16 : index
        %get3A_433 = tpu.vector_load %arg11[%get3A_430, %get3A_431, %get3A_432] {strides = array<i32>} : memref<4x200x64xf32, #tpu.memory_space<vmem>>, vector<1x1x16xf32>,
        %get3A_434 = vector.shape_cast %get3A_433 : vector<1x1x16xf32> to vector<16xf32>
        %add3A_435 = arith.addf %scan3A_416, %get3A_434 : vector<16xf32>
        %get3A_436 = arith.constant 1 : i32
        %get3A_437 = arith.index_cast %get3A_436 : i32 to index
        %get3A_438 = arith.index_cast %add3A_422 : i32 to index
        %get3A_439 = arith.constant 32 : index
        %get3A_440 = tpu.vector_load %arg11[%get3A_437, %get3A_438, %get3A_439] {strides = array<i32>} : memref<4x200x64xf32, #tpu.memory_space<vmem>>, vector<1x1x16xf32>,
        %get3A_441 = vector.shape_cast %get3A_440 : vector<1x1x16xf32> to vector<16xf32>
        %add3A_442 = arith.addf %scan3A_417, %get3A_441 : vector<16xf32>
        %get3A_443 = arith.constant 1 : i32
        %get3A_444 = arith.index_cast %get3A_443 : i32 to index
        %get3A_445 = arith.index_cast %add3A_422 : i32 to index
        %get3A_446 = arith.constant 48 : index
        %get3A_447 = tpu.vector_load %arg11[%get3A_444, %get3A_445, %get3A_446] {strides = array<i32>} : memref<4x200x64xf32, #tpu.memory_space<vmem>>, vector<1x1x16xf32>,
        %get3A_448 = vector.shape_cast %get3A_447 : vector<1x1x16xf32> to vector<16xf32>
        %add3A_449 = arith.addf %scan3A_418, %get3A_448 : vector<16xf32>
        %scan3A_450 = arith.constant 1 : i32
        %scan3A_451 = arith.addi %scan3A_414, %scan3A_450 : i32
        %mul3A_452 = arith.constant 1 : i32
        %mul3A_453 = arith.muli %scan3A_451, %mul3A_452 : i32
        %add3A_454 = arith.constant 0 : i32
        %add3A_455 = arith.addi %add3A_454, %mul3A_453 : i32
        %get3A_456 = arith.constant 1 : i32
        %get3A_457 = arith.index_cast %get3A_456 : i32 to index
        %get3A_458 = arith.index_cast %add3A_455 : i32 to index
        %get3A_459 = arith.constant 0 : index
        %get3A_460 = tpu.vector_load %arg11[%get3A_457, %get3A_458, %get3A_459] {strides = array<i32>} : memref<4x200x64xf32, #tpu.memory_space<vmem>>, vector<1x1x16xf32>,
        %get3A_461 = vector.shape_cast %get3A_460 : vector<1x1x16xf32> to vector<16xf32>
        %add3A_462 = arith.addf %add3A_428, %get3A_461 : vector<16xf32>
        %get3A_463 = arith.constant 1 : i32
        %get3A_464 = arith.index_cast %get3A_463 : i32 to index
        %get3A_465 = arith.index_cast %add3A_455 : i32 to index
        %get3A_466 = arith.constant 16 : index
        %get3A_467 = tpu.vector_load %arg11[%get3A_464, %get3A_465, %get3A_466] {strides = array<i32>} : memref<4x200x64xf32, #tpu.memory_space<vmem>>, vector<1x1x16xf32>,
        %get3A_468 = vector.shape_cast %get3A_467 : vector<1x1x16xf32> to vector<16xf32>
        %add3A_469 = arith.addf %add3A_435, %get3A_468 : vector<16xf32>
        %get3A_470 = arith.constant 1 : i32
        %get3A_471 = arith.index_cast %get3A_470 : i32 to index
        %get3A_472 = arith.index_cast %add3A_455 : i32 to index
        %get3A_473 = arith.constant 32 : index
        %get3A_474 = tpu.vector_load %arg11[%get3A_471, %get3A_472, %get3A_473] {strides = array<i32>} : memref<4x200x64xf32, #tpu.memory_space<vmem>>, vector<1x1x16xf32>,
        %get3A_475 = vector.shape_cast %get3A_474 : vector<1x1x16xf32> to vector<16xf32>
        %add3A_476 = arith.addf %add3A_442, %get3A_475 : vector<16xf32>
        %get3A_477 = arith.constant 1 : i32
        %get3A_478 = arith.index_cast %get3A_477 : i32 to index
        %get3A_479 = arith.index_cast %add3A_455 : i32 to index
        %get3A_480 = arith.constant 48 : index
        %get3A_481 = tpu.vector_load %arg11[%get3A_478, %get3A_479, %get3A_480] {strides = array<i32>} : memref<4x200x64xf32, #tpu.memory_space<vmem>>, vector<1x1x16xf32>,
        %get3A_482 = vector.shape_cast %get3A_481 : vector<1x1x16xf32> to vector<16xf32>
        %add3A_483 = arith.addf %add3A_449, %get3A_482 : vector<16xf32>
        %scan3A_484 = arith.constant 2 : i32
        %scan3A_485 = arith.addi %scan3A_414, %scan3A_484 : i32
        %mul3A_486 = arith.constant 1 : i32
        %mul3A_487 = arith.muli %scan3A_485, %mul3A_486 : i32
        %add3A_488 = arith.constant 0 : i32
        %add3A_489 = arith.addi %add3A_488, %mul3A_487 : i32
        %get3A_490 = arith.constant 1 : i32
        %get3A_491 = arith.index_cast %get3A_490 : i32 to index
        %get3A_492 = arith.index_cast %add3A_489 : i32 to index
        %get3A_493 = arith.constant 0 : index
        %get3A_494 = tpu.vector_load %arg11[%get3A_491, %get3A_492, %get3A_493] {strides = array<i32>} : memref<4x200x64xf32, #tpu.memory_space<vmem>>, vector<1x1x16xf32>,
        %get3A_495 = vector.shape_cast %get3A_494 : vector<1x1x16xf32> to vector<16xf32>
        %add3A_496 = arith.addf %add3A_462, %get3A_495 : vector<16xf32>
        %get3A_497 = arith.constant 1 : i32
        %get3A_498 = arith.index_cast %get3A_497 : i32 to index
        %get3A_499 = arith.index_cast %add3A_489 : i32 to index
        %get3A_500 = arith.constant 16 : index
        %get3A_501 = tpu.vector_load %arg11[%get3A_498, %get3A_499, %get3A_500] {strides = array<i32>} : memref<4x200x64xf32, #tpu.memory_space<vmem>>, vector<1x1x16xf32>,
        %get3A_502 = vector.shape_cast %get3A_501 : vector<1x1x16xf32> to vector<16xf32>
        %add3A_503 = arith.addf %add3A_469, %get3A_502 : vector<16xf32>
        %get3A_504 = arith.constant 1 : i32
        %get3A_505 = arith.index_cast %get3A_504 : i32 to index
        %get3A_506 = arith.index_cast %add3A_489 : i32 to index
        %get3A_507 = arith.constant 32 : index
        %get3A_508 = tpu.vector_load %arg11[%get3A_505, %get3A_506, %get3A_507] {strides = array<i32>} : memref<4x200x64xf32, #tpu.memory_space<vmem>>, vector<1x1x16xf32>,
        %get3A_509 = vector.shape_cast %get3A_508 : vector<1x1x16xf32> to vector<16xf32>
        %add3A_510 = arith.addf %add3A_476, %get3A_509 : vector<16xf32>
        %get3A_511 = arith.constant 1 : i32
        %get3A_512 = arith.index_cast %get3A_511 : i32 to index
        %get3A_513 = arith.index_cast %add3A_489 : i32 to index
        %get3A_514 = arith.constant 48 : index
        %get3A_515 = tpu.vector_load %arg11[%get3A_512, %get3A_513, %get3A_514] {strides = array<i32>} : memref<4x200x64xf32, #tpu.memory_space<vmem>>, vector<1x1x16xf32>,
        %get3A_516 = vector.shape_cast %get3A_515 : vector<1x1x16xf32> to vector<16xf32>
        %add3A_517 = arith.addf %add3A_483, %get3A_516 : vector<16xf32>
        %scan3A_518 = arith.constant 3 : i32
        %scan3A_519 = arith.addi %scan3A_414, %scan3A_518 : i32
        %mul3A_520 = arith.constant 1 : i32
        %mul3A_521 = arith.muli %scan3A_519, %mul3A_520 : i32
        %add3A_522 = arith.constant 0 : i32
        %add3A_523 = arith.addi %add3A_522, %mul3A_521 : i32
        %get3A_524 = arith.constant 1 : i32
        %get3A_525 = arith.index_cast %get3A_524 : i32 to index
        %get3A_526 = arith.index_cast %add3A_523 : i32 to index
        %get3A_527 = arith.constant 0 : index
        %get3A_528 = tpu.vector_load %arg11[%get3A_525, %get3A_526, %get3A_527] {strides = array<i32>} : memref<4x200x64xf32, #tpu.memory_space<vmem>>, vector<1x1x16xf32>,
        %get3A_529 = vector.shape_cast %get3A_528 : vector<1x1x16xf32> to vector<16xf32>
        %add3A_530 = arith.addf %add3A_496, %get3A_529 : vector<16xf32>
        %get3A_531 = arith.constant 1 : i32
        %get3A_532 = arith.index_cast %get3A_531 : i32 to index
        %get3A_533 = arith.index_cast %add3A_523 : i32 to index
        %get3A_534 = arith.constant 16 : index
        %get3A_535 = tpu.vector_load %arg11[%get3A_532, %get3A_533, %get3A_534] {strides = array<i32>} : memref<4x200x64xf32, #tpu.memory_space<vmem>>, vector<1x1x16xf32>,
        %get3A_536 = vector.shape_cast %get3A_535 : vector<1x1x16xf32> to vector<16xf32>
        %add3A_537 = arith.addf %add3A_503, %get3A_536 : vector<16xf32>
        %get3A_538 = arith.constant 1 : i32
        %get3A_539 = arith.index_cast %get3A_538 : i32 to index
        %get3A_540 = arith.index_cast %add3A_523 : i32 to index
        %get3A_541 = arith.constant 32 : index
        %get3A_542 = tpu.vector_load %arg11[%get3A_539, %get3A_540, %get3A_541] {strides = array<i32>} : memref<4x200x64xf32, #tpu.memory_space<vmem>>, vector<1x1x16xf32>,
        %get3A_543 = vector.shape_cast %get3A_542 : vector<1x1x16xf32> to vector<16xf32>
        %add3A_544 = arith.addf %add3A_510, %get3A_543 : vector<16xf32>
        %get3A_545 = arith.constant 1 : i32
        %get3A_546 = arith.index_cast %get3A_545 : i32 to index
        %get3A_547 = arith.index_cast %add3A_523 : i32 to index
        %get3A_548 = arith.constant 48 : index
        %get3A_549 = tpu.vector_load %arg11[%get3A_546, %get3A_547, %get3A_548] {strides = array<i32>} : memref<4x200x64xf32, #tpu.memory_space<vmem>>, vector<1x1x16xf32>,
        %get3A_550 = vector.shape_cast %get3A_549 : vector<1x1x16xf32> to vector<16xf32>
        %add3A_551 = arith.addf %add3A_517, %get3A_550 : vector<16xf32>
        %scan3A_552 = arith.constant 4 : i32
        %scan3A_553 = arith.addi %scan3A_414, %scan3A_552 : i32
        %mul3A_554 = arith.constant 1 : i32
        %mul3A_555 = arith.muli %scan3A_553, %mul3A_554 : i32
        %add3A_556 = arith.constant 0 : i32
        %add3A_557 = arith.addi %add3A_556, %mul3A_555 : i32
        %get3A_558 = arith.constant 1 : i32
        %get3A_559 = arith.index_cast %get3A_558 : i32 to index
        %get3A_560 = arith.index_cast %add3A_557 : i32 to index
        %get3A_561 = arith.constant 0 : index
        %get3A_562 = tpu.vector_load %arg11[%get3A_559, %get3A_560, %get3A_561] {strides = array<i32>} : memref<4x200x64xf32, #tpu.memory_space<vmem>>, vector<1x1x16xf32>,
        %get3A_563 = vector.shape_cast %get3A_562 : vector<1x1x16xf32> to vector<16xf32>
        %add3A_564 = arith.addf %add3A_530, %get3A_563 : vector<16xf32>
        %get3A_565 = arith.constant 1 : i32
        %get3A_566 = arith.index_cast %get3A_565 : i32 to index
        %get3A_567 = arith.index_cast %add3A_557 : i32 to index
        %get3A_568 = arith.constant 16 : index
        %get3A_569 = tpu.vector_load %arg11[%get3A_566, %get3A_567, %get3A_568] {strides = array<i32>} : memref<4x200x64xf32, #tpu.memory_space<vmem>>, vector<1x1x16xf32>,
        %get3A_570 = vector.shape_cast %get3A_569 : vector<1x1x16xf32> to vector<16xf32>
        %add3A_571 = arith.addf %add3A_537, %get3A_570 : vector<16xf32>
        %get3A_572 = arith.constant 1 : i32
        %get3A_573 = arith.index_cast %get3A_572 : i32 to index
        %get3A_574 = arith.index_cast %add3A_557 : i32 to index
        %get3A_575 = arith.constant 32 : index
        %get3A_576 = tpu.vector_load %arg11[%get3A_573, %get3A_574, %get3A_575] {strides = array<i32>} : memref<4x200x64xf32, #tpu.memory_space<vmem>>, vector<1x1x16xf32>,
        %get3A_577 = vector.shape_cast %get3A_576 : vector<1x1x16xf32> to vector<16xf32>
        %add3A_578 = arith.addf %add3A_544, %get3A_577 : vector<16xf32>
        %get3A_579 = arith.constant 1 : i32
        %get3A_580 = arith.index_cast %get3A_579 : i32 to index
        %get3A_581 = arith.index_cast %add3A_557 : i32 to index
        %get3A_582 = arith.constant 48 : index
        %get3A_583 = tpu.vector_load %arg11[%get3A_580, %get3A_581, %get3A_582] {strides = array<i32>} : memref<4x200x64xf32, #tpu.memory_space<vmem>>, vector<1x1x16xf32>,
        %get3A_584 = vector.shape_cast %get3A_583 : vector<1x1x16xf32> to vector<16xf32>
        %add3A_585 = arith.addf %add3A_551, %get3A_584 : vector<16xf32>
        %scan3A_586 = arith.constant 5 : i32
        %scan3A_587 = arith.addi %scan3A_414, %scan3A_586 : i32
        %mul3A_588 = arith.constant 1 : i32
        %mul3A_589 = arith.muli %scan3A_587, %mul3A_588 : i32
        %add3A_590 = arith.constant 0 : i32
        %add3A_591 = arith.addi %add3A_590, %mul3A_589 : i32
        %get3A_592 = arith.constant 1 : i32
        %get3A_593 = arith.index_cast %get3A_592 : i32 to index
        %get3A_594 = arith.index_cast %add3A_591 : i32 to index
        %get3A_595 = arith.constant 0 : index
        %get3A_596 = tpu.vector_load %arg11[%get3A_593, %get3A_594, %get3A_595] {strides = array<i32>} : memref<4x200x64xf32, #tpu.memory_space<vmem>>, vector<1x1x16xf32>,
        %get3A_597 = vector.shape_cast %get3A_596 : vector<1x1x16xf32> to vector<16xf32>
        %add3A_598 = arith.addf %add3A_564, %get3A_597 : vector<16xf32>
        %get3A_599 = arith.constant 1 : i32
        %get3A_600 = arith.index_cast %get3A_599 : i32 to index
        %get3A_601 = arith.index_cast %add3A_591 : i32 to index
        %get3A_602 = arith.constant 16 : index
        %get3A_603 = tpu.vector_load %arg11[%get3A_600, %get3A_601, %get3A_602] {strides = array<i32>} : memref<4x200x64xf32, #tpu.memory_space<vmem>>, vector<1x1x16xf32>,
        %get3A_604 = vector.shape_cast %get3A_603 : vector<1x1x16xf32> to vector<16xf32>
        %add3A_605 = arith.addf %add3A_571, %get3A_604 : vector<16xf32>
        %get3A_606 = arith.constant 1 : i32
        %get3A_607 = arith.index_cast %get3A_606 : i32 to index
        %get3A_608 = arith.index_cast %add3A_591 : i32 to index
        %get3A_609 = arith.constant 32 : index
        %get3A_610 = tpu.vector_load %arg11[%get3A_607, %get3A_608, %get3A_609] {strides = array<i32>} : memref<4x200x64xf32, #tpu.memory_space<vmem>>, vector<1x1x16xf32>,
        %get3A_611 = vector.shape_cast %get3A_610 : vector<1x1x16xf32> to vector<16xf32>
        %add3A_612 = arith.addf %add3A_578, %get3A_611 : vector<16xf32>
        %get3A_613 = arith.constant 1 : i32
        %get3A_614 = arith.index_cast %get3A_613 : i32 to index
        %get3A_615 = arith.index_cast %add3A_591 : i32 to index
        %get3A_616 = arith.constant 48 : index
        %get3A_617 = tpu.vector_load %arg11[%get3A_614, %get3A_615, %get3A_616] {strides = array<i32>} : memref<4x200x64xf32, #tpu.memory_space<vmem>>, vector<1x1x16xf32>,
        %get3A_618 = vector.shape_cast %get3A_617 : vector<1x1x16xf32> to vector<16xf32>
        %add3A_619 = arith.addf %add3A_585, %get3A_618 : vector<16xf32>
        %scan3A_620 = arith.constant 6 : i32
        %scan3A_621 = arith.addi %scan3A_414, %scan3A_620 : i32
        %mul3A_622 = arith.constant 1 : i32
        %mul3A_623 = arith.muli %scan3A_621, %mul3A_622 : i32
        %add3A_624 = arith.constant 0 : i32
        %add3A_625 = arith.addi %add3A_624, %mul3A_623 : i32
        %get3A_626 = arith.constant 1 : i32
        %get3A_627 = arith.index_cast %get3A_626 : i32 to index
        %get3A_628 = arith.index_cast %add3A_625 : i32 to index
        %get3A_629 = arith.constant 0 : index
        %get3A_630 = tpu.vector_load %arg11[%get3A_627, %get3A_628, %get3A_629] {strides = array<i32>} : memref<4x200x64xf32, #tpu.memory_space<vmem>>, vector<1x1x16xf32>,
        %get3A_631 = vector.shape_cast %get3A_630 : vector<1x1x16xf32> to vector<16xf32>
        %add3A_632 = arith.addf %add3A_598, %get3A_631 : vector<16xf32>
        %get3A_633 = arith.constant 1 : i32
        %get3A_634 = arith.index_cast %get3A_633 : i32 to index
        %get3A_635 = arith.index_cast %add3A_625 : i32 to index
        %get3A_636 = arith.constant 16 : index
        %get3A_637 = tpu.vector_load %arg11[%get3A_634, %get3A_635, %get3A_636] {strides = array<i32>} : memref<4x200x64xf32, #tpu.memory_space<vmem>>, vector<1x1x16xf32>,
        %get3A_638 = vector.shape_cast %get3A_637 : vector<1x1x16xf32> to vector<16xf32>
        %add3A_639 = arith.addf %add3A_605, %get3A_638 : vector<16xf32>
        %get3A_640 = arith.constant 1 : i32
        %get3A_641 = arith.index_cast %get3A_640 : i32 to index
        %get3A_642 = arith.index_cast %add3A_625 : i32 to index
        %get3A_643 = arith.constant 32 : index
        %get3A_644 = tpu.vector_load %arg11[%get3A_641, %get3A_642, %get3A_643] {strides = array<i32>} : memref<4x200x64xf32, #tpu.memory_space<vmem>>, vector<1x1x16xf32>,
        %get3A_645 = vector.shape_cast %get3A_644 : vector<1x1x16xf32> to vector<16xf32>
        %add3A_646 = arith.addf %add3A_612, %get3A_645 : vector<16xf32>
        %get3A_647 = arith.constant 1 : i32
        %get3A_648 = arith.index_cast %get3A_647 : i32 to index
        %get3A_649 = arith.index_cast %add3A_625 : i32 to index
        %get3A_650 = arith.constant 48 : index
        %get3A_651 = tpu.vector_load %arg11[%get3A_648, %get3A_649, %get3A_650] {strides = array<i32>} : memref<4x200x64xf32, #tpu.memory_space<vmem>>, vector<1x1x16xf32>,
        %get3A_652 = vector.shape_cast %get3A_651 : vector<1x1x16xf32> to vector<16xf32>
        %add3A_653 = arith.addf %add3A_619, %get3A_652 : vector<16xf32>
        %scan3A_654 = arith.constant 7 : i32
        %scan3A_655 = arith.addi %scan3A_414, %scan3A_654 : i32
        %mul3A_656 = arith.constant 1 : i32
        %mul3A_657 = arith.muli %scan3A_655, %mul3A_656 : i32
        %add3A_658 = arith.constant 0 : i32
        %add3A_659 = arith.addi %add3A_658, %mul3A_657 : i32
        %get3A_660 = arith.constant 1 : i32
        %get3A_661 = arith.index_cast %get3A_660 : i32 to index
        %get3A_662 = arith.index_cast %add3A_659 : i32 to index
        %get3A_663 = arith.constant 0 : index
        %get3A_664 = tpu.vector_load %arg11[%get3A_661, %get3A_662, %get3A_663] {strides = array<i32>} : memref<4x200x64xf32, #tpu.memory_space<vmem>>, vector<1x1x16xf32>,
        %get3A_665 = vector.shape_cast %get3A_664 : vector<1x1x16xf32> to vector<16xf32>
        %add3A_666 = arith.addf %add3A_632, %get3A_665 : vector<16xf32>
        %get3A_667 = arith.constant 1 : i32
        %get3A_668 = arith.index_cast %get3A_667 : i32 to index
        %get3A_669 = arith.index_cast %add3A_659 : i32 to index
        %get3A_670 = arith.constant 16 : index
        %get3A_671 = tpu.vector_load %arg11[%get3A_668, %get3A_669, %get3A_670] {strides = array<i32>} : memref<4x200x64xf32, #tpu.memory_space<vmem>>, vector<1x1x16xf32>,
        %get3A_672 = vector.shape_cast %get3A_671 : vector<1x1x16xf32> to vector<16xf32>
        %add3A_673 = arith.addf %add3A_639, %get3A_672 : vector<16xf32>
        %get3A_674 = arith.constant 1 : i32
        %get3A_675 = arith.index_cast %get3A_674 : i32 to index
        %get3A_676 = arith.index_cast %add3A_659 : i32 to index
        %get3A_677 = arith.constant 32 : index
        %get3A_678 = tpu.vector_load %arg11[%get3A_675, %get3A_676, %get3A_677] {strides = array<i32>} : memref<4x200x64xf32, #tpu.memory_space<vmem>>, vector<1x1x16xf32>,
        %get3A_679 = vector.shape_cast %get3A_678 : vector<1x1x16xf32> to vector<16xf32>
        %add3A_680 = arith.addf %add3A_646, %get3A_679 : vector<16xf32>
        %get3A_681 = arith.constant 1 : i32
        %get3A_682 = arith.index_cast %get3A_681 : i32 to index
        %get3A_683 = arith.index_cast %add3A_659 : i32 to index
        %get3A_684 = arith.constant 48 : index
        %get3A_685 = tpu.vector_load %arg11[%get3A_682, %get3A_683, %get3A_684] {strides = array<i32>} : memref<4x200x64xf32, #tpu.memory_space<vmem>>, vector<1x1x16xf32>,
        %get3A_686 = vector.shape_cast %get3A_685 : vector<1x1x16xf32> to vector<16xf32>
        %add3A_687 = arith.addf %add3A_653, %get3A_686 : vector<16xf32>
        scf.yield %add3A_666, %add3A_673, %add3A_680, %add3A_687 : vector<16xf32>, vector<16xf32>, vector<16xf32>, vector<16xf32>
      }
      %scan3A_264 = arith.constant 200 : i32
      %swap3A_265 = arith.index_cast %add3A_205 : i32 to index
      %swap3A_266 = arith.constant 0 : index
      %swap3A_267 = tpu.vector_load %arg12[%swap3A_265, %swap3A_266] {strides = array<i32>} : memref<128x64xf32, #tpu.memory_space<vmem>>, vector<1x16xf32>,
      %swap3A_268 = vector.shape_cast %swap3A_267 : vector<1x16xf32> to vector<16xf32>
      %swap3A_269 = vector.shape_cast %scan3A_263#0 : vector<16xf32> to vector<1x16xf32>
      tpu.vector_store %arg12[%swap3A_265, %swap3A_266], %swap3A_269 {strides = array<i32>} : memref<128x64xf32, #tpu.memory_space<vmem>>, vector<1x16xf32>,
      %swap3A_270 = arith.index_cast %add3A_205 : i32 to index
      %swap3A_271 = arith.constant 16 : index
      %swap3A_272 = tpu.vector_load %arg12[%swap3A_270, %swap3A_271] {strides = array<i32>} : memref<128x64xf32, #tpu.memory_space<vmem>>, vector<1x16xf32>,
      %swap3A_273 = vector.shape_cast %swap3A_272 : vector<1x16xf32> to vector<16xf32>
      %swap3A_274 = vector.shape_cast %scan3A_263#1 : vector<16xf32> to vector<1x16xf32>
      tpu.vector_store %arg12[%swap3A_270, %swap3A_271], %swap3A_274 {strides = array<i32>} : memref<128x64xf32, #tpu.memory_space<vmem>>, vector<1x16xf32>,
      %swap3A_275 = arith.index_cast %add3A_205 : i32 to index
      %swap3A_276 = arith.constant 32 : index
      %swap3A_277 = tpu.vector_load %arg12[%swap3A_275, %swap3A_276] {strides = array<i32>} : memref<128x64xf32, #tpu.memory_space<vmem>>, vector<1x16xf32>,
      %swap3A_278 = vector.shape_cast %swap3A_277 : vector<1x16xf32> to vector<16xf32>
      %swap3A_279 = vector.shape_cast %scan3A_263#2 : vector<16xf32> to vector<1x16xf32>
      tpu.vector_store %arg12[%swap3A_275, %swap3A_276], %swap3A_279 {strides = array<i32>} : memref<128x64xf32, #tpu.memory_space<vmem>>, vector<1x16xf32>,
      %swap3A_280 = arith.index_cast %add3A_205 : i32 to index
      %swap3A_281 = arith.constant 48 : index
      %swap3A_282 = tpu.vector_load %arg12[%swap3A_280, %swap3A_281] {strides = array<i32>} : memref<128x64xf32, #tpu.memory_space<vmem>>, vector<1x16xf32>,
      %swap3A_283 = vector.shape_cast %swap3A_282 : vector<1x16xf32> to vector<16xf32>
      %swap3A_284 = vector.shape_cast %scan3A_263#3 : vector<16xf32> to vector<1x16xf32>
      tpu.vector_store %arg12[%swap3A_280, %swap3A_281], %swap3A_284 {strides = array<i32>} : memref<128x64xf32, #tpu.memory_space<vmem>>, vector<1x16xf32>,
      %lt3A_285 = arith.constant 31 : i32
      %lt3A_286 = arith.cmpi slt, %add3A_118, %lt3A_285 : i32
      %convert_element_type3A_287 = arith.extui %lt3A_286 : i1 to i32
      %cond3A_288 = arith.constant 0 : i32
      %cond3A_289 = arith.cmpi ne, %convert_element_type3A_287, %cond3A_288 : i32
      scf.if %cond3A_289 {
        %add3A_414 = arith.addi %mul3A_2, %add3A_205 : i32
        %add3A_415 = arith.constant 4 : i32
        %add3A_416 = arith.addi %add3A_414, %add3A_415 : i32
        %mul3A_417 = arith.constant 256 : i32
        %mul3A_418 = arith.muli %add3A_416, %mul3A_417 : i32
        %dma_start3A_419 = arith.constant 256 : i32
        %dma_start3A_420 = tpu.memref_slice %arg10[%dma_start3A_419] : memref<1024xi32, #tpu.memory_space<vmem>> -> memref<256xi32, #tpu.memory_space<vmem>>
        %dma_start3A_421 = tpu.memref_slice %arg2[%mul3A_418] : memref<1048576xi32, #tpu.memory_space<hbm>> -> memref<256xi32, #tpu.memory_space<hbm>>
        %dma_start3A_422 = arith.constant 256 : i32
        %dma_start3A_423 = tpu.memref_slice %arg10[%dma_start3A_422] : memref<1024xi32, #tpu.memory_space<vmem>> -> memref<256xi32, #tpu.memory_space<vmem>>
        %dma_start3A_424 = tpu.memref_slice %arg2[%mul3A_418] : memref<1048576xi32, #tpu.memory_space<hbm>> -> memref<256xi32, #tpu.memory_space<hbm>>
        tpu.enqueue_dma source(%dma_start3A_424 : memref<256xi32, #tpu.memory_space<hbm>>) target(%dma_start3A_423 : memref<256xi32, #tpu.memory_space<vmem>>) target_semaphore(%arg18 : memref<!tpu.dma_semaphore, #tpu.memory_space<semaphore_mem>>)
      } else {
      }
      %mul3A_290 = arith.constant 4 : i32
      %mul3A_291 = arith.muli %add3A_118, %mul3A_290 : i32
      %add3A_292 = arith.constant 2 : i32
      %add3A_293 = arith.addi %mul3A_291, %add3A_292 : i32
      %lt3A_294 = arith.constant 31 : i32
      %lt3A_295 = arith.cmpi slt, %add3A_118, %lt3A_294 : i32
      %convert_element_type3A_296 = arith.extui %lt3A_295 : i1 to i32
      %cond3A_297 = arith.constant 0 : i32
      %cond3A_298 = arith.cmpi ne, %convert_element_type3A_296, %cond3A_297 : i32
      scf.if %cond3A_298 {
        %add3A_414 = arith.addi %mul3A_2, %add3A_293 : i32
        %add3A_415 = arith.constant 2 : i32
        %add3A_416 = arith.addi %add3A_414, %add3A_415 : i32
        %mul3A_417 = arith.constant 256 : i32
        %mul3A_418 = arith.muli %add3A_416, %mul3A_417 : i32
        %dma_wait3A_419 = arith.constant 0 : i32
        %dma_wait3A_420 = tpu.memref_slice %arg10[%dma_wait3A_419] : memref<1024xi32, #tpu.memory_space<vmem>> -> memref<256xi32, #tpu.memory_space<vmem>>
        %dma_wait3A_421 = tpu.memref_slice %arg2[%mul3A_418] : memref<1048576xi32, #tpu.memory_space<hbm>> -> memref<256xi32, #tpu.memory_space<hbm>>
        %dma_wait3A_422 = arith.constant 0 : i32
        %dma_wait3A_423 = tpu.memref_slice %arg10[%dma_wait3A_422] : memref<1024xi32, #tpu.memory_space<vmem>> -> memref<256xi32, #tpu.memory_space<vmem>>
        %dma_wait3A_424 = tpu.memref_slice %arg2[%mul3A_418] : memref<1048576xi32, #tpu.memory_space<hbm>> -> memref<256xi32, #tpu.memory_space<hbm>>
        tpu.wait_dma2 semaphore(%arg17 : memref<!tpu.dma_semaphore, #tpu.memory_space<semaphore_mem>>) src(%dma_wait3A_424 : memref<256xi32, #tpu.memory_space<hbm>>) dst(%dma_wait3A_423 : memref<256xi32, #tpu.memory_space<vmem>>)
        %dma_start3A_425 = arith.constant 0 : i32
        %dma_start3A_426 = arith.constant 0 : i32
        %dma_start3A_427 = arith.constant 0 : i32
        %dma_start3A_428 = tpu.memref_slice %arg11[%dma_start3A_425, %dma_start3A_426, %dma_start3A_427] : memref<4x200x64xf32, #tpu.memory_space<vmem>> -> memref<1x128x64xf32, #tpu.memory_space<vmem>>
        %dma_start3A_429 = tpu.memref_squeeze %dma_start3A_428 : memref<1x128x64xf32, #tpu.memory_space<vmem>> -> memref<128x64xf32, #tpu.memory_space<vmem>>
        %dma_start3A_430 = arith.constant 0 : i32
        %dma_start3A_431 = tpu.memref_slice %arg10[%dma_start3A_430] : memref<1024xi32, #tpu.memory_space<vmem>> -> memref<128xi32, #tpu.memory_space<vmem>>
        %dma_start3A_432 = arith.constant 0 : i32
        %dma_start3A_433 = arith.constant 0 : i32
        %dma_start3A_434 = tpu.memref_slice %arg3[%dma_start3A_432, %dma_start3A_433] : memref<1000000x64xf32, #tpu.memory_space<hbm>> -> memref<1000000x64xf32, #tpu.memory_space<hbm>>
        tpu.enqueue_indirect_dma source(%dma_start3A_434 : memref<1000000x64xf32, #tpu.memory_space<hbm>>) target(%dma_start3A_429 : memref<128x64xf32, #tpu.memory_space<vmem>>) offsets(%dma_start3A_431 : memref<128xi32, #tpu.memory_space<vmem>>) semaphore(%arg21 : memref<!tpu.dma_semaphore, #tpu.memory_space<semaphore_mem>>)
        %dma_start3A_435 = arith.constant 0 : i32
        %dma_start3A_436 = arith.constant 128 : i32
        %dma_start3A_437 = arith.constant 0 : i32
        %dma_start3A_438 = tpu.memref_slice %arg11[%dma_start3A_435, %dma_start3A_436, %dma_start3A_437] : memref<4x200x64xf32, #tpu.memory_space<vmem>> -> memref<1x72x64xf32, #tpu.memory_space<vmem>>
        %dma_start3A_439 = tpu.memref_squeeze %dma_start3A_438 : memref<1x72x64xf32, #tpu.memory_space<vmem>> -> memref<72x64xf32, #tpu.memory_space<vmem>>
        %dma_start3A_440 = arith.constant 128 : i32
        %dma_start3A_441 = tpu.memref_slice %arg10[%dma_start3A_440] : memref<1024xi32, #tpu.memory_space<vmem>> -> memref<72xi32, #tpu.memory_space<vmem>>
        %dma_start3A_442 = arith.constant 0 : i32
        %dma_start3A_443 = arith.constant 0 : i32
        %dma_start3A_444 = tpu.memref_slice %arg3[%dma_start3A_442, %dma_start3A_443] : memref<1000000x64xf32, #tpu.memory_space<hbm>> -> memref<1000000x64xf32, #tpu.memory_space<hbm>>
        tpu.enqueue_indirect_dma source(%dma_start3A_444 : memref<1000000x64xf32, #tpu.memory_space<hbm>>) target(%dma_start3A_439 : memref<72x64xf32, #tpu.memory_space<vmem>>) offsets(%dma_start3A_441 : memref<72xi32, #tpu.memory_space<vmem>>) semaphore(%arg21 : memref<!tpu.dma_semaphore, #tpu.memory_space<semaphore_mem>>)
      } else {
      }
      %dma_wait3A_299 = arith.constant 2 : i32
      %dma_wait3A_300 = arith.constant 0 : i32
      %dma_wait3A_301 = arith.constant 0 : i32
      %dma_wait3A_302 = tpu.memref_slice %arg11[%dma_wait3A_299, %dma_wait3A_300, %dma_wait3A_301] : memref<4x200x64xf32, #tpu.memory_space<vmem>> -> memref<1x128x64xf32, #tpu.memory_space<vmem>>
      %dma_wait3A_303 = tpu.memref_squeeze %dma_wait3A_302 : memref<1x128x64xf32, #tpu.memory_space<vmem>> -> memref<128x64xf32, #tpu.memory_space<vmem>>
      %dma_wait3A_304 = arith.constant 512 : i32
      %dma_wait3A_305 = tpu.memref_slice %arg10[%dma_wait3A_304] : memref<1024xi32, #tpu.memory_space<vmem>> -> memref<128xi32, #tpu.memory_space<vmem>>
      %dma_wait3A_306 = arith.constant 0 : i32
      %dma_wait3A_307 = arith.constant 0 : i32
      %dma_wait3A_308 = tpu.memref_slice %arg3[%dma_wait3A_306, %dma_wait3A_307] : memref<1000000x64xf32, #tpu.memory_space<hbm>> -> memref<1000000x64xf32, #tpu.memory_space<hbm>>
      tpu.wait_indirect_dma semaphore(%arg23 : memref<!tpu.dma_semaphore, #tpu.memory_space<semaphore_mem>>) src(%dma_wait3A_308 : memref<1000000x64xf32, #tpu.memory_space<hbm>>) dst(%dma_wait3A_303 : memref<128x64xf32, #tpu.memory_space<vmem>>)
      %dma_wait3A_309 = arith.constant 2 : i32
      %dma_wait3A_310 = arith.constant 128 : i32
      %dma_wait3A_311 = arith.constant 0 : i32
      %dma_wait3A_312 = tpu.memref_slice %arg11[%dma_wait3A_309, %dma_wait3A_310, %dma_wait3A_311] : memref<4x200x64xf32, #tpu.memory_space<vmem>> -> memref<1x72x64xf32, #tpu.memory_space<vmem>>
      %dma_wait3A_313 = tpu.memref_squeeze %dma_wait3A_312 : memref<1x72x64xf32, #tpu.memory_space<vmem>> -> memref<72x64xf32, #tpu.memory_space<vmem>>
      %dma_wait3A_314 = arith.constant 640 : i32
      %dma_wait3A_315 = tpu.memref_slice %arg10[%dma_wait3A_314] : memref<1024xi32, #tpu.memory_space<vmem>> -> memref<72xi32, #tpu.memory_space<vmem>>
      %dma_wait3A_316 = arith.constant 0 : i32
      %dma_wait3A_317 = arith.constant 0 : i32
      %dma_wait3A_318 = tpu.memref_slice %arg3[%dma_wait3A_316, %dma_wait3A_317] : memref<1000000x64xf32, #tpu.memory_space<hbm>> -> memref<1000000x64xf32, #tpu.memory_space<hbm>>
      tpu.wait_indirect_dma semaphore(%arg23 : memref<!tpu.dma_semaphore, #tpu.memory_space<semaphore_mem>>) src(%dma_wait3A_318 : memref<1000000x64xf32, #tpu.memory_space<hbm>>) dst(%dma_wait3A_313 : memref<72x64xf32, #tpu.memory_space<vmem>>)
      %broadcast_in_dim3A_319 = arith.constant 0.000000e+00 : f32
      %broadcast_in_dim3A_320 = vector.broadcast %broadcast_in_dim3A_319 : f32 to vector<16xf32>
      %scan3A_321 = arith.constant 0 : i32
      %scan3A_322 = arith.constant 200 : i32
      %scan3A_323 = arith.addi %scan3A_321, %scan3A_322 : i32
      %scan3A_324 = arith.constant 8 : i32
      %scan3A_325:4 = scf.for %scan3A_414 = %scan3A_321 to %scan3A_323 step %scan3A_324 iter_args(%scan3A_415 = %broadcast_in_dim3A_320, %scan3A_416 = %broadcast_in_dim3A_320, %scan3A_417 = %broadcast_in_dim3A_320, %scan3A_418 = %broadcast_in_dim3A_320) -> (vector<16xf32>, vector<16xf32>, vector<16xf32>, vector<16xf32>)  : i32 {
        %mul3A_419 = arith.constant 1 : i32
        %mul3A_420 = arith.muli %scan3A_414, %mul3A_419 : i32
        %add3A_421 = arith.constant 0 : i32
        %add3A_422 = arith.addi %add3A_421, %mul3A_420 : i32
        %get3A = arith.constant 2 : i32
        %get3A_423 = arith.index_cast %get3A : i32 to index
        %get3A_424 = arith.index_cast %add3A_422 : i32 to index
        %get3A_425 = arith.constant 0 : index
        %get3A_426 = tpu.vector_load %arg11[%get3A_423, %get3A_424, %get3A_425] {strides = array<i32>} : memref<4x200x64xf32, #tpu.memory_space<vmem>>, vector<1x1x16xf32>,
        %get3A_427 = vector.shape_cast %get3A_426 : vector<1x1x16xf32> to vector<16xf32>
        %add3A_428 = arith.addf %scan3A_415, %get3A_427 : vector<16xf32>
        %get3A_429 = arith.constant 2 : i32
        %get3A_430 = arith.index_cast %get3A_429 : i32 to index
        %get3A_431 = arith.index_cast %add3A_422 : i32 to index
        %get3A_432 = arith.constant 16 : index
        %get3A_433 = tpu.vector_load %arg11[%get3A_430, %get3A_431, %get3A_432] {strides = array<i32>} : memref<4x200x64xf32, #tpu.memory_space<vmem>>, vector<1x1x16xf32>,
        %get3A_434 = vector.shape_cast %get3A_433 : vector<1x1x16xf32> to vector<16xf32>
        %add3A_435 = arith.addf %scan3A_416, %get3A_434 : vector<16xf32>
        %get3A_436 = arith.constant 2 : i32
        %get3A_437 = arith.index_cast %get3A_436 : i32 to index
        %get3A_438 = arith.index_cast %add3A_422 : i32 to index
        %get3A_439 = arith.constant 32 : index
        %get3A_440 = tpu.vector_load %arg11[%get3A_437, %get3A_438, %get3A_439] {strides = array<i32>} : memref<4x200x64xf32, #tpu.memory_space<vmem>>, vector<1x1x16xf32>,
        %get3A_441 = vector.shape_cast %get3A_440 : vector<1x1x16xf32> to vector<16xf32>
        %add3A_442 = arith.addf %scan3A_417, %get3A_441 : vector<16xf32>
        %get3A_443 = arith.constant 2 : i32
        %get3A_444 = arith.index_cast %get3A_443 : i32 to index
        %get3A_445 = arith.index_cast %add3A_422 : i32 to index
        %get3A_446 = arith.constant 48 : index
        %get3A_447 = tpu.vector_load %arg11[%get3A_444, %get3A_445, %get3A_446] {strides = array<i32>} : memref<4x200x64xf32, #tpu.memory_space<vmem>>, vector<1x1x16xf32>,
        %get3A_448 = vector.shape_cast %get3A_447 : vector<1x1x16xf32> to vector<16xf32>
        %add3A_449 = arith.addf %scan3A_418, %get3A_448 : vector<16xf32>
        %scan3A_450 = arith.constant 1 : i32
        %scan3A_451 = arith.addi %scan3A_414, %scan3A_450 : i32
        %mul3A_452 = arith.constant 1 : i32
        %mul3A_453 = arith.muli %scan3A_451, %mul3A_452 : i32
        %add3A_454 = arith.constant 0 : i32
        %add3A_455 = arith.addi %add3A_454, %mul3A_453 : i32
        %get3A_456 = arith.constant 2 : i32
        %get3A_457 = arith.index_cast %get3A_456 : i32 to index
        %get3A_458 = arith.index_cast %add3A_455 : i32 to index
        %get3A_459 = arith.constant 0 : index
        %get3A_460 = tpu.vector_load %arg11[%get3A_457, %get3A_458, %get3A_459] {strides = array<i32>} : memref<4x200x64xf32, #tpu.memory_space<vmem>>, vector<1x1x16xf32>,
        %get3A_461 = vector.shape_cast %get3A_460 : vector<1x1x16xf32> to vector<16xf32>
        %add3A_462 = arith.addf %add3A_428, %get3A_461 : vector<16xf32>
        %get3A_463 = arith.constant 2 : i32
        %get3A_464 = arith.index_cast %get3A_463 : i32 to index
        %get3A_465 = arith.index_cast %add3A_455 : i32 to index
        %get3A_466 = arith.constant 16 : index
        %get3A_467 = tpu.vector_load %arg11[%get3A_464, %get3A_465, %get3A_466] {strides = array<i32>} : memref<4x200x64xf32, #tpu.memory_space<vmem>>, vector<1x1x16xf32>,
        %get3A_468 = vector.shape_cast %get3A_467 : vector<1x1x16xf32> to vector<16xf32>
        %add3A_469 = arith.addf %add3A_435, %get3A_468 : vector<16xf32>
        %get3A_470 = arith.constant 2 : i32
        %get3A_471 = arith.index_cast %get3A_470 : i32 to index
        %get3A_472 = arith.index_cast %add3A_455 : i32 to index
        %get3A_473 = arith.constant 32 : index
        %get3A_474 = tpu.vector_load %arg11[%get3A_471, %get3A_472, %get3A_473] {strides = array<i32>} : memref<4x200x64xf32, #tpu.memory_space<vmem>>, vector<1x1x16xf32>,
        %get3A_475 = vector.shape_cast %get3A_474 : vector<1x1x16xf32> to vector<16xf32>
        %add3A_476 = arith.addf %add3A_442, %get3A_475 : vector<16xf32>
        %get3A_477 = arith.constant 2 : i32
        %get3A_478 = arith.index_cast %get3A_477 : i32 to index
        %get3A_479 = arith.index_cast %add3A_455 : i32 to index
        %get3A_480 = arith.constant 48 : index
        %get3A_481 = tpu.vector_load %arg11[%get3A_478, %get3A_479, %get3A_480] {strides = array<i32>} : memref<4x200x64xf32, #tpu.memory_space<vmem>>, vector<1x1x16xf32>,
        %get3A_482 = vector.shape_cast %get3A_481 : vector<1x1x16xf32> to vector<16xf32>
        %add3A_483 = arith.addf %add3A_449, %get3A_482 : vector<16xf32>
        %scan3A_484 = arith.constant 2 : i32
        %scan3A_485 = arith.addi %scan3A_414, %scan3A_484 : i32
        %mul3A_486 = arith.constant 1 : i32
        %mul3A_487 = arith.muli %scan3A_485, %mul3A_486 : i32
        %add3A_488 = arith.constant 0 : i32
        %add3A_489 = arith.addi %add3A_488, %mul3A_487 : i32
        %get3A_490 = arith.constant 2 : i32
        %get3A_491 = arith.index_cast %get3A_490 : i32 to index
        %get3A_492 = arith.index_cast %add3A_489 : i32 to index
        %get3A_493 = arith.constant 0 : index
        %get3A_494 = tpu.vector_load %arg11[%get3A_491, %get3A_492, %get3A_493] {strides = array<i32>} : memref<4x200x64xf32, #tpu.memory_space<vmem>>, vector<1x1x16xf32>,
        %get3A_495 = vector.shape_cast %get3A_494 : vector<1x1x16xf32> to vector<16xf32>
        %add3A_496 = arith.addf %add3A_462, %get3A_495 : vector<16xf32>
        %get3A_497 = arith.constant 2 : i32
        %get3A_498 = arith.index_cast %get3A_497 : i32 to index
        %get3A_499 = arith.index_cast %add3A_489 : i32 to index
        %get3A_500 = arith.constant 16 : index
        %get3A_501 = tpu.vector_load %arg11[%get3A_498, %get3A_499, %get3A_500] {strides = array<i32>} : memref<4x200x64xf32, #tpu.memory_space<vmem>>, vector<1x1x16xf32>,
        %get3A_502 = vector.shape_cast %get3A_501 : vector<1x1x16xf32> to vector<16xf32>
        %add3A_503 = arith.addf %add3A_469, %get3A_502 : vector<16xf32>
        %get3A_504 = arith.constant 2 : i32
        %get3A_505 = arith.index_cast %get3A_504 : i32 to index
        %get3A_506 = arith.index_cast %add3A_489 : i32 to index
        %get3A_507 = arith.constant 32 : index
        %get3A_508 = tpu.vector_load %arg11[%get3A_505, %get3A_506, %get3A_507] {strides = array<i32>} : memref<4x200x64xf32, #tpu.memory_space<vmem>>, vector<1x1x16xf32>,
        %get3A_509 = vector.shape_cast %get3A_508 : vector<1x1x16xf32> to vector<16xf32>
        %add3A_510 = arith.addf %add3A_476, %get3A_509 : vector<16xf32>
        %get3A_511 = arith.constant 2 : i32
        %get3A_512 = arith.index_cast %get3A_511 : i32 to index
        %get3A_513 = arith.index_cast %add3A_489 : i32 to index
        %get3A_514 = arith.constant 48 : index
        %get3A_515 = tpu.vector_load %arg11[%get3A_512, %get3A_513, %get3A_514] {strides = array<i32>} : memref<4x200x64xf32, #tpu.memory_space<vmem>>, vector<1x1x16xf32>,
        %get3A_516 = vector.shape_cast %get3A_515 : vector<1x1x16xf32> to vector<16xf32>
        %add3A_517 = arith.addf %add3A_483, %get3A_516 : vector<16xf32>
        %scan3A_518 = arith.constant 3 : i32
        %scan3A_519 = arith.addi %scan3A_414, %scan3A_518 : i32
        %mul3A_520 = arith.constant 1 : i32
        %mul3A_521 = arith.muli %scan3A_519, %mul3A_520 : i32
        %add3A_522 = arith.constant 0 : i32
        %add3A_523 = arith.addi %add3A_522, %mul3A_521 : i32
        %get3A_524 = arith.constant 2 : i32
        %get3A_525 = arith.index_cast %get3A_524 : i32 to index
        %get3A_526 = arith.index_cast %add3A_523 : i32 to index
        %get3A_527 = arith.constant 0 : index
        %get3A_528 = tpu.vector_load %arg11[%get3A_525, %get3A_526, %get3A_527] {strides = array<i32>} : memref<4x200x64xf32, #tpu.memory_space<vmem>>, vector<1x1x16xf32>,
        %get3A_529 = vector.shape_cast %get3A_528 : vector<1x1x16xf32> to vector<16xf32>
        %add3A_530 = arith.addf %add3A_496, %get3A_529 : vector<16xf32>
        %get3A_531 = arith.constant 2 : i32
        %get3A_532 = arith.index_cast %get3A_531 : i32 to index
        %get3A_533 = arith.index_cast %add3A_523 : i32 to index
        %get3A_534 = arith.constant 16 : index
        %get3A_535 = tpu.vector_load %arg11[%get3A_532, %get3A_533, %get3A_534] {strides = array<i32>} : memref<4x200x64xf32, #tpu.memory_space<vmem>>, vector<1x1x16xf32>,
        %get3A_536 = vector.shape_cast %get3A_535 : vector<1x1x16xf32> to vector<16xf32>
        %add3A_537 = arith.addf %add3A_503, %get3A_536 : vector<16xf32>
        %get3A_538 = arith.constant 2 : i32
        %get3A_539 = arith.index_cast %get3A_538 : i32 to index
        %get3A_540 = arith.index_cast %add3A_523 : i32 to index
        %get3A_541 = arith.constant 32 : index
        %get3A_542 = tpu.vector_load %arg11[%get3A_539, %get3A_540, %get3A_541] {strides = array<i32>} : memref<4x200x64xf32, #tpu.memory_space<vmem>>, vector<1x1x16xf32>,
        %get3A_543 = vector.shape_cast %get3A_542 : vector<1x1x16xf32> to vector<16xf32>
        %add3A_544 = arith.addf %add3A_510, %get3A_543 : vector<16xf32>
        %get3A_545 = arith.constant 2 : i32
        %get3A_546 = arith.index_cast %get3A_545 : i32 to index
        %get3A_547 = arith.index_cast %add3A_523 : i32 to index
        %get3A_548 = arith.constant 48 : index
        %get3A_549 = tpu.vector_load %arg11[%get3A_546, %get3A_547, %get3A_548] {strides = array<i32>} : memref<4x200x64xf32, #tpu.memory_space<vmem>>, vector<1x1x16xf32>,
        %get3A_550 = vector.shape_cast %get3A_549 : vector<1x1x16xf32> to vector<16xf32>
        %add3A_551 = arith.addf %add3A_517, %get3A_550 : vector<16xf32>
        %scan3A_552 = arith.constant 4 : i32
        %scan3A_553 = arith.addi %scan3A_414, %scan3A_552 : i32
        %mul3A_554 = arith.constant 1 : i32
        %mul3A_555 = arith.muli %scan3A_553, %mul3A_554 : i32
        %add3A_556 = arith.constant 0 : i32
        %add3A_557 = arith.addi %add3A_556, %mul3A_555 : i32
        %get3A_558 = arith.constant 2 : i32
        %get3A_559 = arith.index_cast %get3A_558 : i32 to index
        %get3A_560 = arith.index_cast %add3A_557 : i32 to index
        %get3A_561 = arith.constant 0 : index
        %get3A_562 = tpu.vector_load %arg11[%get3A_559, %get3A_560, %get3A_561] {strides = array<i32>} : memref<4x200x64xf32, #tpu.memory_space<vmem>>, vector<1x1x16xf32>,
        %get3A_563 = vector.shape_cast %get3A_562 : vector<1x1x16xf32> to vector<16xf32>
        %add3A_564 = arith.addf %add3A_530, %get3A_563 : vector<16xf32>
        %get3A_565 = arith.constant 2 : i32
        %get3A_566 = arith.index_cast %get3A_565 : i32 to index
        %get3A_567 = arith.index_cast %add3A_557 : i32 to index
        %get3A_568 = arith.constant 16 : index
        %get3A_569 = tpu.vector_load %arg11[%get3A_566, %get3A_567, %get3A_568] {strides = array<i32>} : memref<4x200x64xf32, #tpu.memory_space<vmem>>, vector<1x1x16xf32>,
        %get3A_570 = vector.shape_cast %get3A_569 : vector<1x1x16xf32> to vector<16xf32>
        %add3A_571 = arith.addf %add3A_537, %get3A_570 : vector<16xf32>
        %get3A_572 = arith.constant 2 : i32
        %get3A_573 = arith.index_cast %get3A_572 : i32 to index
        %get3A_574 = arith.index_cast %add3A_557 : i32 to index
        %get3A_575 = arith.constant 32 : index
        %get3A_576 = tpu.vector_load %arg11[%get3A_573, %get3A_574, %get3A_575] {strides = array<i32>} : memref<4x200x64xf32, #tpu.memory_space<vmem>>, vector<1x1x16xf32>,
        %get3A_577 = vector.shape_cast %get3A_576 : vector<1x1x16xf32> to vector<16xf32>
        %add3A_578 = arith.addf %add3A_544, %get3A_577 : vector<16xf32>
        %get3A_579 = arith.constant 2 : i32
        %get3A_580 = arith.index_cast %get3A_579 : i32 to index
        %get3A_581 = arith.index_cast %add3A_557 : i32 to index
        %get3A_582 = arith.constant 48 : index
        %get3A_583 = tpu.vector_load %arg11[%get3A_580, %get3A_581, %get3A_582] {strides = array<i32>} : memref<4x200x64xf32, #tpu.memory_space<vmem>>, vector<1x1x16xf32>,
        %get3A_584 = vector.shape_cast %get3A_583 : vector<1x1x16xf32> to vector<16xf32>
        %add3A_585 = arith.addf %add3A_551, %get3A_584 : vector<16xf32>
        %scan3A_586 = arith.constant 5 : i32
        %scan3A_587 = arith.addi %scan3A_414, %scan3A_586 : i32
        %mul3A_588 = arith.constant 1 : i32
        %mul3A_589 = arith.muli %scan3A_587, %mul3A_588 : i32
        %add3A_590 = arith.constant 0 : i32
        %add3A_591 = arith.addi %add3A_590, %mul3A_589 : i32
        %get3A_592 = arith.constant 2 : i32
        %get3A_593 = arith.index_cast %get3A_592 : i32 to index
        %get3A_594 = arith.index_cast %add3A_591 : i32 to index
        %get3A_595 = arith.constant 0 : index
        %get3A_596 = tpu.vector_load %arg11[%get3A_593, %get3A_594, %get3A_595] {strides = array<i32>} : memref<4x200x64xf32, #tpu.memory_space<vmem>>, vector<1x1x16xf32>,
        %get3A_597 = vector.shape_cast %get3A_596 : vector<1x1x16xf32> to vector<16xf32>
        %add3A_598 = arith.addf %add3A_564, %get3A_597 : vector<16xf32>
        %get3A_599 = arith.constant 2 : i32
        %get3A_600 = arith.index_cast %get3A_599 : i32 to index
        %get3A_601 = arith.index_cast %add3A_591 : i32 to index
        %get3A_602 = arith.constant 16 : index
        %get3A_603 = tpu.vector_load %arg11[%get3A_600, %get3A_601, %get3A_602] {strides = array<i32>} : memref<4x200x64xf32, #tpu.memory_space<vmem>>, vector<1x1x16xf32>,
        %get3A_604 = vector.shape_cast %get3A_603 : vector<1x1x16xf32> to vector<16xf32>
        %add3A_605 = arith.addf %add3A_571, %get3A_604 : vector<16xf32>
        %get3A_606 = arith.constant 2 : i32
        %get3A_607 = arith.index_cast %get3A_606 : i32 to index
        %get3A_608 = arith.index_cast %add3A_591 : i32 to index
        %get3A_609 = arith.constant 32 : index
        %get3A_610 = tpu.vector_load %arg11[%get3A_607, %get3A_608, %get3A_609] {strides = array<i32>} : memref<4x200x64xf32, #tpu.memory_space<vmem>>, vector<1x1x16xf32>,
        %get3A_611 = vector.shape_cast %get3A_610 : vector<1x1x16xf32> to vector<16xf32>
        %add3A_612 = arith.addf %add3A_578, %get3A_611 : vector<16xf32>
        %get3A_613 = arith.constant 2 : i32
        %get3A_614 = arith.index_cast %get3A_613 : i32 to index
        %get3A_615 = arith.index_cast %add3A_591 : i32 to index
        %get3A_616 = arith.constant 48 : index
        %get3A_617 = tpu.vector_load %arg11[%get3A_614, %get3A_615, %get3A_616] {strides = array<i32>} : memref<4x200x64xf32, #tpu.memory_space<vmem>>, vector<1x1x16xf32>,
        %get3A_618 = vector.shape_cast %get3A_617 : vector<1x1x16xf32> to vector<16xf32>
        %add3A_619 = arith.addf %add3A_585, %get3A_618 : vector<16xf32>
        %scan3A_620 = arith.constant 6 : i32
        %scan3A_621 = arith.addi %scan3A_414, %scan3A_620 : i32
        %mul3A_622 = arith.constant 1 : i32
        %mul3A_623 = arith.muli %scan3A_621, %mul3A_622 : i32
        %add3A_624 = arith.constant 0 : i32
        %add3A_625 = arith.addi %add3A_624, %mul3A_623 : i32
        %get3A_626 = arith.constant 2 : i32
        %get3A_627 = arith.index_cast %get3A_626 : i32 to index
        %get3A_628 = arith.index_cast %add3A_625 : i32 to index
        %get3A_629 = arith.constant 0 : index
        %get3A_630 = tpu.vector_load %arg11[%get3A_627, %get3A_628, %get3A_629] {strides = array<i32>} : memref<4x200x64xf32, #tpu.memory_space<vmem>>, vector<1x1x16xf32>,
        %get3A_631 = vector.shape_cast %get3A_630 : vector<1x1x16xf32> to vector<16xf32>
        %add3A_632 = arith.addf %add3A_598, %get3A_631 : vector<16xf32>
        %get3A_633 = arith.constant 2 : i32
        %get3A_634 = arith.index_cast %get3A_633 : i32 to index
        %get3A_635 = arith.index_cast %add3A_625 : i32 to index
        %get3A_636 = arith.constant 16 : index
        %get3A_637 = tpu.vector_load %arg11[%get3A_634, %get3A_635, %get3A_636] {strides = array<i32>} : memref<4x200x64xf32, #tpu.memory_space<vmem>>, vector<1x1x16xf32>,
        %get3A_638 = vector.shape_cast %get3A_637 : vector<1x1x16xf32> to vector<16xf32>
        %add3A_639 = arith.addf %add3A_605, %get3A_638 : vector<16xf32>
        %get3A_640 = arith.constant 2 : i32
        %get3A_641 = arith.index_cast %get3A_640 : i32 to index
        %get3A_642 = arith.index_cast %add3A_625 : i32 to index
        %get3A_643 = arith.constant 32 : index
        %get3A_644 = tpu.vector_load %arg11[%get3A_641, %get3A_642, %get3A_643] {strides = array<i32>} : memref<4x200x64xf32, #tpu.memory_space<vmem>>, vector<1x1x16xf32>,
        %get3A_645 = vector.shape_cast %get3A_644 : vector<1x1x16xf32> to vector<16xf32>
        %add3A_646 = arith.addf %add3A_612, %get3A_645 : vector<16xf32>
        %get3A_647 = arith.constant 2 : i32
        %get3A_648 = arith.index_cast %get3A_647 : i32 to index
        %get3A_649 = arith.index_cast %add3A_625 : i32 to index
        %get3A_650 = arith.constant 48 : index
        %get3A_651 = tpu.vector_load %arg11[%get3A_648, %get3A_649, %get3A_650] {strides = array<i32>} : memref<4x200x64xf32, #tpu.memory_space<vmem>>, vector<1x1x16xf32>,
        %get3A_652 = vector.shape_cast %get3A_651 : vector<1x1x16xf32> to vector<16xf32>
        %add3A_653 = arith.addf %add3A_619, %get3A_652 : vector<16xf32>
        %scan3A_654 = arith.constant 7 : i32
        %scan3A_655 = arith.addi %scan3A_414, %scan3A_654 : i32
        %mul3A_656 = arith.constant 1 : i32
        %mul3A_657 = arith.muli %scan3A_655, %mul3A_656 : i32
        %add3A_658 = arith.constant 0 : i32
        %add3A_659 = arith.addi %add3A_658, %mul3A_657 : i32
        %get3A_660 = arith.constant 2 : i32
        %get3A_661 = arith.index_cast %get3A_660 : i32 to index
        %get3A_662 = arith.index_cast %add3A_659 : i32 to index
        %get3A_663 = arith.constant 0 : index
        %get3A_664 = tpu.vector_load %arg11[%get3A_661, %get3A_662, %get3A_663] {strides = array<i32>} : memref<4x200x64xf32, #tpu.memory_space<vmem>>, vector<1x1x16xf32>,
        %get3A_665 = vector.shape_cast %get3A_664 : vector<1x1x16xf32> to vector<16xf32>
        %add3A_666 = arith.addf %add3A_632, %get3A_665 : vector<16xf32>
        %get3A_667 = arith.constant 2 : i32
        %get3A_668 = arith.index_cast %get3A_667 : i32 to index
        %get3A_669 = arith.index_cast %add3A_659 : i32 to index
        %get3A_670 = arith.constant 16 : index
        %get3A_671 = tpu.vector_load %arg11[%get3A_668, %get3A_669, %get3A_670] {strides = array<i32>} : memref<4x200x64xf32, #tpu.memory_space<vmem>>, vector<1x1x16xf32>,
        %get3A_672 = vector.shape_cast %get3A_671 : vector<1x1x16xf32> to vector<16xf32>
        %add3A_673 = arith.addf %add3A_639, %get3A_672 : vector<16xf32>
        %get3A_674 = arith.constant 2 : i32
        %get3A_675 = arith.index_cast %get3A_674 : i32 to index
        %get3A_676 = arith.index_cast %add3A_659 : i32 to index
        %get3A_677 = arith.constant 32 : index
        %get3A_678 = tpu.vector_load %arg11[%get3A_675, %get3A_676, %get3A_677] {strides = array<i32>} : memref<4x200x64xf32, #tpu.memory_space<vmem>>, vector<1x1x16xf32>,
        %get3A_679 = vector.shape_cast %get3A_678 : vector<1x1x16xf32> to vector<16xf32>
        %add3A_680 = arith.addf %add3A_646, %get3A_679 : vector<16xf32>
        %get3A_681 = arith.constant 2 : i32
        %get3A_682 = arith.index_cast %get3A_681 : i32 to index
        %get3A_683 = arith.index_cast %add3A_659 : i32 to index
        %get3A_684 = arith.constant 48 : index
        %get3A_685 = tpu.vector_load %arg11[%get3A_682, %get3A_683, %get3A_684] {strides = array<i32>} : memref<4x200x64xf32, #tpu.memory_space<vmem>>, vector<1x1x16xf32>,
        %get3A_686 = vector.shape_cast %get3A_685 : vector<1x1x16xf32> to vector<16xf32>
        %add3A_687 = arith.addf %add3A_653, %get3A_686 : vector<16xf32>
        scf.yield %add3A_666, %add3A_673, %add3A_680, %add3A_687 : vector<16xf32>, vector<16xf32>, vector<16xf32>, vector<16xf32>
      }
      %scan3A_326 = arith.constant 200 : i32
      %swap3A_327 = arith.index_cast %add3A_293 : i32 to index
      %swap3A_328 = arith.constant 0 : index
      %swap3A_329 = tpu.vector_load %arg12[%swap3A_327, %swap3A_328] {strides = array<i32>} : memref<128x64xf32, #tpu.memory_space<vmem>>, vector<1x16xf32>,
      %swap3A_330 = vector.shape_cast %swap3A_329 : vector<1x16xf32> to vector<16xf32>
      %swap3A_331 = vector.shape_cast %scan3A_325#0 : vector<16xf32> to vector<1x16xf32>
      tpu.vector_store %arg12[%swap3A_327, %swap3A_328], %swap3A_331 {strides = array<i32>} : memref<128x64xf32, #tpu.memory_space<vmem>>, vector<1x16xf32>,
      %swap3A_332 = arith.index_cast %add3A_293 : i32 to index
      %swap3A_333 = arith.constant 16 : index
      %swap3A_334 = tpu.vector_load %arg12[%swap3A_332, %swap3A_333] {strides = array<i32>} : memref<128x64xf32, #tpu.memory_space<vmem>>, vector<1x16xf32>,
      %swap3A_335 = vector.shape_cast %swap3A_334 : vector<1x16xf32> to vector<16xf32>
      %swap3A_336 = vector.shape_cast %scan3A_325#1 : vector<16xf32> to vector<1x16xf32>
      tpu.vector_store %arg12[%swap3A_332, %swap3A_333], %swap3A_336 {strides = array<i32>} : memref<128x64xf32, #tpu.memory_space<vmem>>, vector<1x16xf32>,
      %swap3A_337 = arith.index_cast %add3A_293 : i32 to index
      %swap3A_338 = arith.constant 32 : index
      %swap3A_339 = tpu.vector_load %arg12[%swap3A_337, %swap3A_338] {strides = array<i32>} : memref<128x64xf32, #tpu.memory_space<vmem>>, vector<1x16xf32>,
      %swap3A_340 = vector.shape_cast %swap3A_339 : vector<1x16xf32> to vector<16xf32>
      %swap3A_341 = vector.shape_cast %scan3A_325#2 : vector<16xf32> to vector<1x16xf32>
      tpu.vector_store %arg12[%swap3A_337, %swap3A_338], %swap3A_341 {strides = array<i32>} : memref<128x64xf32, #tpu.memory_space<vmem>>, vector<1x16xf32>,
      %swap3A_342 = arith.index_cast %add3A_293 : i32 to index
      %swap3A_343 = arith.constant 48 : index
      %swap3A_344 = tpu.vector_load %arg12[%swap3A_342, %swap3A_343] {strides = array<i32>} : memref<128x64xf32, #tpu.memory_space<vmem>>, vector<1x16xf32>,
      %swap3A_345 = vector.shape_cast %swap3A_344 : vector<1x16xf32> to vector<16xf32>
      %swap3A_346 = vector.shape_cast %scan3A_325#3 : vector<16xf32> to vector<1x16xf32>
      tpu.vector_store %arg12[%swap3A_342, %swap3A_343], %swap3A_346 {strides = array<i32>} : memref<128x64xf32, #tpu.memory_space<vmem>>, vector<1x16xf32>,
      %lt3A_347 = arith.constant 31 : i32
      %lt3A_348 = arith.cmpi slt, %add3A_118, %lt3A_347 : i32
      %convert_element_type3A_349 = arith.extui %lt3A_348 : i1 to i32
      %cond3A_350 = arith.constant 0 : i32
      %cond3A_351 = arith.cmpi ne, %convert_element_type3A_349, %cond3A_350 : i32
      scf.if %cond3A_351 {
        %add3A_414 = arith.addi %mul3A_2, %add3A_293 : i32
        %add3A_415 = arith.constant 4 : i32
        %add3A_416 = arith.addi %add3A_414, %add3A_415 : i32
        %mul3A_417 = arith.constant 256 : i32
        %mul3A_418 = arith.muli %add3A_416, %mul3A_417 : i32
        %dma_start3A_419 = arith.constant 512 : i32
        %dma_start3A_420 = tpu.memref_slice %arg10[%dma_start3A_419] : memref<1024xi32, #tpu.memory_space<vmem>> -> memref<256xi32, #tpu.memory_space<vmem>>
        %dma_start3A_421 = tpu.memref_slice %arg2[%mul3A_418] : memref<1048576xi32, #tpu.memory_space<hbm>> -> memref<256xi32, #tpu.memory_space<hbm>>
        %dma_start3A_422 = arith.constant 512 : i32
        %dma_start3A_423 = tpu.memref_slice %arg10[%dma_start3A_422] : memref<1024xi32, #tpu.memory_space<vmem>> -> memref<256xi32, #tpu.memory_space<vmem>>
        %dma_start3A_424 = tpu.memref_slice %arg2[%mul3A_418] : memref<1048576xi32, #tpu.memory_space<hbm>> -> memref<256xi32, #tpu.memory_space<hbm>>
        tpu.enqueue_dma source(%dma_start3A_424 : memref<256xi32, #tpu.memory_space<hbm>>) target(%dma_start3A_423 : memref<256xi32, #tpu.memory_space<vmem>>) target_semaphore(%arg19 : memref<!tpu.dma_semaphore, #tpu.memory_space<semaphore_mem>>)
      } else {
      }
      %mul3A_352 = arith.constant 4 : i32
      %mul3A_353 = arith.muli %add3A_118, %mul3A_352 : i32
      %add3A_354 = arith.constant 3 : i32
      %add3A_355 = arith.addi %mul3A_353, %add3A_354 : i32
      %lt3A_356 = arith.constant 31 : i32
      %lt3A_357 = arith.cmpi slt, %add3A_118, %lt3A_356 : i32
      %convert_element_type3A_358 = arith.extui %lt3A_357 : i1 to i32
      %cond3A_359 = arith.constant 0 : i32
      %cond3A_360 = arith.cmpi ne, %convert_element_type3A_358, %cond3A_359 : i32
      scf.if %cond3A_360 {
        %add3A_414 = arith.addi %mul3A_2, %add3A_355 : i32
        %add3A_415 = arith.constant 2 : i32
        %add3A_416 = arith.addi %add3A_414, %add3A_415 : i32
        %mul3A_417 = arith.constant 256 : i32
        %mul3A_418 = arith.muli %add3A_416, %mul3A_417 : i32
        %dma_wait3A_419 = arith.constant 256 : i32
        %dma_wait3A_420 = tpu.memref_slice %arg10[%dma_wait3A_419] : memref<1024xi32, #tpu.memory_space<vmem>> -> memref<256xi32, #tpu.memory_space<vmem>>
        %dma_wait3A_421 = tpu.memref_slice %arg2[%mul3A_418] : memref<1048576xi32, #tpu.memory_space<hbm>> -> memref<256xi32, #tpu.memory_space<hbm>>
        %dma_wait3A_422 = arith.constant 256 : i32
        %dma_wait3A_423 = tpu.memref_slice %arg10[%dma_wait3A_422] : memref<1024xi32, #tpu.memory_space<vmem>> -> memref<256xi32, #tpu.memory_space<vmem>>
        %dma_wait3A_424 = tpu.memref_slice %arg2[%mul3A_418] : memref<1048576xi32, #tpu.memory_space<hbm>> -> memref<256xi32, #tpu.memory_space<hbm>>
        tpu.wait_dma2 semaphore(%arg18 : memref<!tpu.dma_semaphore, #tpu.memory_space<semaphore_mem>>) src(%dma_wait3A_424 : memref<256xi32, #tpu.memory_space<hbm>>) dst(%dma_wait3A_423 : memref<256xi32, #tpu.memory_space<vmem>>)
        %dma_start3A_425 = arith.constant 1 : i32
        %dma_start3A_426 = arith.constant 0 : i32
        %dma_start3A_427 = arith.constant 0 : i32
        %dma_start3A_428 = tpu.memref_slice %arg11[%dma_start3A_425, %dma_start3A_426, %dma_start3A_427] : memref<4x200x64xf32, #tpu.memory_space<vmem>> -> memref<1x128x64xf32, #tpu.memory_space<vmem>>
        %dma_start3A_429 = tpu.memref_squeeze %dma_start3A_428 : memref<1x128x64xf32, #tpu.memory_space<vmem>> -> memref<128x64xf32, #tpu.memory_space<vmem>>
        %dma_start3A_430 = arith.constant 256 : i32
        %dma_start3A_431 = tpu.memref_slice %arg10[%dma_start3A_430] : memref<1024xi32, #tpu.memory_space<vmem>> -> memref<128xi32, #tpu.memory_space<vmem>>
        %dma_start3A_432 = arith.constant 0 : i32
        %dma_start3A_433 = arith.constant 0 : i32
        %dma_start3A_434 = tpu.memref_slice %arg3[%dma_start3A_432, %dma_start3A_433] : memref<1000000x64xf32, #tpu.memory_space<hbm>> -> memref<1000000x64xf32, #tpu.memory_space<hbm>>
        tpu.enqueue_indirect_dma source(%dma_start3A_434 : memref<1000000x64xf32, #tpu.memory_space<hbm>>) target(%dma_start3A_429 : memref<128x64xf32, #tpu.memory_space<vmem>>) offsets(%dma_start3A_431 : memref<128xi32, #tpu.memory_space<vmem>>) semaphore(%arg22 : memref<!tpu.dma_semaphore, #tpu.memory_space<semaphore_mem>>)
        %dma_start3A_435 = arith.constant 1 : i32
        %dma_start3A_436 = arith.constant 128 : i32
        %dma_start3A_437 = arith.constant 0 : i32
        %dma_start3A_438 = tpu.memref_slice %arg11[%dma_start3A_435, %dma_start3A_436, %dma_start3A_437] : memref<4x200x64xf32, #tpu.memory_space<vmem>> -> memref<1x72x64xf32, #tpu.memory_space<vmem>>
        %dma_start3A_439 = tpu.memref_squeeze %dma_start3A_438 : memref<1x72x64xf32, #tpu.memory_space<vmem>> -> memref<72x64xf32, #tpu.memory_space<vmem>>
        %dma_start3A_440 = arith.constant 384 : i32
        %dma_start3A_441 = tpu.memref_slice %arg10[%dma_start3A_440] : memref<1024xi32, #tpu.memory_space<vmem>> -> memref<72xi32, #tpu.memory_space<vmem>>
        %dma_start3A_442 = arith.constant 0 : i32
        %dma_start3A_443 = arith.constant 0 : i32
        %dma_start3A_444 = tpu.memref_slice %arg3[%dma_start3A_442, %dma_start3A_443] : memref<1000000x64xf32, #tpu.memory_space<hbm>> -> memref<1000000x64xf32, #tpu.memory_space<hbm>>
        tpu.enqueue_indirect_dma source(%dma_start3A_444 : memref<1000000x64xf32, #tpu.memory_space<hbm>>) target(%dma_start3A_439 : memref<72x64xf32, #tpu.memory_space<vmem>>) offsets(%dma_start3A_441 : memref<72xi32, #tpu.memory_space<vmem>>) semaphore(%arg22 : memref<!tpu.dma_semaphore, #tpu.memory_space<semaphore_mem>>)
      } else {
      }
      %dma_wait3A_361 = arith.constant 3 : i32
      %dma_wait3A_362 = arith.constant 0 : i32
      %dma_wait3A_363 = arith.constant 0 : i32
      %dma_wait3A_364 = tpu.memref_slice %arg11[%dma_wait3A_361, %dma_wait3A_362, %dma_wait3A_363] : memref<4x200x64xf32, #tpu.memory_space<vmem>> -> memref<1x128x64xf32, #tpu.memory_space<vmem>>
      %dma_wait3A_365 = tpu.memref_squeeze %dma_wait3A_364 : memref<1x128x64xf32, #tpu.memory_space<vmem>> -> memref<128x64xf32, #tpu.memory_space<vmem>>
      %dma_wait3A_366 = arith.constant 768 : i32
      %dma_wait3A_367 = tpu.memref_slice %arg10[%dma_wait3A_366] : memref<1024xi32, #tpu.memory_space<vmem>> -> memref<128xi32, #tpu.memory_space<vmem>>
      %dma_wait3A_368 = arith.constant 0 : i32
      %dma_wait3A_369 = arith.constant 0 : i32
      %dma_wait3A_370 = tpu.memref_slice %arg3[%dma_wait3A_368, %dma_wait3A_369] : memref<1000000x64xf32, #tpu.memory_space<hbm>> -> memref<1000000x64xf32, #tpu.memory_space<hbm>>
      tpu.wait_indirect_dma semaphore(%arg24 : memref<!tpu.dma_semaphore, #tpu.memory_space<semaphore_mem>>) src(%dma_wait3A_370 : memref<1000000x64xf32, #tpu.memory_space<hbm>>) dst(%dma_wait3A_365 : memref<128x64xf32, #tpu.memory_space<vmem>>)
      %dma_wait3A_371 = arith.constant 3 : i32
      %dma_wait3A_372 = arith.constant 128 : i32
      %dma_wait3A_373 = arith.constant 0 : i32
      %dma_wait3A_374 = tpu.memref_slice %arg11[%dma_wait3A_371, %dma_wait3A_372, %dma_wait3A_373] : memref<4x200x64xf32, #tpu.memory_space<vmem>> -> memref<1x72x64xf32, #tpu.memory_space<vmem>>
      %dma_wait3A_375 = tpu.memref_squeeze %dma_wait3A_374 : memref<1x72x64xf32, #tpu.memory_space<vmem>> -> memref<72x64xf32, #tpu.memory_space<vmem>>
      %dma_wait3A_376 = arith.constant 896 : i32
      %dma_wait3A_377 = tpu.memref_slice %arg10[%dma_wait3A_376] : memref<1024xi32, #tpu.memory_space<vmem>> -> memref<72xi32, #tpu.memory_space<vmem>>
      %dma_wait3A_378 = arith.constant 0 : i32
      %dma_wait3A_379 = arith.constant 0 : i32
      %dma_wait3A_380 = tpu.memref_slice %arg3[%dma_wait3A_378, %dma_wait3A_379] : memref<1000000x64xf32, #tpu.memory_space<hbm>> -> memref<1000000x64xf32, #tpu.memory_space<hbm>>
      tpu.wait_indirect_dma semaphore(%arg24 : memref<!tpu.dma_semaphore, #tpu.memory_space<semaphore_mem>>) src(%dma_wait3A_380 : memref<1000000x64xf32, #tpu.memory_space<hbm>>) dst(%dma_wait3A_375 : memref<72x64xf32, #tpu.memory_space<vmem>>)
      %broadcast_in_dim3A_381 = arith.constant 0.000000e+00 : f32
      %broadcast_in_dim3A_382 = vector.broadcast %broadcast_in_dim3A_381 : f32 to vector<16xf32>
      %scan3A_383 = arith.constant 0 : i32
      %scan3A_384 = arith.constant 200 : i32
      %scan3A_385 = arith.addi %scan3A_383, %scan3A_384 : i32
      %scan3A_386 = arith.constant 8 : i32
      %scan3A_387:4 = scf.for %scan3A_414 = %scan3A_383 to %scan3A_385 step %scan3A_386 iter_args(%scan3A_415 = %broadcast_in_dim3A_382, %scan3A_416 = %broadcast_in_dim3A_382, %scan3A_417 = %broadcast_in_dim3A_382, %scan3A_418 = %broadcast_in_dim3A_382) -> (vector<16xf32>, vector<16xf32>, vector<16xf32>, vector<16xf32>)  : i32 {
        %mul3A_419 = arith.constant 1 : i32
        %mul3A_420 = arith.muli %scan3A_414, %mul3A_419 : i32
        %add3A_421 = arith.constant 0 : i32
        %add3A_422 = arith.addi %add3A_421, %mul3A_420 : i32
        %get3A = arith.constant 3 : i32
        %get3A_423 = arith.index_cast %get3A : i32 to index
        %get3A_424 = arith.index_cast %add3A_422 : i32 to index
        %get3A_425 = arith.constant 0 : index
        %get3A_426 = tpu.vector_load %arg11[%get3A_423, %get3A_424, %get3A_425] {strides = array<i32>} : memref<4x200x64xf32, #tpu.memory_space<vmem>>, vector<1x1x16xf32>,
        %get3A_427 = vector.shape_cast %get3A_426 : vector<1x1x16xf32> to vector<16xf32>
        %add3A_428 = arith.addf %scan3A_415, %get3A_427 : vector<16xf32>
        %get3A_429 = arith.constant 3 : i32
        %get3A_430 = arith.index_cast %get3A_429 : i32 to index
        %get3A_431 = arith.index_cast %add3A_422 : i32 to index
        %get3A_432 = arith.constant 16 : index
        %get3A_433 = tpu.vector_load %arg11[%get3A_430, %get3A_431, %get3A_432] {strides = array<i32>} : memref<4x200x64xf32, #tpu.memory_space<vmem>>, vector<1x1x16xf32>,
        %get3A_434 = vector.shape_cast %get3A_433 : vector<1x1x16xf32> to vector<16xf32>
        %add3A_435 = arith.addf %scan3A_416, %get3A_434 : vector<16xf32>
        %get3A_436 = arith.constant 3 : i32
        %get3A_437 = arith.index_cast %get3A_436 : i32 to index
        %get3A_438 = arith.index_cast %add3A_422 : i32 to index
        %get3A_439 = arith.constant 32 : index
        %get3A_440 = tpu.vector_load %arg11[%get3A_437, %get3A_438, %get3A_439] {strides = array<i32>} : memref<4x200x64xf32, #tpu.memory_space<vmem>>, vector<1x1x16xf32>,
        %get3A_441 = vector.shape_cast %get3A_440 : vector<1x1x16xf32> to vector<16xf32>
        %add3A_442 = arith.addf %scan3A_417, %get3A_441 : vector<16xf32>
        %get3A_443 = arith.constant 3 : i32
        %get3A_444 = arith.index_cast %get3A_443 : i32 to index
        %get3A_445 = arith.index_cast %add3A_422 : i32 to index
        %get3A_446 = arith.constant 48 : index
        %get3A_447 = tpu.vector_load %arg11[%get3A_444, %get3A_445, %get3A_446] {strides = array<i32>} : memref<4x200x64xf32, #tpu.memory_space<vmem>>, vector<1x1x16xf32>,
        %get3A_448 = vector.shape_cast %get3A_447 : vector<1x1x16xf32> to vector<16xf32>
        %add3A_449 = arith.addf %scan3A_418, %get3A_448 : vector<16xf32>
        %scan3A_450 = arith.constant 1 : i32
        %scan3A_451 = arith.addi %scan3A_414, %scan3A_450 : i32
        %mul3A_452 = arith.constant 1 : i32
        %mul3A_453 = arith.muli %scan3A_451, %mul3A_452 : i32
        %add3A_454 = arith.constant 0 : i32
        %add3A_455 = arith.addi %add3A_454, %mul3A_453 : i32
        %get3A_456 = arith.constant 3 : i32
        %get3A_457 = arith.index_cast %get3A_456 : i32 to index
        %get3A_458 = arith.index_cast %add3A_455 : i32 to index
        %get3A_459 = arith.constant 0 : index
        %get3A_460 = tpu.vector_load %arg11[%get3A_457, %get3A_458, %get3A_459] {strides = array<i32>} : memref<4x200x64xf32, #tpu.memory_space<vmem>>, vector<1x1x16xf32>,
        %get3A_461 = vector.shape_cast %get3A_460 : vector<1x1x16xf32> to vector<16xf32>
        %add3A_462 = arith.addf %add3A_428, %get3A_461 : vector<16xf32>
        %get3A_463 = arith.constant 3 : i32
        %get3A_464 = arith.index_cast %get3A_463 : i32 to index
        %get3A_465 = arith.index_cast %add3A_455 : i32 to index
        %get3A_466 = arith.constant 16 : index
        %get3A_467 = tpu.vector_load %arg11[%get3A_464, %get3A_465, %get3A_466] {strides = array<i32>} : memref<4x200x64xf32, #tpu.memory_space<vmem>>, vector<1x1x16xf32>,
        %get3A_468 = vector.shape_cast %get3A_467 : vector<1x1x16xf32> to vector<16xf32>
        %add3A_469 = arith.addf %add3A_435, %get3A_468 : vector<16xf32>
        %get3A_470 = arith.constant 3 : i32
        %get3A_471 = arith.index_cast %get3A_470 : i32 to index
        %get3A_472 = arith.index_cast %add3A_455 : i32 to index
        %get3A_473 = arith.constant 32 : index
        %get3A_474 = tpu.vector_load %arg11[%get3A_471, %get3A_472, %get3A_473] {strides = array<i32>} : memref<4x200x64xf32, #tpu.memory_space<vmem>>, vector<1x1x16xf32>,
        %get3A_475 = vector.shape_cast %get3A_474 : vector<1x1x16xf32> to vector<16xf32>
        %add3A_476 = arith.addf %add3A_442, %get3A_475 : vector<16xf32>
        %get3A_477 = arith.constant 3 : i32
        %get3A_478 = arith.index_cast %get3A_477 : i32 to index
        %get3A_479 = arith.index_cast %add3A_455 : i32 to index
        %get3A_480 = arith.constant 48 : index
        %get3A_481 = tpu.vector_load %arg11[%get3A_478, %get3A_479, %get3A_480] {strides = array<i32>} : memref<4x200x64xf32, #tpu.memory_space<vmem>>, vector<1x1x16xf32>,
        %get3A_482 = vector.shape_cast %get3A_481 : vector<1x1x16xf32> to vector<16xf32>
        %add3A_483 = arith.addf %add3A_449, %get3A_482 : vector<16xf32>
        %scan3A_484 = arith.constant 2 : i32
        %scan3A_485 = arith.addi %scan3A_414, %scan3A_484 : i32
        %mul3A_486 = arith.constant 1 : i32
        %mul3A_487 = arith.muli %scan3A_485, %mul3A_486 : i32
        %add3A_488 = arith.constant 0 : i32
        %add3A_489 = arith.addi %add3A_488, %mul3A_487 : i32
        %get3A_490 = arith.constant 3 : i32
        %get3A_491 = arith.index_cast %get3A_490 : i32 to index
        %get3A_492 = arith.index_cast %add3A_489 : i32 to index
        %get3A_493 = arith.constant 0 : index
        %get3A_494 = tpu.vector_load %arg11[%get3A_491, %get3A_492, %get3A_493] {strides = array<i32>} : memref<4x200x64xf32, #tpu.memory_space<vmem>>, vector<1x1x16xf32>,
        %get3A_495 = vector.shape_cast %get3A_494 : vector<1x1x16xf32> to vector<16xf32>
        %add3A_496 = arith.addf %add3A_462, %get3A_495 : vector<16xf32>
        %get3A_497 = arith.constant 3 : i32
        %get3A_498 = arith.index_cast %get3A_497 : i32 to index
        %get3A_499 = arith.index_cast %add3A_489 : i32 to index
        %get3A_500 = arith.constant 16 : index
        %get3A_501 = tpu.vector_load %arg11[%get3A_498, %get3A_499, %get3A_500] {strides = array<i32>} : memref<4x200x64xf32, #tpu.memory_space<vmem>>, vector<1x1x16xf32>,
        %get3A_502 = vector.shape_cast %get3A_501 : vector<1x1x16xf32> to vector<16xf32>
        %add3A_503 = arith.addf %add3A_469, %get3A_502 : vector<16xf32>
        %get3A_504 = arith.constant 3 : i32
        %get3A_505 = arith.index_cast %get3A_504 : i32 to index
        %get3A_506 = arith.index_cast %add3A_489 : i32 to index
        %get3A_507 = arith.constant 32 : index
        %get3A_508 = tpu.vector_load %arg11[%get3A_505, %get3A_506, %get3A_507] {strides = array<i32>} : memref<4x200x64xf32, #tpu.memory_space<vmem>>, vector<1x1x16xf32>,
        %get3A_509 = vector.shape_cast %get3A_508 : vector<1x1x16xf32> to vector<16xf32>
        %add3A_510 = arith.addf %add3A_476, %get3A_509 : vector<16xf32>
        %get3A_511 = arith.constant 3 : i32
        %get3A_512 = arith.index_cast %get3A_511 : i32 to index
        %get3A_513 = arith.index_cast %add3A_489 : i32 to index
        %get3A_514 = arith.constant 48 : index
        %get3A_515 = tpu.vector_load %arg11[%get3A_512, %get3A_513, %get3A_514] {strides = array<i32>} : memref<4x200x64xf32, #tpu.memory_space<vmem>>, vector<1x1x16xf32>,
        %get3A_516 = vector.shape_cast %get3A_515 : vector<1x1x16xf32> to vector<16xf32>
        %add3A_517 = arith.addf %add3A_483, %get3A_516 : vector<16xf32>
        %scan3A_518 = arith.constant 3 : i32
        %scan3A_519 = arith.addi %scan3A_414, %scan3A_518 : i32
        %mul3A_520 = arith.constant 1 : i32
        %mul3A_521 = arith.muli %scan3A_519, %mul3A_520 : i32
        %add3A_522 = arith.constant 0 : i32
        %add3A_523 = arith.addi %add3A_522, %mul3A_521 : i32
        %get3A_524 = arith.constant 3 : i32
        %get3A_525 = arith.index_cast %get3A_524 : i32 to index
        %get3A_526 = arith.index_cast %add3A_523 : i32 to index
        %get3A_527 = arith.constant 0 : index
        %get3A_528 = tpu.vector_load %arg11[%get3A_525, %get3A_526, %get3A_527] {strides = array<i32>} : memref<4x200x64xf32, #tpu.memory_space<vmem>>, vector<1x1x16xf32>,
        %get3A_529 = vector.shape_cast %get3A_528 : vector<1x1x16xf32> to vector<16xf32>
        %add3A_530 = arith.addf %add3A_496, %get3A_529 : vector<16xf32>
        %get3A_531 = arith.constant 3 : i32
        %get3A_532 = arith.index_cast %get3A_531 : i32 to index
        %get3A_533 = arith.index_cast %add3A_523 : i32 to index
        %get3A_534 = arith.constant 16 : index
        %get3A_535 = tpu.vector_load %arg11[%get3A_532, %get3A_533, %get3A_534] {strides = array<i32>} : memref<4x200x64xf32, #tpu.memory_space<vmem>>, vector<1x1x16xf32>,
        %get3A_536 = vector.shape_cast %get3A_535 : vector<1x1x16xf32> to vector<16xf32>
        %add3A_537 = arith.addf %add3A_503, %get3A_536 : vector<16xf32>
        %get3A_538 = arith.constant 3 : i32
        %get3A_539 = arith.index_cast %get3A_538 : i32 to index
        %get3A_540 = arith.index_cast %add3A_523 : i32 to index
        %get3A_541 = arith.constant 32 : index
        %get3A_542 = tpu.vector_load %arg11[%get3A_539, %get3A_540, %get3A_541] {strides = array<i32>} : memref<4x200x64xf32, #tpu.memory_space<vmem>>, vector<1x1x16xf32>,
        %get3A_543 = vector.shape_cast %get3A_542 : vector<1x1x16xf32> to vector<16xf32>
        %add3A_544 = arith.addf %add3A_510, %get3A_543 : vector<16xf32>
        %get3A_545 = arith.constant 3 : i32
        %get3A_546 = arith.index_cast %get3A_545 : i32 to index
        %get3A_547 = arith.index_cast %add3A_523 : i32 to index
        %get3A_548 = arith.constant 48 : index
        %get3A_549 = tpu.vector_load %arg11[%get3A_546, %get3A_547, %get3A_548] {strides = array<i32>} : memref<4x200x64xf32, #tpu.memory_space<vmem>>, vector<1x1x16xf32>,
        %get3A_550 = vector.shape_cast %get3A_549 : vector<1x1x16xf32> to vector<16xf32>
        %add3A_551 = arith.addf %add3A_517, %get3A_550 : vector<16xf32>
        %scan3A_552 = arith.constant 4 : i32
        %scan3A_553 = arith.addi %scan3A_414, %scan3A_552 : i32
        %mul3A_554 = arith.constant 1 : i32
        %mul3A_555 = arith.muli %scan3A_553, %mul3A_554 : i32
        %add3A_556 = arith.constant 0 : i32
        %add3A_557 = arith.addi %add3A_556, %mul3A_555 : i32
        %get3A_558 = arith.constant 3 : i32
        %get3A_559 = arith.index_cast %get3A_558 : i32 to index
        %get3A_560 = arith.index_cast %add3A_557 : i32 to index
        %get3A_561 = arith.constant 0 : index
        %get3A_562 = tpu.vector_load %arg11[%get3A_559, %get3A_560, %get3A_561] {strides = array<i32>} : memref<4x200x64xf32, #tpu.memory_space<vmem>>, vector<1x1x16xf32>,
        %get3A_563 = vector.shape_cast %get3A_562 : vector<1x1x16xf32> to vector<16xf32>
        %add3A_564 = arith.addf %add3A_530, %get3A_563 : vector<16xf32>
        %get3A_565 = arith.constant 3 : i32
        %get3A_566 = arith.index_cast %get3A_565 : i32 to index
        %get3A_567 = arith.index_cast %add3A_557 : i32 to index
        %get3A_568 = arith.constant 16 : index
        %get3A_569 = tpu.vector_load %arg11[%get3A_566, %get3A_567, %get3A_568] {strides = array<i32>} : memref<4x200x64xf32, #tpu.memory_space<vmem>>, vector<1x1x16xf32>,
        %get3A_570 = vector.shape_cast %get3A_569 : vector<1x1x16xf32> to vector<16xf32>
        %add3A_571 = arith.addf %add3A_537, %get3A_570 : vector<16xf32>
        %get3A_572 = arith.constant 3 : i32
        %get3A_573 = arith.index_cast %get3A_572 : i32 to index
        %get3A_574 = arith.index_cast %add3A_557 : i32 to index
        %get3A_575 = arith.constant 32 : index
        %get3A_576 = tpu.vector_load %arg11[%get3A_573, %get3A_574, %get3A_575] {strides = array<i32>} : memref<4x200x64xf32, #tpu.memory_space<vmem>>, vector<1x1x16xf32>,
        %get3A_577 = vector.shape_cast %get3A_576 : vector<1x1x16xf32> to vector<16xf32>
        %add3A_578 = arith.addf %add3A_544, %get3A_577 : vector<16xf32>
        %get3A_579 = arith.constant 3 : i32
        %get3A_580 = arith.index_cast %get3A_579 : i32 to index
        %get3A_581 = arith.index_cast %add3A_557 : i32 to index
        %get3A_582 = arith.constant 48 : index
        %get3A_583 = tpu.vector_load %arg11[%get3A_580, %get3A_581, %get3A_582] {strides = array<i32>} : memref<4x200x64xf32, #tpu.memory_space<vmem>>, vector<1x1x16xf32>,
        %get3A_584 = vector.shape_cast %get3A_583 : vector<1x1x16xf32> to vector<16xf32>
        %add3A_585 = arith.addf %add3A_551, %get3A_584 : vector<16xf32>
        %scan3A_586 = arith.constant 5 : i32
        %scan3A_587 = arith.addi %scan3A_414, %scan3A_586 : i32
        %mul3A_588 = arith.constant 1 : i32
        %mul3A_589 = arith.muli %scan3A_587, %mul3A_588 : i32
        %add3A_590 = arith.constant 0 : i32
        %add3A_591 = arith.addi %add3A_590, %mul3A_589 : i32
        %get3A_592 = arith.constant 3 : i32
        %get3A_593 = arith.index_cast %get3A_592 : i32 to index
        %get3A_594 = arith.index_cast %add3A_591 : i32 to index
        %get3A_595 = arith.constant 0 : index
        %get3A_596 = tpu.vector_load %arg11[%get3A_593, %get3A_594, %get3A_595] {strides = array<i32>} : memref<4x200x64xf32, #tpu.memory_space<vmem>>, vector<1x1x16xf32>,
        %get3A_597 = vector.shape_cast %get3A_596 : vector<1x1x16xf32> to vector<16xf32>
        %add3A_598 = arith.addf %add3A_564, %get3A_597 : vector<16xf32>
        %get3A_599 = arith.constant 3 : i32
        %get3A_600 = arith.index_cast %get3A_599 : i32 to index
        %get3A_601 = arith.index_cast %add3A_591 : i32 to index
        %get3A_602 = arith.constant 16 : index
        %get3A_603 = tpu.vector_load %arg11[%get3A_600, %get3A_601, %get3A_602] {strides = array<i32>} : memref<4x200x64xf32, #tpu.memory_space<vmem>>, vector<1x1x16xf32>,
        %get3A_604 = vector.shape_cast %get3A_603 : vector<1x1x16xf32> to vector<16xf32>
        %add3A_605 = arith.addf %add3A_571, %get3A_604 : vector<16xf32>
        %get3A_606 = arith.constant 3 : i32
        %get3A_607 = arith.index_cast %get3A_606 : i32 to index
        %get3A_608 = arith.index_cast %add3A_591 : i32 to index
        %get3A_609 = arith.constant 32 : index
        %get3A_610 = tpu.vector_load %arg11[%get3A_607, %get3A_608, %get3A_609] {strides = array<i32>} : memref<4x200x64xf32, #tpu.memory_space<vmem>>, vector<1x1x16xf32>,
        %get3A_611 = vector.shape_cast %get3A_610 : vector<1x1x16xf32> to vector<16xf32>
        %add3A_612 = arith.addf %add3A_578, %get3A_611 : vector<16xf32>
        %get3A_613 = arith.constant 3 : i32
        %get3A_614 = arith.index_cast %get3A_613 : i32 to index
        %get3A_615 = arith.index_cast %add3A_591 : i32 to index
        %get3A_616 = arith.constant 48 : index
        %get3A_617 = tpu.vector_load %arg11[%get3A_614, %get3A_615, %get3A_616] {strides = array<i32>} : memref<4x200x64xf32, #tpu.memory_space<vmem>>, vector<1x1x16xf32>,
        %get3A_618 = vector.shape_cast %get3A_617 : vector<1x1x16xf32> to vector<16xf32>
        %add3A_619 = arith.addf %add3A_585, %get3A_618 : vector<16xf32>
        %scan3A_620 = arith.constant 6 : i32
        %scan3A_621 = arith.addi %scan3A_414, %scan3A_620 : i32
        %mul3A_622 = arith.constant 1 : i32
        %mul3A_623 = arith.muli %scan3A_621, %mul3A_622 : i32
        %add3A_624 = arith.constant 0 : i32
        %add3A_625 = arith.addi %add3A_624, %mul3A_623 : i32
        %get3A_626 = arith.constant 3 : i32
        %get3A_627 = arith.index_cast %get3A_626 : i32 to index
        %get3A_628 = arith.index_cast %add3A_625 : i32 to index
        %get3A_629 = arith.constant 0 : index
        %get3A_630 = tpu.vector_load %arg11[%get3A_627, %get3A_628, %get3A_629] {strides = array<i32>} : memref<4x200x64xf32, #tpu.memory_space<vmem>>, vector<1x1x16xf32>,
        %get3A_631 = vector.shape_cast %get3A_630 : vector<1x1x16xf32> to vector<16xf32>
        %add3A_632 = arith.addf %add3A_598, %get3A_631 : vector<16xf32>
        %get3A_633 = arith.constant 3 : i32
        %get3A_634 = arith.index_cast %get3A_633 : i32 to index
        %get3A_635 = arith.index_cast %add3A_625 : i32 to index
        %get3A_636 = arith.constant 16 : index
        %get3A_637 = tpu.vector_load %arg11[%get3A_634, %get3A_635, %get3A_636] {strides = array<i32>} : memref<4x200x64xf32, #tpu.memory_space<vmem>>, vector<1x1x16xf32>,
        %get3A_638 = vector.shape_cast %get3A_637 : vector<1x1x16xf32> to vector<16xf32>
        %add3A_639 = arith.addf %add3A_605, %get3A_638 : vector<16xf32>
        %get3A_640 = arith.constant 3 : i32
        %get3A_641 = arith.index_cast %get3A_640 : i32 to index
        %get3A_642 = arith.index_cast %add3A_625 : i32 to index
        %get3A_643 = arith.constant 32 : index
        %get3A_644 = tpu.vector_load %arg11[%get3A_641, %get3A_642, %get3A_643] {strides = array<i32>} : memref<4x200x64xf32, #tpu.memory_space<vmem>>, vector<1x1x16xf32>,
        %get3A_645 = vector.shape_cast %get3A_644 : vector<1x1x16xf32> to vector<16xf32>
        %add3A_646 = arith.addf %add3A_612, %get3A_645 : vector<16xf32>
        %get3A_647 = arith.constant 3 : i32
        %get3A_648 = arith.index_cast %get3A_647 : i32 to index
        %get3A_649 = arith.index_cast %add3A_625 : i32 to index
        %get3A_650 = arith.constant 48 : index
        %get3A_651 = tpu.vector_load %arg11[%get3A_648, %get3A_649, %get3A_650] {strides = array<i32>} : memref<4x200x64xf32, #tpu.memory_space<vmem>>, vector<1x1x16xf32>,
        %get3A_652 = vector.shape_cast %get3A_651 : vector<1x1x16xf32> to vector<16xf32>
        %add3A_653 = arith.addf %add3A_619, %get3A_652 : vector<16xf32>
        %scan3A_654 = arith.constant 7 : i32
        %scan3A_655 = arith.addi %scan3A_414, %scan3A_654 : i32
        %mul3A_656 = arith.constant 1 : i32
        %mul3A_657 = arith.muli %scan3A_655, %mul3A_656 : i32
        %add3A_658 = arith.constant 0 : i32
        %add3A_659 = arith.addi %add3A_658, %mul3A_657 : i32
        %get3A_660 = arith.constant 3 : i32
        %get3A_661 = arith.index_cast %get3A_660 : i32 to index
        %get3A_662 = arith.index_cast %add3A_659 : i32 to index
        %get3A_663 = arith.constant 0 : index
        %get3A_664 = tpu.vector_load %arg11[%get3A_661, %get3A_662, %get3A_663] {strides = array<i32>} : memref<4x200x64xf32, #tpu.memory_space<vmem>>, vector<1x1x16xf32>,
        %get3A_665 = vector.shape_cast %get3A_664 : vector<1x1x16xf32> to vector<16xf32>
        %add3A_666 = arith.addf %add3A_632, %get3A_665 : vector<16xf32>
        %get3A_667 = arith.constant 3 : i32
        %get3A_668 = arith.index_cast %get3A_667 : i32 to index
        %get3A_669 = arith.index_cast %add3A_659 : i32 to index
        %get3A_670 = arith.constant 16 : index
        %get3A_671 = tpu.vector_load %arg11[%get3A_668, %get3A_669, %get3A_670] {strides = array<i32>} : memref<4x200x64xf32, #tpu.memory_space<vmem>>, vector<1x1x16xf32>,
        %get3A_672 = vector.shape_cast %get3A_671 : vector<1x1x16xf32> to vector<16xf32>
        %add3A_673 = arith.addf %add3A_639, %get3A_672 : vector<16xf32>
        %get3A_674 = arith.constant 3 : i32
        %get3A_675 = arith.index_cast %get3A_674 : i32 to index
        %get3A_676 = arith.index_cast %add3A_659 : i32 to index
        %get3A_677 = arith.constant 32 : index
        %get3A_678 = tpu.vector_load %arg11[%get3A_675, %get3A_676, %get3A_677] {strides = array<i32>} : memref<4x200x64xf32, #tpu.memory_space<vmem>>, vector<1x1x16xf32>,
        %get3A_679 = vector.shape_cast %get3A_678 : vector<1x1x16xf32> to vector<16xf32>
        %add3A_680 = arith.addf %add3A_646, %get3A_679 : vector<16xf32>
        %get3A_681 = arith.constant 3 : i32
        %get3A_682 = arith.index_cast %get3A_681 : i32 to index
        %get3A_683 = arith.index_cast %add3A_659 : i32 to index
        %get3A_684 = arith.constant 48 : index
        %get3A_685 = tpu.vector_load %arg11[%get3A_682, %get3A_683, %get3A_684] {strides = array<i32>} : memref<4x200x64xf32, #tpu.memory_space<vmem>>, vector<1x1x16xf32>,
        %get3A_686 = vector.shape_cast %get3A_685 : vector<1x1x16xf32> to vector<16xf32>
        %add3A_687 = arith.addf %add3A_653, %get3A_686 : vector<16xf32>
        scf.yield %add3A_666, %add3A_673, %add3A_680, %add3A_687 : vector<16xf32>, vector<16xf32>, vector<16xf32>, vector<16xf32>
      }
      %scan3A_388 = arith.constant 200 : i32
      %swap3A_389 = arith.index_cast %add3A_355 : i32 to index
      %swap3A_390 = arith.constant 0 : index
      %swap3A_391 = tpu.vector_load %arg12[%swap3A_389, %swap3A_390] {strides = array<i32>} : memref<128x64xf32, #tpu.memory_space<vmem>>, vector<1x16xf32>,
      %swap3A_392 = vector.shape_cast %swap3A_391 : vector<1x16xf32> to vector<16xf32>
      %swap3A_393 = vector.shape_cast %scan3A_387#0 : vector<16xf32> to vector<1x16xf32>
      tpu.vector_store %arg12[%swap3A_389, %swap3A_390], %swap3A_393 {strides = array<i32>} : memref<128x64xf32, #tpu.memory_space<vmem>>, vector<1x16xf32>,
      %swap3A_394 = arith.index_cast %add3A_355 : i32 to index
      %swap3A_395 = arith.constant 16 : index
      %swap3A_396 = tpu.vector_load %arg12[%swap3A_394, %swap3A_395] {strides = array<i32>} : memref<128x64xf32, #tpu.memory_space<vmem>>, vector<1x16xf32>,
      %swap3A_397 = vector.shape_cast %swap3A_396 : vector<1x16xf32> to vector<16xf32>
      %swap3A_398 = vector.shape_cast %scan3A_387#1 : vector<16xf32> to vector<1x16xf32>
      tpu.vector_store %arg12[%swap3A_394, %swap3A_395], %swap3A_398 {strides = array<i32>} : memref<128x64xf32, #tpu.memory_space<vmem>>, vector<1x16xf32>,
      %swap3A_399 = arith.index_cast %add3A_355 : i32 to index
      %swap3A_400 = arith.constant 32 : index
      %swap3A_401 = tpu.vector_load %arg12[%swap3A_399, %swap3A_400] {strides = array<i32>} : memref<128x64xf32, #tpu.memory_space<vmem>>, vector<1x16xf32>,
      %swap3A_402 = vector.shape_cast %swap3A_401 : vector<1x16xf32> to vector<16xf32>
      %swap3A_403 = vector.shape_cast %scan3A_387#2 : vector<16xf32> to vector<1x16xf32>
      tpu.vector_store %arg12[%swap3A_399, %swap3A_400], %swap3A_403 {strides = array<i32>} : memref<128x64xf32, #tpu.memory_space<vmem>>, vector<1x16xf32>,
      %swap3A_404 = arith.index_cast %add3A_355 : i32 to index
      %swap3A_405 = arith.constant 48 : index
      %swap3A_406 = tpu.vector_load %arg12[%swap3A_404, %swap3A_405] {strides = array<i32>} : memref<128x64xf32, #tpu.memory_space<vmem>>, vector<1x16xf32>,
      %swap3A_407 = vector.shape_cast %swap3A_406 : vector<1x16xf32> to vector<16xf32>
      %swap3A_408 = vector.shape_cast %scan3A_387#3 : vector<16xf32> to vector<1x16xf32>
      tpu.vector_store %arg12[%swap3A_404, %swap3A_405], %swap3A_408 {strides = array<i32>} : memref<128x64xf32, #tpu.memory_space<vmem>>, vector<1x16xf32>,
      %lt3A_409 = arith.constant 31 : i32
      %lt3A_410 = arith.cmpi slt, %add3A_118, %lt3A_409 : i32
      %convert_element_type3A_411 = arith.extui %lt3A_410 : i1 to i32
      %cond3A_412 = arith.constant 0 : i32
      %cond3A_413 = arith.cmpi ne, %convert_element_type3A_411, %cond3A_412 : i32
      scf.if %cond3A_413 {
        %add3A_414 = arith.addi %mul3A_2, %add3A_355 : i32
        %add3A_415 = arith.constant 4 : i32
        %add3A_416 = arith.addi %add3A_414, %add3A_415 : i32
        %mul3A_417 = arith.constant 256 : i32
        %mul3A_418 = arith.muli %add3A_416, %mul3A_417 : i32
        %dma_start3A_419 = arith.constant 768 : i32
        %dma_start3A_420 = tpu.memref_slice %arg10[%dma_start3A_419] : memref<1024xi32, #tpu.memory_space<vmem>> -> memref<256xi32, #tpu.memory_space<vmem>>
        %dma_start3A_421 = tpu.memref_slice %arg2[%mul3A_418] : memref<1048576xi32, #tpu.memory_space<hbm>> -> memref<256xi32, #tpu.memory_space<hbm>>
        %dma_start3A_422 = arith.constant 768 : i32
        %dma_start3A_423 = tpu.memref_slice %arg10[%dma_start3A_422] : memref<1024xi32, #tpu.memory_space<vmem>> -> memref<256xi32, #tpu.memory_space<vmem>>
        %dma_start3A_424 = tpu.memref_slice %arg2[%mul3A_418] : memref<1048576xi32, #tpu.memory_space<hbm>> -> memref<256xi32, #tpu.memory_space<hbm>>
        tpu.enqueue_dma source(%dma_start3A_424 : memref<256xi32, #tpu.memory_space<hbm>>) target(%dma_start3A_423 : memref<256xi32, #tpu.memory_space<vmem>>) target_semaphore(%arg20 : memref<!tpu.dma_semaphore, #tpu.memory_space<semaphore_mem>>)
      } else {
      }
    }
    %scan3A_113 = arith.constant 32 : i32
    "tpu.region"() ({
      %run_scoped3A = tpu.sem_alloc : memref<!tpu.dma_semaphore, #tpu.memory_space<semaphore_mem>>
      %dma_start3A_114 = arith.constant 0 : i32
      %dma_start3A_115 = tpu.memref_slice %arg8[%mul3A_2, %dma_start3A_114] : memref<4096x64xf32, #tpu.memory_space<hbm>> -> memref<128x64xf32, #tpu.memory_space<hbm>>
      %dma_start3A_116 = arith.constant 0 : i32
      %dma_start3A_117 = tpu.memref_slice %arg8[%mul3A_2, %dma_start3A_116] : memref<4096x64xf32, #tpu.memory_space<hbm>> -> memref<128x64xf32, #tpu.memory_space<hbm>>
      tpu.enqueue_dma source(%arg12 : memref<128x64xf32, #tpu.memory_space<vmem>>) target(%dma_start3A_117 : memref<128x64xf32, #tpu.memory_space<hbm>>) target_semaphore(%run_scoped3A : memref<!tpu.dma_semaphore, #tpu.memory_space<semaphore_mem>>)
      %dma_wait3A_118 = arith.constant 0 : i32
      %dma_wait3A_119 = tpu.memref_slice %arg8[%mul3A_2, %dma_wait3A_118] : memref<4096x64xf32, #tpu.memory_space<hbm>> -> memref<128x64xf32, #tpu.memory_space<hbm>>
      %dma_wait3A_120 = arith.constant 0 : i32
      %dma_wait3A_121 = tpu.memref_slice %arg8[%mul3A_2, %dma_wait3A_120] : memref<4096x64xf32, #tpu.memory_space<hbm>> -> memref<128x64xf32, #tpu.memory_space<hbm>>
      tpu.wait_dma2 semaphore(%run_scoped3A : memref<!tpu.dma_semaphore, #tpu.memory_space<semaphore_mem>>) src(%arg12 : memref<128x64xf32, #tpu.memory_space<vmem>>) dst(%dma_wait3A_121 : memref<128x64xf32, #tpu.memory_space<hbm>>)
      tpu.yield
    }) : () -> ()
    return
  }
}

module attributes {stable_mosaic.version = 14 : i64} {
  func.func @body(%arg0: i32, %arg1: memref<256x64xf32, #tpu.memory_space<vmem>>, %arg2: memref<256x64xf32, #tpu.memory_space<vmem>>, %arg3: memref<256x200xi32, #tpu.memory_space<vmem>>, %arg4: memref<64x1000xf32, #tpu.memory_space<vmem>>, %arg5: memref<1x1000xf32, #tpu.memory_space<vmem>>, %arg6: memref<256x1000xf32, #tpu.memory_space<vmem>>) attributes {dimension_semantics = [#tpu.dimension_semantics<arbitrary>], iteration_bounds = array<i64: 16>, scalar_prefetch = 0 : i64, scratch_operands = 0 : i64, tpu.core_type = #tpu.core_type<tc>, window_params = [{transform_indices = @transform_0, window_bounds = array<i64: 256, 64>}, {transform_indices = @transform_1, window_bounds = array<i64: 256, 64>}, {transform_indices = @transform_2, window_bounds = array<i64: 256, 200>}, {pipeline_mode = #tpu.pipeline_mode<synchronous>, transform_indices = @transform_3, window_bounds = array<i64: 64, 1000>}, {pipeline_mode = #tpu.pipeline_mode<synchronous>, transform_indices = @transform_4, window_bounds = array<i64: 1, 1000>}, {transform_indices = @transform_5, window_bounds = array<i64: 256, 1000>}]} {
    %get3A = arith.constant 0 : index
    %get3A_0 = arith.constant 0 : index
    %get3A_1 = vector.load %arg3[%get3A, %get3A_0] : memref<256x200xi32, #tpu.memory_space<vmem>>, vector<256x200xi32>
    %ne3A = arith.constant 0 : i32
    %ne3A_2 = vector.broadcast %ne3A : i32 to vector<256x200xi32>
    %ne3A_3 = arith.cmpi ne, %get3A_1, %ne3A_2 : vector<256x200xi32>
    %convert_element_type3A = arith.extui %ne3A_3 : vector<256x200xi1> to vector<256x200xi32>
    %convert_element_type3A_4 = arith.sitofp %convert_element_type3A : vector<256x200xi32> to vector<256x200xf32>
    %reduce_sum3A = arith.constant dense<0.000000e+00> : vector<256xf32>
    %reduce_sum3A_5 = vector.multi_reduction <add>, %convert_element_type3A_4, %reduce_sum3A [1] : vector<256x200xf32> to vector<256xf32>
    %broadcast_in_dim3A = vector.shape_cast %reduce_sum3A_5 : vector<256xf32> to vector<256x1xf32>
    %gt3A = arith.constant 0.000000e+00 : f32
    %gt3A_6 = vector.broadcast %gt3A : f32 to vector<256x1xf32>
    %gt3A_7 = arith.cmpf ogt, %broadcast_in_dim3A, %gt3A_6 : vector<256x1xf32>
    %get3A_8 = arith.constant 0 : index
    %get3A_9 = arith.constant 0 : index
    %get3A_10 = vector.load %arg1[%get3A_8, %get3A_9] : memref<256x64xf32, #tpu.memory_space<vmem>>, vector<256x64xf32>
    %div3A = vector.broadcast %broadcast_in_dim3A : vector<256x1xf32> to vector<256x64xf32>
    %div3A_11 = arith.divf %get3A_10, %div3A : vector<256x64xf32>
    %jit3A = arith.constant 0.000000e+00 : f32
    %broadcast_in_dim3A_12 = vector.shape_cast %gt3A_7 : vector<256x1xi1> to vector<256x1xi1>
    %broadcast_in_dim3A_13 = vector.broadcast %broadcast_in_dim3A_12 : vector<256x1xi1> to vector<256x64xi1>
    %broadcast_in_dim3A_14 = vector.broadcast %jit3A : f32 to vector<256x64xf32>
    %select_n3A = arith.select %broadcast_in_dim3A_13, %div3A_11, %broadcast_in_dim3A_14 : vector<256x64xi1>, vector<256x64xf32>
    %get3A_15 = arith.constant 0 : index
    %get3A_16 = arith.constant 0 : index
    %get3A_17 = vector.load %arg2[%get3A_15, %get3A_16] : memref<256x64xf32, #tpu.memory_space<vmem>>, vector<256x64xf32>
    %add3A = arith.addf %select_n3A, %get3A_17 : vector<256x64xf32>
    %get3A_18 = arith.constant 0 : index
    %get3A_19 = arith.constant 0 : index
    %get3A_20 = vector.load %arg4[%get3A_18, %get3A_19] : memref<64x1000xf32, #tpu.memory_space<vmem>>, vector<64x1000xf32>
    %dot_general3A = arith.constant dense<0.000000e+00> : vector<256x1000xf32>
    %dot_general3A_21 = tpu.matmul %add3A, %get3A_20, %dot_general3A {dimension_numbers = #tpu.dot_dimension_numbers<[1], [0], [0], [1], [0, 0, 1, 1], [], []>, transpose_lhs_hint = false} : vector<256x64xf32>, vector<64x1000xf32>, vector<256x1000xf32> -> vector<256x1000xf32>
    %get3A_22 = arith.constant 0 : index
    %get3A_23 = arith.constant 0 : index
    %get3A_24 = vector.load %arg5[%get3A_22, %get3A_23] : memref<1x1000xf32, #tpu.memory_space<vmem>>, vector<1x1000xf32>
    %add3A_25 = vector.broadcast %get3A_24 : vector<1x1000xf32> to vector<256x1000xf32>
    %add3A_26 = arith.addf %dot_general3A_21, %add3A_25 : vector<256x1000xf32>
    %swap3A = arith.constant 0 : index
    %swap3A_27 = arith.constant 0 : index
    %swap3A_28 = vector.load %arg6[%swap3A, %swap3A_27] : memref<256x1000xf32, #tpu.memory_space<vmem>>, vector<256x1000xf32>
    tpu.vector_store %arg6[%swap3A, %swap3A_27], %add3A_26 {strides = array<i32>} : memref<256x1000xf32, #tpu.memory_space<vmem>>, vector<256x1000xf32>,
    return
  }
  func.func @transform_0(%arg0: i32) -> (i32, i32) {
    %c0_i32 = arith.constant 0 : i32
    %c0_i32_0 = arith.constant 0 : i32
    return %arg0, %c0_i32 : i32, i32
  }
  func.func @transform_1(%arg0: i32) -> (i32, i32) {
    %c0_i32 = arith.constant 0 : i32
    %c0_i32_0 = arith.constant 0 : i32
    return %arg0, %c0_i32 : i32, i32
  }
  func.func @transform_2(%arg0: i32) -> (i32, i32) {
    %c0_i32 = arith.constant 0 : i32
    %c0_i32_0 = arith.constant 0 : i32
    return %arg0, %c0_i32 : i32, i32
  }
  func.func @transform_3(%arg0: i32) -> (i32, i32) {
    %c0_i32 = arith.constant 0 : i32
    %c0_i32_0 = arith.constant 0 : i32
    %c0_i32_1 = arith.constant 0 : i32
    return %c0_i32, %c0_i32_0 : i32, i32
  }
  func.func @transform_4(%arg0: i32) -> (i32, i32) {
    %c0_i32 = arith.constant 0 : i32
    %c0_i32_0 = arith.constant 0 : i32
    %c0_i32_1 = arith.constant 0 : i32
    return %c0_i32, %c0_i32_0 : i32, i32
  }
  func.func @transform_5(%arg0: i32) -> (i32, i32) {
    %c0_i32 = arith.constant 0 : i32
    %c0_i32_0 = arith.constant 0 : i32
    return %arg0, %c0_i32 : i32, i32
  }
}

</mosaic_0001>

<sc_bundles>
// kernel: kernel.4.cloned.1.call-start
scs
__scs_entry_jumppad:
0x0: {  	(pc) =	sbr.rel $0x88, $3  }
0x1: {  	(tag) =	ssettag $0x0;
	lr =	simm.s32 $0x1  }
0x2: {  	[smem:$0x3F99] =	sst lr;
	_ =	strace $0xD0000000  }
0x3: {  	_ = 	snop  }
0x4: {  	_ = 	snop  }
0x5: {  	_ = 	snop  }
0x6: {  	_ = 	snop  }
0x7: {  	_ = 	snop  }
__scs_overlays_trampoline_lowered:
0x8: {  	[smem:$0x3FA8] =	sst s0  }
0x9: {  	[smem:$0x3FA9] =	sst s1  }
0xa: {  	[smem:$0x3FAA] =	sst s2  }
0xb: {  	[smem:$0x3FAB] =	sst s3  }
0xc: {  	[smem:$0x3FAC] =	sst s4  }
0xd: {  	[smem:$0x3FAD] =	sst s5  }
0xe: {  	[smem:$0x3FAE] =	sst s6  }
0xf: {  	[smem:$0x3FAF] =	sst s7  }
0x10: {  	[smem:$0x3FB0] =	sst s8  }
0x11: {  	[smem:$0x3FB1] =	sst s9;
	s0 =	simm.s32 @!p0 $0x0  }
0x12: {  	s1 =	sld [smem:$0x3F97];
	s0 =	simm.s32 @p0 $0x1  }
0x13: {  	[smem:$0x3FB2] =	sst s0;
	s0 =	simm.s32 @!p1 $0x0  }
0x14: {  	s2 =	sld [smem:$0x3F96];
	s0 =	simm.s32 @p1 $0x1  }
0x15: {  	[smem:$0x3FB3] =	sst s0;
	s0 =	simm.s32 @!p2 $0x0  }
0x16: {  	s3 =	sld [smem:$0x3FDB];
	s0 =	simm.s32 @p2 $0x1  }
0x17: {  	s4 =	simm.s32 $0x1BF5;
	[smem:$0x3FB5] =	sst s0  }
0x18: {  	s0 =	sld [smem:$0x3F98];
	_ =	swait.ge [sflag:s4], $0x0  }
0x19: {  	s7 =	sld [smem:$0x3F99]  }
0x1a: {  	s8 =	sadd.s32 $0xFFFFE003, lr  }
0x1b: {  	s9 =	sadd.s32 $0xFFFFFEF7, lr;
	s5 =	simm.s32 $0xFFFFFFFF;
	p2 =	slt.u32 s8, $0xFFFFF086  }
0x1c: {  	p1 =	slt.u32 s9, $0xF7A;
	s5 =	simm.s32 @!p2 $0x0  }
0x1d: {  	s5 =	simm.s32 @p1 $0x1;
	p0 =	seq.s32 s7, s2  }
0x1e: {  	s7 =	smul.u32 @!p0 $0xF7A, s2;
	p2 =	seq.s32 @!p0 s5, $0x0  }
0x1f: {  	s9 =	smul.u32 $0xF7A, s1;
	s8 =	simm.s32 @!p0 $0x1BF5;
	p2 =	por !p2, p0  }
0x20: {  	[sflag:s8] =	ssyncset.s32 @!p0 $0xFFFFF086;
	s6 =	sadd.s32 @!p0 s3, s7;
	s7 =	simm.s32 @!p0 $0x108  }
0x21: {  	s3 =	sadd.s32 s3, s9;
	s6 =	sadd.s32 @!p0 $0x88, s6;
	s7 =	simm.s32 @p2 $0x1082  }
0x22: {  	[simem:s7], [sflag:s8] =	dma.local @!p0 [hbm:s6], $0xF7A  }
0x23: {  	s9 =	sor.u32 $0xD0000000, s2;
	s6 =	simm.s32 $0x108;
	_ =	swait.ge @!p0 [sflag:s8], $0x0  }
0x24: {  	s3 =	sadd.s32 $0x88, s3;
	s6 =	simm.s32 @!p1 $0x1082;
	[sflag:s4] =	ssyncset.s32 $0xFFFFF086  }
0x25: {  	[simem:s6], [sflag:s4] =	dma.local [hbm:s3], $0xF7A  }
0x26: {  	[smem:$0x3F99] =	sst s1;
	(tag) =	ssettag s2;
	_ =	strace s9  }
0x27: {  	s1 =	sld [smem:$0x3FA9]  }
0x28: {  	s2 =	sld [smem:$0x3FAA]  }
0x29: {  	s4 =	sld [smem:$0x3FAC]  }
0x2a: {  	p0 =	seq.s32 s5, $0x0;
	s5 =	sld [smem:$0x3FAD]  }
0x2b: {  	s6 =	sld [smem:$0x3FAE]  }
0x2c: {  	s7 =	sld [smem:$0x3FAF]  }
0x2d: {  	s3 =	simm.s32 $0x108;
	s8 =	sld [smem:$0x3FB0]  }
0x2e: {  	s3 =	simm.s32 @!p0 $0x1082;
	s9 =	sld [smem:$0x3FB1]  }
0x2f: {  	lr =	sadd.s32 s0, s3;
	s0 =	sld [smem:$0x3FA8]  }
0x30: {  	s3 =	sld [smem:$0x3FAB]  }
0x31: {  	[smem:$0x3FB4] =	sst s10  }
0x32: {  	s10 =	sld [smem:$0x3FB2];
	_ =	sdelay $0x3  }
0x33: {  	p0 =	seq.s32 s10, $0x1;
	s10 =	sld [smem:$0x3FB4];
	_ =	sdelay $0x3  }
0x34: {  	[smem:$0x3FB4] =	sst s10  }
0x35: {  	s10 =	sld [smem:$0x3FB3];
	_ =	sdelay $0x3  }
0x36: {  	p1 =	seq.s32 s10, $0x1;
	s10 =	sld [smem:$0x3FB4];
	_ =	sdelay $0x3  }
0x37: {  	[smem:$0x3FB4] =	sst s10  }
0x38: {  	s10 =	sld [smem:$0x3FB5]  }
0x39: {  	_ = 	snop;
	(pc) =	sbr.ind lr, $3  }
0x3a: {  	_ = 	snop  }
0x3b: {  	_ = 	snop  }
0x3c: {  	p2 =	seq.s32 s10, $0x1;
	s10 =	sld [smem:$0x3FB4]  }
0x3d: {  	_ =	shalt  }
0x3e: {  	_ =	shalt  }
0x3f: {  	_ =	shalt  }
0x40: {  	_ =	shalt  }
0x41: {  	_ =	shalt  }
0x42: {  	_ =	shalt  }
0x43: {  	_ =	shalt  }
0x44: {  	_ =	shalt  }
0x45: {  	_ =	shalt  }
0x46: {  	_ =	shalt  }
0x47: {  	_ =	shalt  }
0x48: {  	_ =	shalt  }
0x49: {  	_ =	shalt  }
0x4a: {  	_ =	shalt  }
0x4b: {  	_ =	shalt  }
0x4c: {  	_ =	shalt  }
0x4d: {  	_ =	shalt  }
0x4e: {  	_ =	shalt  }
0x4f: {  	_ =	shalt  }
0x50: {  	_ =	shalt  }
0x51: {  	_ =	shalt  }
0x52: {  	_ =	shalt  }
0x53: {  	_ =	shalt  }
0x54: {  	_ =	shalt  }
0x55: {  	_ =	shalt  }
0x56: {  	_ =	shalt  }
0x57: {  	_ =	shalt  }
0x58: {  	_ =	shalt  }
0x59: {  	_ =	shalt  }
0x5a: {  	_ =	shalt  }
0x5b: {  	_ =	shalt  }
0x5c: {  	_ =	shalt  }
0x5d: {  	_ =	shalt  }
0x5e: {  	_ =	shalt  }
0x5f: {  	_ =	shalt  }
0x60: {  	_ =	shalt  }
0x61: {  	_ =	shalt  }
0x62: {  	_ =	shalt  }
0x63: {  	_ =	shalt  }
0x64: {  	_ =	shalt  }
0x65: {  	_ =	shalt  }
0x66: {  	_ =	shalt  }
0x67: {  	_ =	shalt  }
0x68: {  	_ =	shalt  }
0x69: {  	_ =	shalt  }
0x6a: {  	_ =	shalt  }
0x6b: {  	_ =	shalt  }
0x6c: {  	_ =	shalt  }
0x6d: {  	_ =	shalt  }
0x6e: {  	_ =	shalt  }
0x6f: {  	_ =	shalt  }
0x70: {  	_ =	shalt  }
0x71: {  	_ =	shalt  }
0x72: {  	_ =	shalt  }
0x73: {  	_ =	shalt  }
0x74: {  	_ =	shalt  }
0x75: {  	_ =	shalt  }
0x76: {  	_ =	shalt  }
0x77: {  	_ =	shalt  }
0x78: {  	_ =	shalt  }
0x79: {  	_ =	shalt  }
0x7a: {  	_ =	shalt  }
0x7b: {  	_ =	shalt  }
0x7c: {  	_ =	shalt  }
0x7d: {  	_ =	shalt  }
0x7e: {  	_ =	shalt  }
0x7f: {  	_ =	shalt  }
0x80: {  	_ =	shalt  }
0x81: {  	_ =	shalt  }
0x82: {  	_ =	shalt  }
0x83: {  	_ =	shalt  }
0x84: {  	_ =	shalt  }
0x85: {  	_ =	shalt  }
0x86: {  	_ =	shalt  }
0x87: {  	_ =	shalt  }
.Lfunc_end0:
.L_simem_size_0:
called_computation_lowered:
.L_overlay_start_0:
0x88: {  	s2 =	sld [smem:$0x3FD9]  }
0x89: {  	s3 =	sld [smem:$0x3FFE];
	_ =	sdelay $0x1  }
0x8a: {  	s1 =	srdreg.scid  }
0x8b: {  	s0 =	sand.u32 $0x1, s1  }
0x8c: {  	s17 =	sshll.u32 s0, $0xA;
	s2 =	sadd.s32 s3, s2  }
0x8d: {  	s2 =	sadd.s32 s2, s17  }
0x8e: {  	[smem:$0x3FC0] =	sst s2  }
0x8f: {  	_ = 	snop  }
0x90: {  	s2 =	sld [smem:$0x3FD0];
	(tm) =	ssettm $0x1  }
0x91: {  	s18 =	sld [smem:$0x3FFB];
	_ =	sdelay $0x3  }
0x92: {  	_ =	strace s18  }
0x93: {  	s3 =	sld [smem:$0x3FFC];
	_ =	sdelay $0x3  }
0x94: {  	_ =	strace s3  }
0x95: {  	s3 =	sld [smem:$0x3FFD];
	_ =	sdelay $0x3  }
0x96: {  	_ =	strace s3  }
0x97: {  	_ =	strace $0x8FFFFFFF  }
0x98: {  	s19 =	sld [smem:$0x3FDB];
	_ =	sdelay $0x1  }
0x99: {  	s4 =	simm.s32 $_scs_section_size  }
0x9a: {  	s5 =	simm.s32 $_size__tile_overlayer_lowered;
	s6 =	simm.s32 $_tile_overlayer_lowered  }
0x9b: {  	s22 =	simm.s32 $0x1BFF;
	s21 =	sshll.u32 s6, $0x1;
	s3 =	sadd.s32 s4, s19  }
0x9c: {  	s7 =	simm.s32 $0x0;
	s20 =	sshll.u32 s5, $0x1;
	s5 =	sadd.s32 s21, s3  }
0x9d: {  	[timem:s7], [sflag:s22] =	dma.local [hbm:s5], s20  }
0x9e: {  	_ =	swait.ge [sflag:s22], s20  }
0x9f: {  	s4 =	ssub.s32 $0x0, s20;
	[sflag:s22] =	ssyncset.done $0x0  }
0xa0: {  	[sflag:s22] =	ssyncadd.s32 s4;
	_ =	sdelay $0x1  }
0xa1: {  	s23 =	simm.s32 $0x1B8B  }
0xa2: {  	_ =	swait.ge [sflag:s23], $0x1  }
0xa3: {  	[sflag:s23] =	ssyncset.done $0x0  }
0xa4: {  	s25 =	simm.s32 $0x1B8E;
	s24 =	sld [smem:$0x3FFE];
	[sflag:s23] =	ssyncadd.s32 $0xFFFFFFFF  }
0xa5: {  	s26 =	simm.s32 $execute0_lowered;
	[smem:$0x3FD2] =	sst s25  }
0xa6: {  	s5 =	sshll.u32 s26, $0x1;
	_ =	strace $0x80000046;
	[dreg:$0x1] =	wrdreg $0xFFFFFFFF  }
0xa7: {  	s28 =	simm.s32 $_size_execute0_lowered;
	s3 =	sadd.s32 s3, s5;
	[dreg:$0x0] =	wrdreg $0x0  }
0xa8: {  	s5 =	sshll.u32 s28, $0x1;
	[dreg:$0x2] =	wrdreg s3  }
0xa9: {  	[dreg:$0x3] =	wrdreg s5  }
0xaa: {  	[dreg:$0x4] =	wrdreg $0xC0  }
0xab: {  	_ =	task [dreg:s7], $0x5FFFF  }
0xac: {  	[dreg:$0x1] =	wrdreg $0xFFFFFFFF  }
0xad: {  	[dreg:$0x0] =	wrdreg $0x60  }
0xae: {  	[dreg:$0x2] =	wrdreg s2  }
0xaf: {  	[dreg:$0x3] =	wrdreg s24  }
0xb0: {  	[dreg:$0x4] =	wrdreg $0x9  }
0xb1: {  	_ =	task.clear_ibuf [dreg:s7], $0x5FFFF;
	_ =	strace $0x90000046  }
0xb2: {  	s29 =	simm.s32 $0x9;
	_ =	strace $0x80000048  }
0xb3: {  	_ =	swait.ge [sflag:s29], $0x1  }
0xb4: {  	[sflag:s29] =	ssyncadd.s32 $0xFFFFFFFF  }
0xb5: {  	_ =	strace $0x90000048  }
0xb6: {  	_ =	sfence  }
0xb7: {  	s30 =	sld [smem:$0x0];
	_ =	sdelay $0x2  }
0xb8: {  	s31 =	sshll.u32 s1, $0xD;
	s1 =	sshrl.u32 s1, $0x2  }
0xb9: {  	s3 =	sand.u32 $0x4000, s31;
	s1 =	sadd.s32 s1, s30  }
0xba: {  	s0 =	sor.u32 s3, s0;
	s1 =	sshll.u32 s1, $0x11  }
0xbb: {  	s0 =	sor.u32 s1, s0  }
0xbc: {  	s0 =	sadd.s32 $0x8F2B, s0  }
0xbd: {  	[sflag:s0] =	ssyncadd.remote.s32 $0x1  }
0xbe: {  	_ =	sfence.sel $0xFFFF  }
0xbf: {  	[dreg:$0x0] =	wrdreg $0xFFFFFFFF;
	(pc) =	sbr.abs _section_cstart, $3  }
0xc0: {  	[dreg:$0x1] =	wrdreg $0xFFFFFFFF  }
0xc1: {  	_ =	task.clear_ibuf [dreg:s7], $0x2FFFF;
	_ =	strace $0x9FFFFFFF  }
0xc2: {  	(tm) =	ssettm $0x7FFFFFFF  }
0xc3: {  	_ =	shalt  }
tec
execute0_lowered:
.L_overlay_start_1:
0x0: {  	(tag) =	ssettag $0x1  }
0x1: {  	s0 =	rddreg [dreg:$0x0]  }
0x2: {  	s1 =	rddreg [dreg:$0x1];
	s2 =	simm.s32 $0x0  }
0x3: {  	s3 =	srdreg.scid;
	s5 =	stileid.u32;
	s28 =	simm.s32 $0x2  }
0x4: {  	s29 =	simm.s32 $0x3;
	s31 =	simm.s32 $0x6800;
	s10 =	simm.s32 $0x380  }
0x5: {  	s11 =	simm.s32 $0xBA00;
	s12 =	simm.s32 $0x7;
	s13 =	simm.s32 $0x8  }
0x6: {  	[smem:$0x7FF] =	sst s2;
	s4 =	sand.u32 $0x1, s3;
	s6 =	sadd.s32 $0x15200, s1  }
0x7: {  	s7 =	sadd.s32 $0x1800, s1;
	_ =	strace $0x80000047;
	[dreg:$0x3] =	wrdreg s6  }
0x8: {  	s16 =	sshll.u32 s5, $0x1;
	s18 =	sadd.s32 $0x17200, s1;
	[dreg:$0x4] =	wrdreg s7  }
0x9: {  	s3 =	sadd.s32 $0xF43C00, s1;
	s5 =	sor.u32 s4, s16;
	[dreg:$0x5] =	wrdreg s18  }
0xa: {  	s4 =	ssub.s32 $0x2, s4;
	s16 =	sadd.s32 $0x80, s0;
	s17 =	sshll.u32 s5, $0x4  }
0xb: {  	s19 =	sshll.u32 s5, $0xA;
	s8 =	sshll.u32 s5, $0xC;
	s9 =	sshrl.u32 s4, $0x1  }
0xc: {  	s6 =	sadd.s32 s17, s1;
	s1 =	sadd.s32 s19, s1;
	s7 =	sadd.s32 s0, s8  }
0xd: {  	s4 =	ssub.s32 s4, s9;
	s8 =	sshll.u32 s5, $0x7;
	s20 =	sadd.s32 $0x20, s7  }
0xe: {  	s5 =	simm.s32 $0x8800;
	s21 =	sadd.s32 $0x40, s7;
	[dreg:$0x6] =	wrdreg s20  }
0xf: {  	s19 =	simm.s32 $0x4;
	s22 =	sadd.s32 $0x60, s7;
	[dreg:$0x7] =	wrdreg s21  }
0x10: {  	s9 =	simm.s32 $0x9A00;
	s23 =	sadd.s32 $0x17600, s6;
	[dreg:$0x8] =	wrdreg s22  }
0x11: {  	s0 =	simm.s32 $0x6;
	s24 =	sadd.s32 $0x17800, s6;
	[dreg:$0x9] =	wrdreg s23  }
0x12: {  	s25 =	sadd.s32 $0x17A00, s6;
	s26 =	sadd.s32 $0x17C00, s1;
	[dreg:$0xa] =	wrdreg s24  }
.Ltmp0:
0x13: {  	s30 =	sadd.s32 $0x1FC00, s1;
	[dreg:$0xb] =	wrdreg s25;
	(pc) =	sbr.rel .LBB2_1-.Ltmp0, $4  }
0x14: {  	s18 =	smax.u32 s4, $0x1;
	s1 =	simm.s32 $0x9;
	[dreg:$0xc] =	wrdreg s26  }
0x15: {  	s4 =	simm.s32 $0x280;
	s6 =	simm.s32 $0x5;
	[dreg:$0xd] =	wrdreg s30  }
0x16: {  	s20 =	simm.s32 $0x200;
	s21 =	simm.s32 $0x300;
	s22 =	simm.s32 $0x1  }
0x17: {  	s23 =	simm.s32 $0x80;
	s25 =	simm.s32 $0x48;
	s24 =	simm.s32 $0x0  }
.LBB2_14:
0x18: {  	s24 =	sadd.s32 $0x1, s24  }
0x19: {  	p0 =	sne.s32 s24, s18  }
.Ltmp1:
0x1a: {  	s14 =	rddreg [dreg:$0xd];
	s15 =	simm.s32 $0xCC00;
	(pc) =	sbr.rel @!p0 .LBB2_15-.Ltmp1, $4  }
0x1b: {  	[hbm4b:s14+s2] =	stream.linear.scatter [tilespmem:s15], [sflag:$0x9], $0x2000, $0x38;
	[tilespmem:$0x14D80] =	vst v63  }
0x1c: {  	_ =	swait.ge [sflag:s1], $0x2000  }
0x1d: {  	[sflag:s1] =	ssyncset.done $0x0  }
0x1e: {  	[sflag:s1] =	ssyncadd.s32 $0xFFFFE000  }
.LBB2_1:
0x1f: {  	[tilespmem:s2], [sflag:$0x1] =	stream.linear.gather [hbm4b:s7+s2], $0x100, $0x38;
	[tilespmem:$0x14D80] =	vst v63  }
0x20: {  	s14 =	rddreg [dreg:$0x6];
	s15 =	simm.s32 $0x100  }
0x21: {  	[tilespmem:s15], [sflag:$0x2] =	stream.linear.gather [hbm4b:s14+s2], $0x100, $0x38;
	[tilespmem:$0x14D80] =	vst v63  }
0x22: {  	s26 =	rddreg [dreg:$0x7]  }
0x23: {  	[tilespmem:s20], [sflag:$0x3] =	stream.linear.gather [hbm4b:s26+s2], $0x100, $0x38;
	[tilespmem:$0x14D80] =	vst v63  }
0x24: {  	s17 =	rddreg [dreg:$0x8]  }
0x25: {  	[tilespmem:s21], [sflag:$0x4] =	stream.linear.gather [hbm4b:s17+s2], $0x100, $0x38;
	[tilespmem:$0x14D80] =	vst v63  }
0x26: {  	_ =	swait.ge [sflag:s22], $0x100  }
0x27: {  	[sflag:s22] =	ssyncset.done $0x0  }
0x28: {  	s26 =	simm.s32 $0x400;
	[sflag:s22] =	ssyncadd.s32 $0xFFFFFF00  }
0x29: {  	[tilespmem:s26], [sflag:$0x5] =	stream.indirect.gather [hbm4b:s3+s23], $0x40, s2, s23, $0xb8;
	[tilespmem:$0x14D80] =	vst v63  }
0x2a: {  	s17 =	simm.s32 $0x2400  }
0x2b: {  	[tilespmem:s17], [sflag:$0x5] =	stream.indirect.gather [hbm4b:s3+s25], $0x40, s23, s25, $0xb8;
	[tilespmem:$0x14D80] =	vst v63  }
0x2c: {  	_ =	swait.ge [sflag:s28], $0x100  }
0x2d: {  	[sflag:s28] =	ssyncset.done $0x0  }
0x2e: {  	s26 =	simm.s32 $0x3600;
	[sflag:s28] =	ssyncadd.s32 $0xFFFFFF00  }
0x2f: {  	[tilespmem:s26], [sflag:$0x6] =	stream.indirect.gather [hbm4b:s3+s23], $0x40, s15, s23, $0xb8;
	[tilespmem:$0x14D80] =	vst v63  }
0x30: {  	s17 =	simm.s32 $0x180;
	s26 =	simm.s32 $0x5600  }
0x31: {  	[tilespmem:s26], [sflag:$0x6] =	stream.indirect.gather [hbm4b:s3+s25], $0x40, s17, s25, $0xb8;
	[tilespmem:$0x14D80] =	vst v63  }
0x32: {  	s15 =	simm.s32 $0xEC00;
	s17 =	rddreg [dreg:$0x9]  }
0x33: {  	[tilespmem:s15], [sflag:$0x9] =	stream.linear.gather [hbm4b:s17+s2], $0x80, $0x38;
	[tilespmem:$0x14D80] =	vst v63  }
0x34: {  	_ =	swait.ge [sflag:s1], $0x80  }
0x35: {  	[sflag:s1] =	ssyncset.done $0x0  }
0x36: {  	s17 =	simm.s32 $0xED80;
	s26 =	rddreg [dreg:$0x3];
	[sflag:s1] =	ssyncadd.s32 $0xFFFFFF80  }
0x37: {  	[tilespmem:s17], [sflag:$0x9] =	stream.indirect.gather [hbm4b:s26+s23], $0x40, s15, s23, $0xb8;
	[tilespmem:$0x14D80] =	vst v63  }
0x38: {  	_ =	swait.ge [sflag:s1], $0x2000  }
0x39: {  	[sflag:s1] =	ssyncset.done $0x0  }
0x3a: {  	s15 =	simm.s32 $0xEC80;
	s26 =	rddreg [dreg:$0xa];
	[sflag:s1] =	ssyncadd.s32 $0xFFFFE000  }
0x3b: {  	[tilespmem:s15], [sflag:$0x9] =	stream.linear.gather [hbm4b:s26+s2], $0x80, $0x38;
	[tilespmem:$0x14D80] =	vst v63  }
0x3c: {  	_ =	swait.ge [sflag:s1], $0x80  }
0x3d: {  	[sflag:s1] =	ssyncset.done $0x0  }
0x3e: {  	s26 =	simm.s32 $0x10D80;
	s17 =	rddreg [dreg:$0x4];
	[sflag:s1] =	ssyncadd.s32 $0xFFFFFF80  }
0x3f: {  	[tilespmem:s26], [sflag:$0x9] =	stream.indirect.gather [hbm4b:s17+s23], $0x40, s15, s23, $0xb8;
	[tilespmem:$0x14D80] =	vst v63  }
0x40: {  	_ =	swait.ge [sflag:s1], $0x2000  }
0x41: {  	[sflag:s1] =	ssyncset.done $0x0  }
0x42: {  	s15 =	simm.s32 $0xED00;
	s26 =	rddreg [dreg:$0xb];
	[sflag:s1] =	ssyncadd.s32 $0xFFFFE000  }
0x43: {  	[tilespmem:s15], [sflag:$0x9] =	stream.linear.gather [hbm4b:s26+s2], $0x80, $0x38;
	[tilespmem:$0x14D80] =	vst v63  }
0x44: {  	_ =	swait.ge [sflag:s1], $0x80  }
0x45: {  	[sflag:s1] =	ssyncset.done $0x0  }
0x46: {  	s26 =	simm.s32 $0x12D80;
	s17 =	rddreg [dreg:$0x5];
	[sflag:s1] =	ssyncadd.s32 $0xFFFFFF80  }
0x47: {  	[tilespmem:s26], [sflag:$0x9] =	stream.indirect.gather [hbm4b:s17+s23], $0x40, s15, s23, $0xb8;
	[tilespmem:$0x14D80] =	vst v63  }
0x48: {  	_ =	swait.ge [sflag:s1], $0x2000  }
0x49: {  	[sflag:s1] =	ssyncset.done $0x0  }
0x4a: {  	s15 =	simm.s32 $0xEE00;
	[sflag:s1] =	ssyncadd.s32 $0xFFFFE000  }
0x4b: {  	s14 =	simm.s32 $0x10E00;
	v0 =	vld [tilespmem:s15+$0xFFFFFF80]  }
0x4c: {  	v1 =	vld [tilespmem:s14+$0xFFFFFF80]  }
0x4d: {  	s26 =	simm.s32 $0x12E00  }
0x4e: {  	v2 =	vld [tilespmem:s26+$0xFFFFFF80];
	_ =	sdelay $0x2  }
0x4f: {  	v0 =	vadd.f32 v1, v0;
	_ =	sdelay $0x1  }
0x50: {  	v0 =	vadd.f32 v2, v0;
	_ =	sdelay $0x1  }
0x51: {  	[tilespmem:s15+$0xFFFFFF80] =	vst v0;
	v0 =	vld [tilespmem:s15+$0xFFFFFF90]  }
0x52: {  	v1 =	vld [tilespmem:s14+$0xFFFFFF90];
	_ =	sdelay $0x1  }
0x53: {  	v2 =	vld [tilespmem:s26+$0xFFFFFF90];
	_ =	sdelay $0x2  }
0x54: {  	v0 =	vadd.f32 v1, v0;
	_ =	sdelay $0x1  }
0x55: {  	v0 =	vadd.f32 v2, v0;
	_ =	sdelay $0x1  }
0x56: {  	[tilespmem:s15+$0xFFFFFF90] =	vst v0;
	v0 =	vld [tilespmem:s15+$0xFFFFFFA0]  }
0x57: {  	v1 =	vld [tilespmem:s14+$0xFFFFFFA0];
	_ =	sdelay $0x1  }
0x58: {  	v2 =	vld [tilespmem:s26+$0xFFFFFFA0];
	_ =	sdelay $0x2  }
0x59: {  	v0 =	vadd.f32 v1, v0;
	_ =	sdelay $0x1  }
0x5a: {  	v0 =	vadd.f32 v2, v0;
	_ =	sdelay $0x1  }
0x5b: {  	[tilespmem:s15+$0xFFFFFFA0] =	vst v0;
	v0 =	vld [tilespmem:s15+$0xFFFFFFB0]  }
0x5c: {  	v1 =	vld [tilespmem:s14+$0xFFFFFFB0];
	_ =	sdelay $0x1  }
0x5d: {  	v2 =	vld [tilespmem:s26+$0xFFFFFFB0];
	_ =	sdelay $0x2  }
0x5e: {  	v0 =	vadd.f32 v1, v0;
	_ =	sdelay $0x1  }
0x5f: {  	v0 =	vadd.f32 v2, v0;
	_ =	sdelay $0x1  }
0x60: {  	[tilespmem:s15+$0xFFFFFFB0] =	vst v0;
	v0 =	vld [tilespmem:s15+$0xFFFFFFC0]  }
0x61: {  	v1 =	vld [tilespmem:s14+$0xFFFFFFC0];
	_ =	sdelay $0x1  }
0x62: {  	v2 =	vld [tilespmem:s26+$0xFFFFFFC0];
	_ =	sdelay $0x2  }
0x63: {  	v0 =	vadd.f32 v1, v0;
	_ =	sdelay $0x1  }
0x64: {  	v0 =	vadd.f32 v2, v0;
	_ =	sdelay $0x1  }
0x65: {  	[tilespmem:s15+$0xFFFFFFC0] =	vst v0;
	v0 =	vld [tilespmem:s15+$0xFFFFFFD0]  }
0x66: {  	v1 =	vld [tilespmem:s14+$0xFFFFFFD0];
	_ =	sdelay $0x1  }
0x67: {  	v2 =	vld [tilespmem:s26+$0xFFFFFFD0];
	_ =	sdelay $0x2  }
0x68: {  	v0 =	vadd.f32 v1, v0;
	_ =	sdelay $0x1  }
0x69: {  	v0 =	vadd.f32 v2, v0;
	_ =	sdelay $0x1  }
0x6a: {  	[tilespmem:s15+$0xFFFFFFD0] =	vst v0;
	v0 =	vld [tilespmem:s15+$0xFFFFFFE0]  }
0x6b: {  	v1 =	vld [tilespmem:s14+$0xFFFFFFE0];
	_ =	sdelay $0x1  }
0x6c: {  	v2 =	vld [tilespmem:s26+$0xFFFFFFE0];
	_ =	sdelay $0x2  }
0x6d: {  	v0 =	vadd.f32 v1, v0;
	_ =	sdelay $0x1  }
0x6e: {  	v0 =	vadd.f32 v2, v0;
	_ =	sdelay $0x1  }
0x6f: {  	[tilespmem:s15+$0xFFFFFFE0] =	vst v0;
	v0 =	vld [tilespmem:s15+$0xFFFFFFF0]  }
0x70: {  	v1 =	vld [tilespmem:s14+$0xFFFFFFF0];
	_ =	sdelay $0x1  }
0x71: {  	v2 =	vld [tilespmem:s26+$0xFFFFFFF0];
	_ =	sdelay $0x2  }
0x72: {  	v0 =	vadd.f32 v1, v0;
	_ =	sdelay $0x1  }
0x73: {  	v0 =	vadd.f32 v2, v0;
	_ =	sdelay $0x1  }
0x74: {  	[tilespmem:s15+$0xFFFFFFF0] =	vst v0;
	v0 =	vld [tilespmem:s15+$0x0]  }
0x75: {  	v1 =	vld [tilespmem:s14+$0x0];
	_ =	sdelay $0x1  }
0x76: {  	v2 =	vld [tilespmem:s26+$0x0];
	_ =	sdelay $0x2  }
0x77: {  	v0 =	vadd.f32 v1, v0;
	_ =	sdelay $0x1  }
0x78: {  	v0 =	vadd.f32 v2, v0;
	_ =	sdelay $0x1  }
0x79: {  	[tilespmem:s15+$0x0] =	vst v0;
	v0 =	vld [tilespmem:s15+$0x10]  }
0x7a: {  	v1 =	vld [tilespmem:s14+$0x10];
	_ =	sdelay $0x1  }
0x7b: {  	v2 =	vld [tilespmem:s26+$0x10];
	_ =	sdelay $0x2  }
0x7c: {  	v0 =	vadd.f32 v1, v0;
	_ =	sdelay $0x1  }
0x7d: {  	v0 =	vadd.f32 v2, v0;
	_ =	sdelay $0x1  }
0x7e: {  	[tilespmem:s15+$0x10] =	vst v0;
	v0 =	vld [tilespmem:s15+$0x20]  }
0x7f: {  	v1 =	vld [tilespmem:s14+$0x20];
	_ =	sdelay $0x1  }
0x80: {  	v2 =	vld [tilespmem:s26+$0x20];
	_ =	sdelay $0x2  }
0x81: {  	v0 =	vadd.f32 v1, v0;
	_ =	sdelay $0x1  }
0x82: {  	v0 =	vadd.f32 v2, v0;
	_ =	sdelay $0x1  }
0x83: {  	[tilespmem:s15+$0x20] =	vst v0;
	v0 =	vld [tilespmem:s15+$0x30]  }
0x84: {  	v1 =	vld [tilespmem:s14+$0x30];
	_ =	sdelay $0x1  }
0x85: {  	v2 =	vld [tilespmem:s26+$0x30];
	_ =	sdelay $0x2  }
0x86: {  	v0 =	vadd.f32 v1, v0;
	_ =	sdelay $0x1  }
0x87: {  	v0 =	vadd.f32 v2, v0;
	_ =	sdelay $0x1  }
0x88: {  	[tilespmem:s15+$0x30] =	vst v0;
	v0 =	vld [tilespmem:s15+$0x40]  }
0x89: {  	v1 =	vld [tilespmem:s14+$0x40];
	_ =	sdelay $0x1  }
0x8a: {  	v2 =	vld [tilespmem:s26+$0x40];
	_ =	sdelay $0x2  }
0x8b: {  	v0 =	vadd.f32 v1, v0;
	_ =	sdelay $0x1  }
0x8c: {  	v0 =	vadd.f32 v2, v0;
	_ =	sdelay $0x1  }
0x8d: {  	[tilespmem:s15+$0x40] =	vst v0;
	v0 =	vld [tilespmem:s15+$0x50]  }
0x8e: {  	v1 =	vld [tilespmem:s14+$0x50];
	_ =	sdelay $0x1  }
0x8f: {  	v2 =	vld [tilespmem:s26+$0x50];
	_ =	sdelay $0x2  }
0x90: {  	v0 =	vadd.f32 v1, v0;
	_ =	sdelay $0x1  }
0x91: {  	v0 =	vadd.f32 v2, v0;
	_ =	sdelay $0x1  }
0x92: {  	[tilespmem:s15+$0x50] =	vst v0;
	v0 =	vld [tilespmem:s15+$0x60]  }
0x93: {  	v1 =	vld [tilespmem:s14+$0x60];
	_ =	sdelay $0x1  }
0x94: {  	v2 =	vld [tilespmem:s26+$0x60];
	_ =	sdelay $0x2  }
0x95: {  	v0 =	vadd.f32 v1, v0;
	_ =	sdelay $0x1  }
0x96: {  	v0 =	vadd.f32 v2, v0;
	_ =	sdelay $0x1  }
0x97: {  	[tilespmem:s15+$0x60] =	vst v0;
	v0 =	vld [tilespmem:s15+$0x70]  }
0x98: {  	v1 =	vld [tilespmem:s14+$0x70];
	_ =	sdelay $0x1  }
0x99: {  	v2 =	vld [tilespmem:s26+$0x70];
	_ =	sdelay $0x2  }
0x9a: {  	v0 =	vadd.f32 v1, v0;
	_ =	sdelay $0x1  }
0x9b: {  	v0 =	vadd.f32 v2, v0  }
0x9c: {  	s30 =	simm.s32 $0x0;
	s17 =	simm.s32 $0xEF00  }
.LBB2_2:
0x9d: {  	v1 =	vld [tilespmem:s17+$0xFFFFFF80];
	s30 =	sadd.s32 $0x4, s30;
	[tilespmem:s15+$0x70] =	vst v0;
	s14 =	sadd.s32 $0x100, s14;
	s26 =	sadd.s32 $0x100, s26  }
0x9e: {  	s15 =	smov.u32 s17;
	v0 =	vld [tilespmem:s14+$0xFFFFFF80];
	p0 =	slt.u32 s30, $0x7C;
	_ =	sdelay $0x1  }
0x9f: {  	v2 =	vld [tilespmem:s26+$0xFFFFFF80];
	_ =	sdelay $0x2  }
0xa0: {  	v0 =	vadd.f32 v0, v1;
	_ =	sdelay $0x1  }
0xa1: {  	v0 =	vadd.f32 v2, v0;
	_ =	sdelay $0x1  }
0xa2: {  	[tilespmem:s17+$0xFFFFFF80] =	vst v0;
	v0 =	vld [tilespmem:s17+$0xFFFFFF90]  }
0xa3: {  	v1 =	vld [tilespmem:s14+$0xFFFFFF90];
	_ =	sdelay $0x1  }
0xa4: {  	v2 =	vld [tilespmem:s26+$0xFFFFFF90];
	_ =	sdelay $0x2  }
0xa5: {  	v0 =	vadd.f32 v1, v0;
	_ =	sdelay $0x1  }
0xa6: {  	v0 =	vadd.f32 v2, v0;
	_ =	sdelay $0x1  }
0xa7: {  	[tilespmem:s17+$0xFFFFFF90] =	vst v0;
	v0 =	vld [tilespmem:s17+$0xFFFFFFA0]  }
0xa8: {  	v1 =	vld [tilespmem:s14+$0xFFFFFFA0];
	_ =	sdelay $0x1  }
0xa9: {  	v2 =	vld [tilespmem:s26+$0xFFFFFFA0];
	_ =	sdelay $0x2  }
0xaa: {  	v0 =	vadd.f32 v1, v0;
	_ =	sdelay $0x1  }
0xab: {  	v0 =	vadd.f32 v2, v0;
	_ =	sdelay $0x1  }
0xac: {  	[tilespmem:s17+$0xFFFFFFA0] =	vst v0;
	v0 =	vld [tilespmem:s17+$0xFFFFFFB0]  }
0xad: {  	v1 =	vld [tilespmem:s14+$0xFFFFFFB0];
	_ =	sdelay $0x1  }
0xae: {  	v2 =	vld [tilespmem:s26+$0xFFFFFFB0];
	_ =	sdelay $0x2  }
0xaf: {  	v0 =	vadd.f32 v1, v0;
	_ =	sdelay $0x1  }
0xb0: {  	v0 =	vadd.f32 v2, v0;
	_ =	sdelay $0x1  }
0xb1: {  	[tilespmem:s17+$0xFFFFFFB0] =	vst v0;
	v0 =	vld [tilespmem:s17+$0xFFFFFFC0]  }
0xb2: {  	v1 =	vld [tilespmem:s14+$0xFFFFFFC0];
	_ =	sdelay $0x1  }
0xb3: {  	v2 =	vld [tilespmem:s26+$0xFFFFFFC0];
	_ =	sdelay $0x2  }
0xb4: {  	v0 =	vadd.f32 v1, v0;
	_ =	sdelay $0x1  }
0xb5: {  	v0 =	vadd.f32 v2, v0;
	_ =	sdelay $0x1  }
0xb6: {  	[tilespmem:s17+$0xFFFFFFC0] =	vst v0;
	v0 =	vld [tilespmem:s17+$0xFFFFFFD0]  }
0xb7: {  	v1 =	vld [tilespmem:s14+$0xFFFFFFD0];
	_ =	sdelay $0x1  }
0xb8: {  	v2 =	vld [tilespmem:s26+$0xFFFFFFD0];
	_ =	sdelay $0x2  }
0xb9: {  	v0 =	vadd.f32 v1, v0;
	_ =	sdelay $0x1  }
0xba: {  	v0 =	vadd.f32 v2, v0;
	_ =	sdelay $0x1  }
0xbb: {  	[tilespmem:s17+$0xFFFFFFD0] =	vst v0;
	v0 =	vld [tilespmem:s17+$0xFFFFFFE0]  }
0xbc: {  	v1 =	vld [tilespmem:s14+$0xFFFFFFE0];
	_ =	sdelay $0x1  }
0xbd: {  	v2 =	vld [tilespmem:s26+$0xFFFFFFE0];
	_ =	sdelay $0x2  }
0xbe: {  	v0 =	vadd.f32 v1, v0;
	_ =	sdelay $0x1  }
0xbf: {  	v0 =	vadd.f32 v2, v0;
	_ =	sdelay $0x1  }
0xc0: {  	[tilespmem:s17+$0xFFFFFFE0] =	vst v0;
	v0 =	vld [tilespmem:s17+$0xFFFFFFF0]  }
0xc1: {  	v1 =	vld [tilespmem:s14+$0xFFFFFFF0];
	_ =	sdelay $0x1  }
0xc2: {  	v2 =	vld [tilespmem:s26+$0xFFFFFFF0];
	_ =	sdelay $0x2  }
0xc3: {  	v0 =	vadd.f32 v1, v0;
	_ =	sdelay $0x1  }
0xc4: {  	v0 =	vadd.f32 v2, v0;
	_ =	sdelay $0x1  }
0xc5: {  	[tilespmem:s17+$0xFFFFFFF0] =	vst v0;
	v0 =	vld [tilespmem:s17+$0x0]  }
0xc6: {  	v1 =	vld [tilespmem:s14+$0x0];
	_ =	sdelay $0x1  }
0xc7: {  	v2 =	vld [tilespmem:s26+$0x0];
	_ =	sdelay $0x2  }
0xc8: {  	v0 =	vadd.f32 v1, v0;
	_ =	sdelay $0x1  }
0xc9: {  	v0 =	vadd.f32 v2, v0;
	_ =	sdelay $0x1  }
0xca: {  	[tilespmem:s17+$0x0] =	vst v0;
	v0 =	vld [tilespmem:s17+$0x10]  }
0xcb: {  	v1 =	vld [tilespmem:s14+$0x10]  }
0xcc: {  	v2 =	vld [tilespmem:s26+$0x10];
	_ =	sdelay $0x3  }
0xcd: {  	v0 =	vadd.f32 v1, v0;
	_ =	sdelay $0x1  }
0xce: {  	v0 =	vadd.f32 v2, v0;
	_ =	sdelay $0x1  }
0xcf: {  	[tilespmem:s17+$0x10] =	vst v0;
	v0 =	vld [tilespmem:s17+$0x20]  }
0xd0: {  	v1 =	vld [tilespmem:s14+$0x20]  }
0xd1: {  	v2 =	vld [tilespmem:s26+$0x20];
	_ =	sdelay $0x3  }
0xd2: {  	v0 =	vadd.f32 v1, v0;
	_ =	sdelay $0x1  }
0xd3: {  	v0 =	vadd.f32 v2, v0;
	_ =	sdelay $0x1  }
0xd4: {  	[tilespmem:s17+$0x20] =	vst v0;
	v0 =	vld [tilespmem:s17+$0x30]  }
0xd5: {  	v1 =	vld [tilespmem:s14+$0x30]  }
0xd6: {  	v2 =	vld [tilespmem:s26+$0x30];
	_ =	sdelay $0x3  }
0xd7: {  	v0 =	vadd.f32 v1, v0;
	_ =	sdelay $0x1  }
0xd8: {  	v0 =	vadd.f32 v2, v0;
	_ =	sdelay $0x1  }
0xd9: {  	[tilespmem:s17+$0x30] =	vst v0;
	v0 =	vld [tilespmem:s17+$0x40]  }
0xda: {  	v1 =	vld [tilespmem:s14+$0x40]  }
0xdb: {  	v2 =	vld [tilespmem:s26+$0x40];
	_ =	sdelay $0x3  }
0xdc: {  	v0 =	vadd.f32 v1, v0;
	_ =	sdelay $0x1  }
0xdd: {  	v0 =	vadd.f32 v2, v0;
	_ =	sdelay $0x1  }
0xde: {  	[tilespmem:s17+$0x40] =	vst v0;
	v0 =	vld [tilespmem:s17+$0x50]  }
0xdf: {  	v1 =	vld [tilespmem:s14+$0x50]  }
0xe0: {  	v2 =	vld [tilespmem:s26+$0x50];
	_ =	sdelay $0x3  }
0xe1: {  	v0 =	vadd.f32 v1, v0;
	_ =	sdelay $0x1  }
0xe2: {  	v0 =	vadd.f32 v2, v0;
	_ =	sdelay $0x1  }
0xe3: {  	[tilespmem:s17+$0x50] =	vst v0;
	v0 =	vld [tilespmem:s17+$0x60]  }
0xe4: {  	v1 =	vld [tilespmem:s14+$0x60]  }
0xe5: {  	v2 =	vld [tilespmem:s26+$0x60];
	_ =	sdelay $0x3  }
0xe6: {  	v0 =	vadd.f32 v1, v0;
	_ =	sdelay $0x1  }
0xe7: {  	v0 =	vadd.f32 v2, v0;
	_ =	sdelay $0x1  }
0xe8: {  	[tilespmem:s17+$0x60] =	vst v0;
	v0 =	vld [tilespmem:s17+$0x70]  }
0xe9: {  	v1 =	vld [tilespmem:s14+$0x70]  }
0xea: {  	v2 =	vld [tilespmem:s26+$0x70];
	_ =	sdelay $0x2  }
.Ltmp2:
0xeb: {  	(pc) =	sbr.rel @p0 .LBB2_2-.Ltmp2, $3  }
0xec: {  	v0 =	vadd.f32 v1, v0;
	_ =	sdelay $0x1  }
0xed: {  	v0 =	vadd.f32 v2, v0  }
0xee: {  	s17 =	sadd.s32 $0x100, s17  }
0xef: {  	[tilespmem:s15+$0x70] =	vst v0;
	s14 =	simm.s32 $0x0;
	s30 =	rddreg [dreg:$0xc];
	s17 =	simm.s32 $0xED80  }
0xf0: {  	[hbm4b:s30+s14] =	stream.linear.scatter [tilespmem:s17], [sflag:$0x9], $0x2000, $0x38;
	[tilespmem:$0x14D80] =	vst v63  }
0xf1: {  	_ =	swait.ge [sflag:s1], $0x2000  }
0xf2: {  	[sflag:s1] =	ssyncset.done $0x0  }
0xf3: {  	[sflag:s1] =	ssyncadd.s32 $0xFFFFE000  }
.LBB2_4:
0xf4: {  	_ =	swait.ge [sflag:s29], $0x100  }
0xf5: {  	[sflag:s29] =	ssyncset.done $0x0  }
0xf6: {  	[sflag:s29] =	ssyncadd.s32 $0xFFFFFF00  }
0xf7: {  	[tilespmem:s31], [sflag:$0x7] =	stream.indirect.gather [hbm4b:s3+s23], $0x40, s20, s23, $0xb8;
	[tilespmem:$0x14D80] =	vst v63  }
0xf8: {  	_ = 	snop  }
0xf9: {  	[tilespmem:s5], [sflag:$0x7] =	stream.indirect.gather [hbm4b:s3+s25], $0x40, s4, s25, $0xb8;
	[tilespmem:$0x14D80] =	vst v63  }
0xfa: {  	_ =	swait.ge [sflag:s6], $0x2000  }
0xfb: {  	[sflag:s6] =	ssyncset.done $0x0  }
0xfc: {  	[sflag:s6] =	ssyncadd.s32 $0xFFFFE000  }
0xfd: {  	_ =	swait.ge [sflag:s6], $0x1200  }
0xfe: {  	[sflag:s6] =	ssyncset.done $0x0  }
0xff: {  	s17 =	simm.s32 $0x500;
	[sflag:s6] =	ssyncadd.s32 $0xFFFFEE00  }
0x100: {  	v0 =	vld [tilespmem:s17+$0xC0]  }
0x101: {  	v1 =	vld [tilespmem:s17+$0xD0]  }
0x102: {  	v2 =	vld [tilespmem:s17+$0x80]  }
0x103: {  	v3 =	vld [tilespmem:s17+$0x90]  }
0x104: {  	v9 =	vld [tilespmem:s17+$0x40]  }
0x105: {  	v12 =	vld [tilespmem:s17+$0x50]  }
0x106: {  	v6 =	vld [tilespmem:s17+$0x0]  }
0x107: {  	v8 =	vld [tilespmem:s17+$0x10]  }
0x108: {  	v5 =	vld [tilespmem:s17+$0xFFFFFFC0]  }
0x109: {  	v7 =	vld [tilespmem:s17+$0xFFFFFFD0]  }
0x10a: {  	v4 =	vld [tilespmem:s17+$0xFFFFFF80]  }
0x10b: {  	v10 =	vld [tilespmem:s17+$0xFFFFFF90]  }
0x10c: {  	v11 =	vld [tilespmem:s17+$0xFFFFFF40]  }
0x10d: {  	v13 =	vld [tilespmem:s17+$0xFFFFFF50]  }
0x10e: {  	v14 =	vld [tilespmem:s17+$0xFFFFFF00]  }
0x10f: {  	v15 =	vld [tilespmem:s17+$0xFFFFFF10]  }
0x110: {  	v16 =	vld [tilespmem:s17+$0xFFFFFF20]  }
0x111: {  	v17 =	vld [tilespmem:s17+$0xFFFFFF30]  }
0x112: {  	v18 =	vld [tilespmem:s17+$0xFFFFFF60]  }
0x113: {  	v19 =	vld [tilespmem:s17+$0xFFFFFF70]  }
0x114: {  	v20 =	vimm.f32 $0.0e+00;
	v21 =	vld [tilespmem:s17+$0xFFFFFFA0]  }
0x115: {  	v22 =	vld [tilespmem:s17+$0xFFFFFFB0];
	v14 =	vadd.f32 v14, v20;
	v15 =	vadd.f32 v15, v20  }
0x116: {  	v59 =	vld [tilespmem:s17+$0xFFFFFFE0];
	v16 =	vadd.f32 v16, v20;
	v17 =	vadd.f32 v17, v20  }
0x117: {  	v11 =	vadd.f32 v11, v14;
	v13 =	vadd.f32 v13, v15;
	v14 =	vld [tilespmem:s17+$0xFFFFFFF0]  }
0x118: {  	v61 =	vld [tilespmem:s17+$0x20];
	v15 =	vadd.f32 v18, v16;
	v60 =	vadd.f32 v19, v17  }
0x119: {  	v11 =	vadd.f32 v4, v11;
	v10 =	vadd.f32 v10, v13;
	v13 =	vld [tilespmem:s17+$0x30]  }
0x11a: {  	v15 =	vadd.f32 v21, v15;
	v16 =	vadd.f32 v22, v60;
	v4 =	vld [tilespmem:s17+$0x60]  }
0x11b: {  	v11 =	vadd.f32 v5, v11;
	v10 =	vadd.f32 v7, v10;
	v7 =	vld [tilespmem:s17+$0x70]  }
0x11c: {  	v15 =	vadd.f32 v59, v15;
	v5 =	vld [tilespmem:s17+$0xA0];
	v14 =	vadd.f32 v14, v16  }
0x11d: {  	v62 =	vadd.f32 v6, v11;
	v63 =	vadd.f32 v8, v10;
	v8 =	vld [tilespmem:s17+$0xB0]  }
0x11e: {  	v11 =	vadd.f32 v61, v15;
	v6 =	vld [tilespmem:s17+$0xE0];
	v10 =	vadd.f32 v13, v14  }
0x11f: {  	s15 =	simm.s32 $0x0;
	v13 =	vadd.f32 v9, v62;
	v12 =	vadd.f32 v12, v63;
	v9 =	vld [tilespmem:s17+$0xF0];
	s17 =	simm.s32 $0x700  }
.LBB2_5:
0x120: {  	v14 =	vld [tilespmem:s17+$0xC0];
	v4 =	vadd.f32 v4, v11;
	v7 =	vadd.f32 v7, v10  }
0x121: {  	v10 =	vld [tilespmem:s17+$0xD0];
	v11 =	vadd.f32 v2, v13;
	v12 =	vadd.f32 v3, v12  }
0x122: {  	v2 =	vld [tilespmem:s17+$0x80];
	v4 =	vadd.f32 v5, v4;
	v5 =	vadd.f32 v8, v7  }
0x123: {  	v3 =	vld [tilespmem:s17+$0x90];
	v7 =	vadd.f32 v0, v11;
	v8 =	vadd.f32 v1, v12  }
0x124: {  	v12 =	vld [tilespmem:s17+$0x40];
	v4 =	vadd.f32 v6, v4;
	v5 =	vadd.f32 v9, v5  }
0x125: {  	v9 =	vld [tilespmem:s17+$0x50];
	v0 =	vmov v14  }
0x126: {  	v6 =	vld [tilespmem:s17+$0x0];
	v1 =	vmov v10  }
0x127: {  	v10 =	vld [tilespmem:s17+$0x10]  }
0x128: {  	v11 =	vld [tilespmem:s17+$0xFFFFFFC0]  }
0x129: {  	v13 =	vld [tilespmem:s17+$0xFFFFFFD0]  }
0x12a: {  	v14 =	vld [tilespmem:s17+$0xFFFFFF80]  }
0x12b: {  	v15 =	vld [tilespmem:s17+$0xFFFFFF90]  }
0x12c: {  	v16 =	vld [tilespmem:s17+$0xFFFFFF40]  }
0x12d: {  	v17 =	vld [tilespmem:s17+$0xFFFFFF50]  }
0x12e: {  	v18 =	vld [tilespmem:s17+$0xFFFFFF00]  }
0x12f: {  	v19 =	vld [tilespmem:s17+$0xFFFFFF10]  }
0x130: {  	v20 =	vld [tilespmem:s17+$0xFFFFFF20]  }
0x131: {  	s15 =	sadd.s32 $0x8, s15;
	v21 =	vld [tilespmem:s17+$0xFFFFFF30]  }
0x132: {  	p0 =	slt.u32 s15, $0xC0;
	v22 =	vld [tilespmem:s17+$0xFFFFFF60]  }
0x133: {  	v23 =	vld [tilespmem:s17+$0xFFFFFF70]  }
0x134: {  	v24 =	vld [tilespmem:s17+$0xFFFFFFA0]  }
0x135: {  	v7 =	vadd.f32 v18, v7;
	v8 =	vadd.f32 v19, v8;
	v18 =	vld [tilespmem:s17+$0xFFFFFFB0]  }
0x136: {  	v4 =	vadd.f32 v20, v4;
	v5 =	vadd.f32 v21, v5;
	v19 =	vld [tilespmem:s17+$0xFFFFFFE0]  }
0x137: {  	v7 =	vadd.f32 v16, v7;
	v8 =	vadd.f32 v17, v8;
	v16 =	vld [tilespmem:s17+$0xFFFFFFF0]  }
0x138: {  	v4 =	vadd.f32 v22, v4;
	v5 =	vadd.f32 v23, v5;
	v17 =	vld [tilespmem:s17+$0x20]  }
0x139: {  	v7 =	vadd.f32 v14, v7;
	v8 =	vadd.f32 v15, v8;
	v14 =	vld [tilespmem:s17+$0x30]  }
0x13a: {  	v15 =	vadd.f32 v24, v4;
	v5 =	vadd.f32 v18, v5;
	v4 =	vld [tilespmem:s17+$0x60]  }
.Ltmp3:
0x13b: {  	v11 =	vadd.f32 v11, v7;
	v8 =	vadd.f32 v13, v8;
	v7 =	vld [tilespmem:s17+$0x70];
	(pc) =	sbr.rel @p0 .LBB2_5-.Ltmp3, $4  }
0x13c: {  	v13 =	vadd.f32 v19, v15;
	v15 =	vadd.f32 v16, v5;
	v5 =	vld [tilespmem:s17+$0xA0]  }
0x13d: {  	v16 =	vadd.f32 v6, v11;
	v18 =	vadd.f32 v10, v8;
	v8 =	vld [tilespmem:s17+$0xB0]  }
0x13e: {  	v11 =	vadd.f32 v17, v13;
	v10 =	vadd.f32 v14, v15;
	v6 =	vld [tilespmem:s17+$0xE0]  }
0x13f: {  	v13 =	vadd.f32 v12, v16;
	v12 =	vadd.f32 v9, v18;
	v9 =	vld [tilespmem:s17+$0xF0];
	s17 =	sadd.s32 $0x200, s17  }
0x140: {  	_ = 	snop  }
0x141: {  	v4 =	vadd.f32 v4, v11;
	v2 =	vadd.f32 v2, v13  }
0x142: {  	v7 =	vadd.f32 v7, v10;
	v3 =	vadd.f32 v3, v12  }
0x143: {  	s15 =	sshll.u32 s14, $0x8;
	v4 =	vadd.f32 v5, v4;
	v0 =	vadd.f32 v0, v2  }
0x144: {  	s15 =	sand.u32 $0x3FFFFF00, s15;
	v2 =	vadd.f32 v8, v7;
	v1 =	vadd.f32 v1, v3  }
0x145: {  	s26 =	sshll.u32 s14, $0x2;
	p0 =	seq.s32 s14, $0x1F;
	v3 =	vadd.f32 v6, v4;
	[tilespmem:s15+$0xCC00] =	vst v0  }
0x146: {  	s17 =	sadd.s32 @!p0 s8, s26;
	v0 =	vadd.f32 v9, v2;
	[tilespmem:s15+$0xCC10] =	vst v1  }
0x147: {  	s17 =	sshll.u32 @!p0 s17, $0x5;
	[tilespmem:s15+$0xCC20] =	vst v3  }
0x148: {  	[tilespmem:s15+$0xCC30] =	vst v0;
	s15 =	sadd.s32 @!p0 s17, s16;
	s17 =	simm.s32 @!p0 $0x0  }
0x149: {  	[tilespmem:s17], [sflag:$0x1] =	stream.linear.gather @!p0 [hbm4b:s15+s17], $0x100, $0x38;
	[tilespmem:$0x14D80] =	vst v63  }
0x14a: {  	_ =	swait.ge [sflag:s19], $0x100  }
0x14b: {  	[sflag:s19] =	ssyncset.done $0x0  }
0x14c: {  	[sflag:s19] =	ssyncadd.s32 $0xFFFFFF00  }
0x14d: {  	[tilespmem:s9], [sflag:$0x8] =	stream.indirect.gather [hbm4b:s3+s23], $0x40, s21, s23, $0xb8;
	[tilespmem:$0x14D80] =	vst v63  }
0x14e: {  	_ = 	snop  }
0x14f: {  	[tilespmem:s11], [sflag:$0x8] =	stream.indirect.gather [hbm4b:s3+s25], $0x40, s10, s25, $0xb8;
	[tilespmem:$0x14D80] =	vst v63  }
0x150: {  	_ =	swait.ge [sflag:s0], $0x2000  }
0x151: {  	[sflag:s0] =	ssyncset.done $0x0  }
0x152: {  	[sflag:s0] =	ssyncadd.s32 $0xFFFFE000  }
0x153: {  	_ =	swait.ge [sflag:s0], $0x1200  }
0x154: {  	[sflag:s0] =	ssyncset.done $0x0  }
0x155: {  	s30 =	simm.s32 $0x37F0;
	[sflag:s0] =	ssyncadd.s32 $0xFFFFEE00  }
0x156: {  	v0 =	vld [tilespmem:s30+$0xFFFFFFD0]  }
0x157: {  	v1 =	vld [tilespmem:s30+$0xFFFFFFE0]  }
0x158: {  	v2 =	vld [tilespmem:s30+$0xFFFFFF90]  }
0x159: {  	v3 =	vld [tilespmem:s30+$0xFFFFFFA0]  }
0x15a: {  	v9 =	vld [tilespmem:s30+$0xFFFFFF50]  }
0x15b: {  	v12 =	vld [tilespmem:s30+$0xFFFFFF60]  }
0x15c: {  	v6 =	vld [tilespmem:s30+$0xFFFFFF10]  }
0x15d: {  	v8 =	vld [tilespmem:s30+$0xFFFFFF20]  }
0x15e: {  	v5 =	vld [tilespmem:s30+$0xFFFFFED0]  }
0x15f: {  	v7 =	vld [tilespmem:s30+$0xFFFFFEE0]  }
0x160: {  	v4 =	vld [tilespmem:s30+$0xFFFFFE90]  }
0x161: {  	v10 =	vld [tilespmem:s30+$0xFFFFFEA0]  }
0x162: {  	v11 =	vld [tilespmem:s30+$0xFFFFFE50]  }
0x163: {  	v13 =	vld [tilespmem:s30+$0xFFFFFE60]  }
0x164: {  	v14 =	vld [tilespmem:s30+$0xFFFFFE10]  }
0x165: {  	v15 =	vld [tilespmem:s30+$0xFFFFFE20]  }
0x166: {  	v16 =	vld [tilespmem:s30+$0xFFFFFE30]  }
0x167: {  	v17 =	vld [tilespmem:s30+$0xFFFFFE40]  }
0x168: {  	v18 =	vld [tilespmem:s30+$0xFFFFFE70]  }
0x169: {  	v19 =	vld [tilespmem:s30+$0xFFFFFE80]  }
0x16a: {  	v20 =	vimm.f32 $0.0e+00;
	v21 =	vld [tilespmem:s30+$0xFFFFFEB0]  }
0x16b: {  	v22 =	vld [tilespmem:s30+$0xFFFFFEC0];
	v14 =	vadd.f32 v14, v20;
	v15 =	vadd.f32 v15, v20  }
0x16c: {  	v59 =	vld [tilespmem:s30+$0xFFFFFEF0];
	v16 =	vadd.f32 v16, v20;
	v17 =	vadd.f32 v17, v20  }
0x16d: {  	v11 =	vadd.f32 v11, v14;
	v13 =	vadd.f32 v13, v15;
	v14 =	vld [tilespmem:s30+$0xFFFFFF00]  }
0x16e: {  	v61 =	vld [tilespmem:s30+$0xFFFFFF30];
	v15 =	vadd.f32 v18, v16;
	v60 =	vadd.f32 v19, v17  }
0x16f: {  	v11 =	vadd.f32 v4, v11;
	v10 =	vadd.f32 v10, v13;
	v13 =	vld [tilespmem:s30+$0xFFFFFF40]  }
0x170: {  	v15 =	vadd.f32 v21, v15;
	v16 =	vadd.f32 v22, v60;
	v4 =	vld [tilespmem:s30+$0xFFFFFF70]  }
0x171: {  	v11 =	vadd.f32 v5, v11;
	v10 =	vadd.f32 v7, v10;
	v7 =	vld [tilespmem:s30+$0xFFFFFF80]  }
0x172: {  	v15 =	vadd.f32 v59, v15;
	v5 =	vld [tilespmem:s30+$0xFFFFFFB0];
	v14 =	vadd.f32 v14, v16  }
0x173: {  	v62 =	vadd.f32 v6, v11;
	v63 =	vadd.f32 v8, v10;
	v8 =	vld [tilespmem:s30+$0xFFFFFFC0]  }
0x174: {  	v11 =	vadd.f32 v61, v15;
	v6 =	vld [tilespmem:s30+$0xFFFFFFF0];
	v10 =	vadd.f32 v13, v14  }
0x175: {  	s15 =	simm.s32 $0x0;
	s17 =	simm.s32 $0x39F0;
	v13 =	vadd.f32 v9, v62;
	v12 =	vadd.f32 v12, v63;
	v9 =	vld [tilespmem:s30+$0x0]  }
.LBB2_7:
0x176: {  	v14 =	vld [tilespmem:s17+$0xFFFFFFD0];
	v4 =	vadd.f32 v4, v11;
	v7 =	vadd.f32 v7, v10  }
0x177: {  	v10 =	vld [tilespmem:s17+$0xFFFFFFE0];
	v11 =	vadd.f32 v2, v13;
	v12 =	vadd.f32 v3, v12  }
0x178: {  	v2 =	vld [tilespmem:s17+$0xFFFFFF90];
	v4 =	vadd.f32 v5, v4;
	v5 =	vadd.f32 v8, v7  }
0x179: {  	v3 =	vld [tilespmem:s17+$0xFFFFFFA0];
	v7 =	vadd.f32 v0, v11;
	v8 =	vadd.f32 v1, v12  }
0x17a: {  	v12 =	vld [tilespmem:s17+$0xFFFFFF50];
	v4 =	vadd.f32 v6, v4;
	v5 =	vadd.f32 v9, v5  }
0x17b: {  	v9 =	vld [tilespmem:s17+$0xFFFFFF60];
	v0 =	vmov v14  }
0x17c: {  	v6 =	vld [tilespmem:s17+$0xFFFFFF10];
	v1 =	vmov v10  }
0x17d: {  	v10 =	vld [tilespmem:s17+$0xFFFFFF20]  }
0x17e: {  	v11 =	vld [tilespmem:s17+$0xFFFFFED0]  }
0x17f: {  	v13 =	vld [tilespmem:s17+$0xFFFFFEE0]  }
0x180: {  	v14 =	vld [tilespmem:s17+$0xFFFFFE90]  }
0x181: {  	v15 =	vld [tilespmem:s17+$0xFFFFFEA0]  }
0x182: {  	v16 =	vld [tilespmem:s17+$0xFFFFFE50]  }
0x183: {  	v17 =	vld [tilespmem:s17+$0xFFFFFE60]  }
0x184: {  	v18 =	vld [tilespmem:s17+$0xFFFFFE10]  }
0x185: {  	v19 =	vld [tilespmem:s17+$0xFFFFFE20]  }
0x186: {  	v20 =	vld [tilespmem:s17+$0xFFFFFE30]  }
0x187: {  	s15 =	sadd.s32 $0x8, s15;
	v21 =	vld [tilespmem:s17+$0xFFFFFE40]  }
0x188: {  	p1 =	slt.u32 s15, $0xC0;
	v22 =	vld [tilespmem:s17+$0xFFFFFE70]  }
0x189: {  	v23 =	vld [tilespmem:s17+$0xFFFFFE80]  }
0x18a: {  	v24 =	vld [tilespmem:s17+$0xFFFFFEB0]  }
0x18b: {  	v7 =	vadd.f32 v18, v7;
	v8 =	vadd.f32 v19, v8;
	v18 =	vld [tilespmem:s17+$0xFFFFFEC0]  }
0x18c: {  	v4 =	vadd.f32 v20, v4;
	v5 =	vadd.f32 v21, v5;
	v19 =	vld [tilespmem:s17+$0xFFFFFEF0]  }
0x18d: {  	v7 =	vadd.f32 v16, v7;
	v8 =	vadd.f32 v17, v8;
	v16 =	vld [tilespmem:s17+$0xFFFFFF00]  }
0x18e: {  	v4 =	vadd.f32 v22, v4;
	v5 =	vadd.f32 v23, v5;
	v17 =	vld [tilespmem:s17+$0xFFFFFF30]  }
0x18f: {  	v7 =	vadd.f32 v14, v7;
	v8 =	vadd.f32 v15, v8;
	v14 =	vld [tilespmem:s17+$0xFFFFFF40]  }
0x190: {  	v15 =	vadd.f32 v24, v4;
	v5 =	vadd.f32 v18, v5;
	v4 =	vld [tilespmem:s17+$0xFFFFFF70]  }
.Ltmp4:
0x191: {  	v11 =	vadd.f32 v11, v7;
	v8 =	vadd.f32 v13, v8;
	v7 =	vld [tilespmem:s17+$0xFFFFFF80];
	(pc) =	sbr.rel @p1 .LBB2_7-.Ltmp4, $4  }
0x192: {  	v13 =	vadd.f32 v19, v15;
	v15 =	vadd.f32 v16, v5;
	v5 =	vld [tilespmem:s17+$0xFFFFFFB0]  }
0x193: {  	v16 =	vadd.f32 v6, v11;
	v18 =	vadd.f32 v10, v8;
	v8 =	vld [tilespmem:s17+$0xFFFFFFC0]  }
0x194: {  	v11 =	vadd.f32 v17, v13;
	v10 =	vadd.f32 v14, v15;
	v6 =	vld [tilespmem:s17+$0xFFFFFFF0]  }
0x195: {  	v13 =	vadd.f32 v12, v16;
	v12 =	vadd.f32 v9, v18;
	v9 =	vld [tilespmem:s17+$0x0];
	s17 =	sadd.s32 $0x200, s17  }
0x196: {  	_ = 	snop  }
0x197: {  	v4 =	vadd.f32 v4, v11;
	v2 =	vadd.f32 v2, v13  }
0x198: {  	v7 =	vadd.f32 v7, v10;
	s15 =	sor.u32 $0x1, s26;
	v3 =	vadd.f32 v3, v12  }
0x199: {  	s17 =	sshll.u32 s15, $0x6;
	v4 =	vadd.f32 v5, v4;
	v0 =	vadd.f32 v0, v2  }
0x19a: {  	s17 =	sand.u32 $0x3FFFFFC0, s17;
	v2 =	vadd.f32 v8, v7;
	v1 =	vadd.f32 v1, v3  }
0x19b: {  	v3 =	vadd.f32 v6, v4;
	[tilespmem:s17+$0xCC00] =	vst v0  }
0x19c: {  	s15 =	sadd.s32 @!p0 s8, s15;
	v0 =	vadd.f32 v9, v2;
	[tilespmem:s17+$0xCC10] =	vst v1  }
0x19d: {  	s15 =	sshll.u32 @!p0 s15, $0x5;
	[tilespmem:s17+$0xCC20] =	vst v3  }
0x19e: {  	s30 =	simm.s32 @!p0 $0x100;
	s15 =	sadd.s32 @!p0 s15, s16;
	[tilespmem:s17+$0xCC30] =	vst v0;
	s17 =	simm.s32 @!p0 $0x0  }
0x19f: {  	[tilespmem:s30], [sflag:$0x2] =	stream.linear.gather @!p0 [hbm4b:s15+s17], $0x100, $0x38;
	[tilespmem:$0x14D80] =	vst v63  }
0x1a0: {  	s15 =	simm.s32 @!p0 $0x1  }
0x1a1: {  	_ =	swait.ge @!p0 [sflag:s15], $0x100  }
0x1a2: {  	[sflag:s15] =	ssyncset.done @!p0 $0x0  }
0x1a3: {  	s30 =	simm.s32 @!p0 $0x400;
	[sflag:s15] =	ssyncadd.s32 @!p0 $0xFFFFFF00;
	s15 =	simm.s32 @!p0 $0x80  }
0x1a4: {  	[tilespmem:s30], [sflag:$0x5] =	stream.indirect.gather @!p0 [hbm4b:s3+s15], $0x40, s17, s15, $0xb8;
	[tilespmem:$0x14D80] =	vst v63  }
0x1a5: {  	s17 =	simm.s32 @!p0 $0x48;
	s30 =	simm.s32 @!p0 $0x2400  }
0x1a6: {  	[tilespmem:s30], [sflag:$0x5] =	stream.indirect.gather @!p0 [hbm4b:s3+s17], $0x40, s15, s17, $0xb8;
	[tilespmem:$0x14D80] =	vst v63  }
0x1a7: {  	_ =	swait.ge [sflag:s12], $0x2000  }
0x1a8: {  	[sflag:s12] =	ssyncset.done $0x0  }
0x1a9: {  	[sflag:s12] =	ssyncadd.s32 $0xFFFFE000  }
0x1aa: {  	_ =	swait.ge [sflag:s12], $0x1200  }
0x1ab: {  	[sflag:s12] =	ssyncset.done $0x0  }
0x1ac: {  	s30 =	simm.s32 $0x6800;
	[sflag:s12] =	ssyncadd.s32 $0xFFFFEE00  }
0x1ad: {  	v0 =	vld [tilespmem:s30+$0x1C0]  }
0x1ae: {  	v1 =	vld [tilespmem:s30+$0x1D0]  }
0x1af: {  	v2 =	vld [tilespmem:s30+$0x180]  }
0x1b0: {  	v3 =	vld [tilespmem:s30+$0x190]  }
0x1b1: {  	v9 =	vld [tilespmem:s30+$0x140]  }
0x1b2: {  	v12 =	vld [tilespmem:s30+$0x150]  }
0x1b3: {  	v6 =	vld [tilespmem:s30+$0x100]  }
0x1b4: {  	v8 =	vld [tilespmem:s30+$0x110]  }
0x1b5: {  	v5 =	vld [tilespmem:s30+$0xC0]  }
0x1b6: {  	v7 =	vld [tilespmem:s30+$0xD0]  }
0x1b7: {  	v4 =	vld [tilespmem:s30+$0x80]  }
0x1b8: {  	v10 =	vld [tilespmem:s30+$0x90]  }
0x1b9: {  	v11 =	vld [tilespmem:s30+$0x40]  }
0x1ba: {  	v13 =	vld [tilespmem:s30+$0x50]  }
0x1bb: {  	v14 =	vld [tilespmem:s30+$0x0]  }
0x1bc: {  	v15 =	vld [tilespmem:s30+$0x10]  }
0x1bd: {  	v16 =	vld [tilespmem:s30+$0x20]  }
0x1be: {  	v17 =	vld [tilespmem:s30+$0x30]  }
0x1bf: {  	v18 =	vld [tilespmem:s30+$0x60]  }
0x1c0: {  	v19 =	vld [tilespmem:s30+$0x70]  }
0x1c1: {  	v20 =	vimm.f32 $0.0e+00;
	v21 =	vld [tilespmem:s30+$0xA0]  }
0x1c2: {  	v22 =	vld [tilespmem:s30+$0xB0];
	v14 =	vadd.f32 v14, v20;
	v15 =	vadd.f32 v15, v20  }
0x1c3: {  	v59 =	vld [tilespmem:s30+$0xE0];
	v16 =	vadd.f32 v16, v20;
	v17 =	vadd.f32 v17, v20  }
0x1c4: {  	v11 =	vadd.f32 v11, v14;
	v13 =	vadd.f32 v13, v15;
	v14 =	vld [tilespmem:s30+$0xF0]  }
0x1c5: {  	v61 =	vld [tilespmem:s30+$0x120];
	v15 =	vadd.f32 v18, v16;
	v60 =	vadd.f32 v19, v17  }
0x1c6: {  	v11 =	vadd.f32 v4, v11;
	v10 =	vadd.f32 v10, v13;
	v13 =	vld [tilespmem:s30+$0x130]  }
0x1c7: {  	v15 =	vadd.f32 v21, v15;
	v16 =	vadd.f32 v22, v60;
	v4 =	vld [tilespmem:s30+$0x160]  }
0x1c8: {  	v11 =	vadd.f32 v5, v11;
	v10 =	vadd.f32 v7, v10;
	v7 =	vld [tilespmem:s30+$0x170]  }
0x1c9: {  	v15 =	vadd.f32 v59, v15;
	v5 =	vld [tilespmem:s30+$0x1A0];
	v14 =	vadd.f32 v14, v16  }
0x1ca: {  	v62 =	vadd.f32 v6, v11;
	v63 =	vadd.f32 v8, v10;
	v8 =	vld [tilespmem:s30+$0x1B0]  }
0x1cb: {  	s15 =	sor.u32 @!p0 $0x2, s26;
	v11 =	vadd.f32 v61, v15;
	v6 =	vld [tilespmem:s30+$0x1E0];
	v10 =	vadd.f32 v13, v14  }
0x1cc: {  	s17 =	simm.s32 $0x0;
	s15 =	simm.s32 @p0 $0x7E;
	v13 =	vadd.f32 v9, v62;
	v12 =	vadd.f32 v12, v63;
	v9 =	vld [tilespmem:s30+$0x1F0];
	s30 =	simm.s32 $0x6A00  }
.LBB2_9:
0x1cd: {  	v14 =	vld [tilespmem:s30+$0x1C0];
	v4 =	vadd.f32 v4, v11;
	v7 =	vadd.f32 v7, v10  }
0x1ce: {  	v10 =	vld [tilespmem:s30+$0x1D0];
	v11 =	vadd.f32 v2, v13;
	v12 =	vadd.f32 v3, v12  }
0x1cf: {  	v2 =	vld [tilespmem:s30+$0x180];
	v4 =	vadd.f32 v5, v4;
	v5 =	vadd.f32 v8, v7  }
0x1d0: {  	v3 =	vld [tilespmem:s30+$0x190];
	v7 =	vadd.f32 v0, v11;
	v8 =	vadd.f32 v1, v12  }
0x1d1: {  	v12 =	vld [tilespmem:s30+$0x140];
	v4 =	vadd.f32 v6, v4;
	v5 =	vadd.f32 v9, v5  }
0x1d2: {  	v9 =	vld [tilespmem:s30+$0x150];
	v0 =	vmov v14  }
0x1d3: {  	v6 =	vld [tilespmem:s30+$0x100];
	v1 =	vmov v10  }
0x1d4: {  	v10 =	vld [tilespmem:s30+$0x110]  }
0x1d5: {  	v11 =	vld [tilespmem:s30+$0xC0]  }
0x1d6: {  	v13 =	vld [tilespmem:s30+$0xD0]  }
0x1d7: {  	v14 =	vld [tilespmem:s30+$0x80]  }
0x1d8: {  	v15 =	vld [tilespmem:s30+$0x90]  }
0x1d9: {  	v16 =	vld [tilespmem:s30+$0x40]  }
0x1da: {  	v17 =	vld [tilespmem:s30+$0x50]  }
0x1db: {  	v18 =	vld [tilespmem:s30+$0x0]  }
0x1dc: {  	v19 =	vld [tilespmem:s30+$0x10]  }
0x1dd: {  	v20 =	vld [tilespmem:s30+$0x20]  }
0x1de: {  	s17 =	sadd.s32 $0x8, s17;
	v21 =	vld [tilespmem:s30+$0x30]  }
0x1df: {  	p1 =	slt.u32 s17, $0xC0;
	v22 =	vld [tilespmem:s30+$0x60]  }
0x1e0: {  	v23 =	vld [tilespmem:s30+$0x70]  }
0x1e1: {  	v24 =	vld [tilespmem:s30+$0xA0]  }
0x1e2: {  	v7 =	vadd.f32 v18, v7;
	v8 =	vadd.f32 v19, v8;
	v18 =	vld [tilespmem:s30+$0xB0]  }
0x1e3: {  	v4 =	vadd.f32 v20, v4;
	v5 =	vadd.f32 v21, v5;
	v19 =	vld [tilespmem:s30+$0xE0]  }
0x1e4: {  	v7 =	vadd.f32 v16, v7;
	v8 =	vadd.f32 v17, v8;
	v16 =	vld [tilespmem:s30+$0xF0]  }
0x1e5: {  	v4 =	vadd.f32 v22, v4;
	v5 =	vadd.f32 v23, v5;
	v17 =	vld [tilespmem:s30+$0x120]  }
0x1e6: {  	v7 =	vadd.f32 v14, v7;
	v8 =	vadd.f32 v15, v8;
	v14 =	vld [tilespmem:s30+$0x130]  }
0x1e7: {  	v15 =	vadd.f32 v24, v4;
	v5 =	vadd.f32 v18, v5;
	v4 =	vld [tilespmem:s30+$0x160]  }
.Ltmp5:
0x1e8: {  	v11 =	vadd.f32 v11, v7;
	v8 =	vadd.f32 v13, v8;
	v7 =	vld [tilespmem:s30+$0x170];
	(pc) =	sbr.rel @p1 .LBB2_9-.Ltmp5, $4  }
0x1e9: {  	v13 =	vadd.f32 v19, v15;
	v15 =	vadd.f32 v16, v5;
	v5 =	vld [tilespmem:s30+$0x1A0]  }
0x1ea: {  	v16 =	vadd.f32 v6, v11;
	v18 =	vadd.f32 v10, v8;
	v8 =	vld [tilespmem:s30+$0x1B0]  }
0x1eb: {  	v11 =	vadd.f32 v17, v13;
	v10 =	vadd.f32 v14, v15;
	v6 =	vld [tilespmem:s30+$0x1E0]  }
0x1ec: {  	v13 =	vadd.f32 v12, v16;
	v12 =	vadd.f32 v9, v18;
	v9 =	vld [tilespmem:s30+$0x1F0];
	s30 =	sadd.s32 $0x200, s30  }
0x1ed: {  	_ = 	snop  }
0x1ee: {  	v4 =	vadd.f32 v4, v11;
	v2 =	vadd.f32 v2, v13  }
0x1ef: {  	v7 =	vadd.f32 v7, v10;
	v3 =	vadd.f32 v3, v12  }
0x1f0: {  	s17 =	sshll.u32 s15, $0x8;
	v4 =	vadd.f32 v5, v4;
	v0 =	vadd.f32 v0, v2  }
0x1f1: {  	s17 =	sshra.s32 s17, $0x2;
	v2 =	vadd.f32 v8, v7;
	v1 =	vadd.f32 v1, v3  }
0x1f2: {  	v3 =	vadd.f32 v6, v4;
	[tilespmem:s17+$0xCC00] =	vst v0  }
0x1f3: {  	s15 =	sadd.s32 @!p0 s8, s15;
	v0 =	vadd.f32 v9, v2;
	[tilespmem:s17+$0xCC10] =	vst v1  }
0x1f4: {  	s15 =	sshll.u32 @!p0 s15, $0x5;
	[tilespmem:s17+$0xCC20] =	vst v3  }
0x1f5: {  	s30 =	simm.s32 @!p0 $0x200;
	s15 =	sadd.s32 @!p0 s15, s16;
	[tilespmem:s17+$0xCC30] =	vst v0;
	s17 =	simm.s32 @!p0 $0x0  }
0x1f6: {  	[tilespmem:s30], [sflag:$0x3] =	stream.linear.gather @!p0 [hbm4b:s15+s17], $0x100, $0x38;
	[tilespmem:$0x14D80] =	vst v63  }
0x1f7: {  	s15 =	simm.s32 @!p0 $0x2  }
0x1f8: {  	_ =	swait.ge @!p0 [sflag:s15], $0x100  }
0x1f9: {  	s17 =	simm.s32 @!p0 $0x100;
	[sflag:s15] =	ssyncset.done @!p0 $0x0  }
0x1fa: {  	s30 =	simm.s32 @!p0 $0x3600;
	[sflag:s15] =	ssyncadd.s32 @!p0 $0xFFFFFF00;
	s15 =	simm.s32 @!p0 $0x80  }
0x1fb: {  	[tilespmem:s30], [sflag:$0x6] =	stream.indirect.gather @!p0 [hbm4b:s3+s15], $0x40, s17, s15, $0xb8;
	[tilespmem:$0x14D80] =	vst v63  }
0x1fc: {  	s15 =	simm.s32 @!p0 $0x48;
	s17 =	simm.s32 @!p0 $0x180;
	s30 =	simm.s32 @!p0 $0x5600  }
0x1fd: {  	[tilespmem:s30], [sflag:$0x6] =	stream.indirect.gather @!p0 [hbm4b:s3+s15], $0x40, s17, s15, $0xb8;
	[tilespmem:$0x14D80] =	vst v63  }
0x1fe: {  	_ =	swait.ge [sflag:s13], $0x2000  }
0x1ff: {  	[sflag:s13] =	ssyncset.done $0x0  }
0x200: {  	[sflag:s13] =	ssyncadd.s32 $0xFFFFE000  }
0x201: {  	_ =	swait.ge [sflag:s13], $0x1200  }
0x202: {  	[sflag:s13] =	ssyncset.done $0x0  }
0x203: {  	s30 =	simm.s32 $0x9A00;
	[sflag:s13] =	ssyncadd.s32 $0xFFFFEE00  }
0x204: {  	v0 =	vld [tilespmem:s30+$0x1C0]  }
0x205: {  	v1 =	vld [tilespmem:s30+$0x1D0]  }
0x206: {  	v2 =	vld [tilespmem:s30+$0x180]  }
0x207: {  	v3 =	vld [tilespmem:s30+$0x190]  }
0x208: {  	v9 =	vld [tilespmem:s30+$0x140]  }
0x209: {  	v12 =	vld [tilespmem:s30+$0x150]  }
0x20a: {  	v6 =	vld [tilespmem:s30+$0x100]  }
0x20b: {  	v8 =	vld [tilespmem:s30+$0x110]  }
0x20c: {  	v5 =	vld [tilespmem:s30+$0xC0]  }
0x20d: {  	v7 =	vld [tilespmem:s30+$0xD0]  }
0x20e: {  	v4 =	vld [tilespmem:s30+$0x80]  }
0x20f: {  	v10 =	vld [tilespmem:s30+$0x90]  }
0x210: {  	v11 =	vld [tilespmem:s30+$0x40]  }
0x211: {  	v13 =	vld [tilespmem:s30+$0x50]  }
0x212: {  	v14 =	vld [tilespmem:s30+$0x0]  }
0x213: {  	v15 =	vld [tilespmem:s30+$0x10]  }
0x214: {  	v16 =	vld [tilespmem:s30+$0x20]  }
0x215: {  	v17 =	vld [tilespmem:s30+$0x30]  }
0x216: {  	v18 =	vld [tilespmem:s30+$0x60]  }
0x217: {  	v19 =	vld [tilespmem:s30+$0x70]  }
0x218: {  	v20 =	vimm.f32 $0.0e+00;
	v21 =	vld [tilespmem:s30+$0xA0]  }
0x219: {  	v22 =	vld [tilespmem:s30+$0xB0];
	v14 =	vadd.f32 v14, v20;
	v15 =	vadd.f32 v15, v20  }
0x21a: {  	v59 =	vld [tilespmem:s30+$0xE0];
	v16 =	vadd.f32 v16, v20;
	v17 =	vadd.f32 v17, v20  }
0x21b: {  	v11 =	vadd.f32 v11, v14;
	v13 =	vadd.f32 v13, v15;
	v14 =	vld [tilespmem:s30+$0xF0]  }
0x21c: {  	v61 =	vld [tilespmem:s30+$0x120];
	v15 =	vadd.f32 v18, v16;
	v60 =	vadd.f32 v19, v17  }
0x21d: {  	v11 =	vadd.f32 v4, v11;
	v10 =	vadd.f32 v10, v13;
	v13 =	vld [tilespmem:s30+$0x130]  }
0x21e: {  	v15 =	vadd.f32 v21, v15;
	v16 =	vadd.f32 v22, v60;
	v4 =	vld [tilespmem:s30+$0x160]  }
0x21f: {  	v11 =	vadd.f32 v5, v11;
	v10 =	vadd.f32 v7, v10;
	v7 =	vld [tilespmem:s30+$0x170]  }
0x220: {  	v15 =	vadd.f32 v59, v15;
	v5 =	vld [tilespmem:s30+$0x1A0];
	v14 =	vadd.f32 v14, v16  }
0x221: {  	v62 =	vadd.f32 v6, v11;
	v63 =	vadd.f32 v8, v10;
	v8 =	vld [tilespmem:s30+$0x1B0]  }
0x222: {  	s15 =	sor.u32 @!p0 $0x3, s26;
	v11 =	vadd.f32 v61, v15;
	v6 =	vld [tilespmem:s30+$0x1E0];
	v10 =	vadd.f32 v13, v14  }
0x223: {  	s17 =	simm.s32 $0x0;
	s26 =	simm.s32 $0x9C00;
	s15 =	simm.s32 @p0 $0x7F;
	v13 =	vadd.f32 v9, v62;
	v12 =	vadd.f32 v12, v63;
	v9 =	vld [tilespmem:s30+$0x1F0]  }
.LBB2_11:
0x224: {  	v14 =	vld [tilespmem:s26+$0x1C0];
	v4 =	vadd.f32 v4, v11;
	v7 =	vadd.f32 v7, v10  }
0x225: {  	v10 =	vld [tilespmem:s26+$0x1D0];
	v11 =	vadd.f32 v2, v13;
	v12 =	vadd.f32 v3, v12  }
0x226: {  	v2 =	vld [tilespmem:s26+$0x180];
	v4 =	vadd.f32 v5, v4;
	v5 =	vadd.f32 v8, v7  }
0x227: {  	v3 =	vld [tilespmem:s26+$0x190];
	v7 =	vadd.f32 v0, v11;
	v8 =	vadd.f32 v1, v12  }
0x228: {  	v12 =	vld [tilespmem:s26+$0x140];
	v4 =	vadd.f32 v6, v4;
	v5 =	vadd.f32 v9, v5  }
0x229: {  	v9 =	vld [tilespmem:s26+$0x150];
	v0 =	vmov v14  }
0x22a: {  	v6 =	vld [tilespmem:s26+$0x100];
	v1 =	vmov v10  }
0x22b: {  	v10 =	vld [tilespmem:s26+$0x110]  }
0x22c: {  	v11 =	vld [tilespmem:s26+$0xC0]  }
0x22d: {  	v13 =	vld [tilespmem:s26+$0xD0]  }
0x22e: {  	v14 =	vld [tilespmem:s26+$0x80]  }
0x22f: {  	v15 =	vld [tilespmem:s26+$0x90]  }
0x230: {  	v16 =	vld [tilespmem:s26+$0x40]  }
0x231: {  	v17 =	vld [tilespmem:s26+$0x50]  }
0x232: {  	v18 =	vld [tilespmem:s26+$0x0]  }
0x233: {  	v19 =	vld [tilespmem:s26+$0x10]  }
0x234: {  	v20 =	vld [tilespmem:s26+$0x20]  }
0x235: {  	s17 =	sadd.s32 $0x8, s17;
	v21 =	vld [tilespmem:s26+$0x30]  }
0x236: {  	p1 =	slt.u32 s17, $0xC0;
	v22 =	vld [tilespmem:s26+$0x60]  }
0x237: {  	v23 =	vld [tilespmem:s26+$0x70]  }
0x238: {  	v24 =	vld [tilespmem:s26+$0xA0]  }
0x239: {  	v7 =	vadd.f32 v18, v7;
	v8 =	vadd.f32 v19, v8;
	v18 =	vld [tilespmem:s26+$0xB0]  }
0x23a: {  	v4 =	vadd.f32 v20, v4;
	v5 =	vadd.f32 v21, v5;
	v19 =	vld [tilespmem:s26+$0xE0]  }
0x23b: {  	v7 =	vadd.f32 v16, v7;
	v8 =	vadd.f32 v17, v8;
	v16 =	vld [tilespmem:s26+$0xF0]  }
0x23c: {  	v4 =	vadd.f32 v22, v4;
	v5 =	vadd.f32 v23, v5;
	v17 =	vld [tilespmem:s26+$0x120]  }
0x23d: {  	v7 =	vadd.f32 v14, v7;
	v8 =	vadd.f32 v15, v8;
	v14 =	vld [tilespmem:s26+$0x130]  }
0x23e: {  	v15 =	vadd.f32 v24, v4;
	v5 =	vadd.f32 v18, v5;
	v4 =	vld [tilespmem:s26+$0x160]  }
.Ltmp6:
0x23f: {  	v11 =	vadd.f32 v11, v7;
	v8 =	vadd.f32 v13, v8;
	v7 =	vld [tilespmem:s26+$0x170];
	(pc) =	sbr.rel @p1 .LBB2_11-.Ltmp6, $4  }
0x240: {  	v13 =	vadd.f32 v19, v15;
	v15 =	vadd.f32 v16, v5;
	v5 =	vld [tilespmem:s26+$0x1A0]  }
0x241: {  	v16 =	vadd.f32 v6, v11;
	v18 =	vadd.f32 v10, v8;
	v8 =	vld [tilespmem:s26+$0x1B0]  }
0x242: {  	v11 =	vadd.f32 v17, v13;
	v10 =	vadd.f32 v14, v15;
	v6 =	vld [tilespmem:s26+$0x1E0]  }
0x243: {  	v13 =	vadd.f32 v12, v16;
	v12 =	vadd.f32 v9, v18;
	v9 =	vld [tilespmem:s26+$0x1F0];
	s26 =	sadd.s32 $0x200, s26  }
0x244: {  	_ = 	snop  }
0x245: {  	v4 =	vadd.f32 v4, v11;
	v2 =	vadd.f32 v2, v13  }
0x246: {  	v7 =	vadd.f32 v7, v10;
	v3 =	vadd.f32 v3, v12  }
0x247: {  	s17 =	sshll.u32 s15, $0x8;
	v4 =	vadd.f32 v5, v4;
	v0 =	vadd.f32 v0, v2  }
.Ltmp7:
0x248: {  	s17 =	sshra.s32 s17, $0x2;
	v61 =	vadd.f32 v8, v7;
	v1 =	vadd.f32 v1, v3;
	(pc) =	sbr.rel @p0 .LBB2_14-.Ltmp7, $4  }
0x249: {  	v62 =	vadd.f32 v6, v4;
	[tilespmem:s17+$0xCC00] =	vst v0  }
0x24a: {  	v63 =	vadd.f32 v9, v61;
	[tilespmem:s17+$0xCC10] =	vst v1  }
0x24b: {  	[tilespmem:s17+$0xCC20] =	vst v62  }
0x24c: {  	[tilespmem:s17+$0xCC30] =	vst v63  }
.Ltmp8:
0x24d: {  	(pc) =	sbr.rel .LBB2_4-.Ltmp8, $4  }
0x24e: {  	s15 =	sadd.s32 s8, s15  }
0x24f: {  	s15 =	sshll.u32 s15, $0x5  }
0x250: {  	s14 =	sadd.s32 $0x1, s14;
	s15 =	sadd.s32 s15, s16  }
0x251: {  	[tilespmem:s21], [sflag:$0x4] =	stream.linear.gather [hbm4b:s15+s2], $0x100, $0x38;
	[tilespmem:$0x14D80] =	vst v63  }
.LBB2_15:
0x252: {  	_ =	sfence.sel $0x180000  }
0x253: {  	[bflag:$0x0] =	sbarrier.arrive $0xFFFF  }
0x254: {  	_ =	strace $0x90000047  }
0x255: {  	s0 =	stileid.u32;
	[bflag:$0x2] =	sbarrier.arrive $0xFFFF  }
0x256: {  	p0 =	sne.s32 s0, $0x0;
	s0 =	rddreg [dreg:$0x2]  }
0x257: {  	s0 =	sadd.s32 @!p0 $0x100000, s0  }
0x258: {  	[sflag:s0] =	ssyncadd.tile.s32 @!p0 $0x1;
	_ =	shalt  }
.Lfunc_end2:
_tile_overlayer_lowered:
.L_overlay_start_2:
0x259: {  	(tag) =	ssettag $0x2  }
0x25a: {  	s0 =	rddreg [dreg:$0x0];
	s2 =	stileid.u32  }
0x25b: {  	s1 =	rddreg [dreg:$0x1];
	p0 =	sne.s32 s2, $0x0  }
0x25c: {  	s3 =	rddreg [dreg:$0x2];
	[bflag:$0x3] =	sbarrier.arrive $0xFFFF;
	s2 =	simm.s32 @!p0 $0x1C09  }
0x25d: {  	[timem:s3], [sflag:s2] =	dma.local @!p0 [hbm:s0], s1  }
0x25e: {  	s0 =	simm.s32 @!p0 $0x9  }
0x25f: {  	_ =	swait.ge @!p0 [sflag:s0], s1  }
0x260: {  	s1 =	ssub.s32 @!p0 $0x0, s1;
	[sflag:s0] =	ssyncset.done @!p0 $0x0  }
0x261: {  	[sflag:s0] =	ssyncadd.s32 @!p0 s1  }
0x262: {  	[bflag:$0x3] =	sbarrier.arrive $0xFFFF  }
0x263: {  	_ =	shalt  }

</sc_bundles>
